<compile_context>
chip_gen: v7x
topology: tpu7x:2x2x1
jax: 0.10.2.dev20260603
libtpu: 0.0.44.dev20260713+nightly
codegen_flags: <defaults>
</compile_context>

<pallas_src>
import functools

import jax
import jax.numpy as jnp
from jax import lax
from jax.experimental import pallas as pl
from jax.experimental.pallas import tpu as pltpu
from jax.experimental.pallas import tpu_sc as plsc

N = 10000
D = 128
E = 320000
NC = 2
NS = 16
NW = NC * NS
LANES = 16
NPAD = 10240
NROW = NPAD // 128
EW = E // NW
CH = 80
NCH = EW // CH
VR = EW // LANES
ARS = NPAD // NS
SEG = NPAD // NS

_mesh = plsc.VectorSubcoreMesh(core_axis_name="c", subcore_axis_name="s")


def _zero_flat(ref, n):
    zero16 = jnp.zeros((LANES,), jnp.float32)

    @pl.loop(0, n // LANES)
    def _(i):
        ref[pl.ds(i * LANES, LANES)] = zero16


def _zero_rows(ref, nrows, width):
    zero16 = jnp.zeros((LANES,), jnp.float32)

    @pl.loop(0, nrows)
    def _(r):
        for k in range(width // LANES):
            ref[r, pl.ds(k * LANES, LANES)] = zero16


def _reduce_hist(hist_v, stage_sh, buf_v, out_v, out_hbm, c, s):
    pltpu.sync_copy(hist_v, stage_sh.at[pl.ds(s * NPAD, NPAD)])
    plsc.subcore_barrier()
    for r in range(NS):
        pltpu.sync_copy(stage_sh.at[pl.ds(r * NPAD + s * SEG, SEG)],
                        buf_v.at[pl.ds(r * SEG, SEG)])

    @pl.loop(0, SEG // LANES)
    def _(g):
        acc = buf_v[pl.ds(g * LANES, LANES)]
        for r in range(1, NS):
            acc = acc + buf_v[pl.ds(r * SEG + g * LANES, LANES)]
        out_v[pl.ds(g * LANES, LANES)] = acc

    pltpu.sync_copy(out_v, out_hbm.at[c, pl.ds(s * SEG, SEG)])


@functools.partial(
    pl.kernel,
    out_type=jax.ShapeDtypeStruct((NC, NPAD), jnp.float32),
    mesh=_mesh,
    compiler_params=pltpu.CompilerParams(needs_layout_passes=False),
    scratch_types=[
        pltpu.VMEM((EW,), jnp.int32),
        pltpu.VMEM((NPAD,), jnp.float32),
        pltpu.VMEM((NS * SEG,), jnp.float32),
        pltpu.VMEM((SEG,), jnp.float32),
        pltpu.VMEM_SHARED((NS * NPAD,), jnp.float32),
    ],
)
def _deg_kernel(dst_hbm, out_hbm, dst_v, hist_v, buf_v, out_v, stage_sh):
    c = lax.axis_index("c")
    s = lax.axis_index("s")
    wid = c * NS + s
    pltpu.sync_copy(dst_hbm.at[wid], dst_v)
    _zero_flat(hist_v, NPAD)
    ones16 = jnp.ones((LANES,), jnp.float32)

    @pl.loop(0, VR)
    def _(j):
        d16 = dst_v[pl.ds(j * LANES, LANES)]
        plsc.addupdate_scatter(hist_v, [d16], ones16)

    _reduce_hist(hist_v, stage_sh, buf_v, out_v, out_hbm, c, s)


@functools.partial(
    pl.kernel,
    out_type=jax.ShapeDtypeStruct((NC, NPAD, D), jnp.float32),
    mesh=_mesh,
    compiler_params=pltpu.CompilerParams(needs_layout_passes=False),
    scratch_types=[
        pltpu.VMEM((EW,), jnp.int32),
        pltpu.VMEM((NCH, CH), jnp.int32),
        pltpu.VMEM((CH, D), jnp.float32),
        pltpu.VMEM((CH, D), jnp.float32),
        pltpu.VMEM_SHARED((NPAD, D), jnp.float32),
        pltpu.SemaphoreType.DMA,
        pltpu.SemaphoreType.DMA,
    ],
)
def _agg_kernel(src_hbm, dst_hbm, t1_hbm, out_hbm, src_v, dst_v, buf0_v, buf1_v,
                acc_sh, sem0, sem1):
    c = lax.axis_index("c")
    s = lax.axis_index("s")
    wid = c * NS + s
    pltpu.sync_copy(src_hbm.at[wid], src_v)
    pltpu.sync_copy(dst_hbm.at[wid], dst_v)
    _zero_rows(buf0_v, CH, D)
    for k in range(ARS // CH):
        pltpu.sync_copy(buf0_v, acc_sh.at[pl.ds(s * ARS + k * CH, CH)])
    plsc.subcore_barrier()

    def _start(j, buf, sem):
        pltpu.async_copy(t1_hbm.at[src_v.at[pl.ds(j * CH, CH)]], buf, sem)

    def _wait(buf, sem):
        pltpu.make_async_copy(t1_hbm.at[pl.ds(0, CH)], buf, sem).wait()

    _start(0, buf0_v, sem0)

    @pl.loop(0, (NCH - 1) // 2)
    def _(jj):
        j0 = jj * 2
        _start(j0 + 1, buf1_v, sem1)
        _wait(buf0_v, sem0)
        pltpu.sync_copy(buf0_v, acc_sh.at[dst_v.at[j0]], add=True)
        _start(j0 + 2, buf0_v, sem0)
        _wait(buf1_v, sem1)
        pltpu.sync_copy(buf1_v, acc_sh.at[dst_v.at[j0 + 1]], add=True)

    _wait(buf0_v, sem0)
    pltpu.sync_copy(buf0_v, acc_sh.at[dst_v.at[NCH - 1]], add=True)
    plsc.subcore_barrier()
    for k in range(ARS // CH):
        pltpu.sync_copy(acc_sh.at[pl.ds(s * ARS + k * CH, CH)],
                        out_hbm.at[c, pl.ds(s * ARS + k * CH, CH)])


@functools.partial(
    pl.kernel,
    out_type=jax.ShapeDtypeStruct((NC, NPAD), jnp.float32),
    mesh=_mesh,
    compiler_params=pltpu.CompilerParams(needs_layout_passes=False),
    scratch_types=[
        pltpu.VMEM((EW,), jnp.int32),
        pltpu.VMEM((EW,), jnp.int32),
        pltpu.VMEM((N,), jnp.float32),
        pltpu.VMEM((NPAD,), jnp.float32),
        pltpu.VMEM((NS * SEG,), jnp.float32),
        pltpu.VMEM((SEG,), jnp.float32),
        pltpu.VMEM_SHARED((NS * NPAD,), jnp.float32),
    ],
)
def _seg_kernel(src_hbm, dst_hbm, t2_hbm, out_hbm, src_v, dst_v, t2_v, hist_v,
                buf_v, out_v, stage_sh):
    c = lax.axis_index("c")
    s = lax.axis_index("s")
    wid = c * NS + s
    pltpu.sync_copy(src_hbm.at[wid], src_v)
    pltpu.sync_copy(dst_hbm.at[wid], dst_v)
    pltpu.sync_copy(t2_hbm, t2_v)
    _zero_flat(hist_v, NPAD)

    @pl.loop(0, VR)
    def _(j):
        s16 = src_v[pl.ds(j * LANES, LANES)]
        d16 = dst_v[pl.ds(j * LANES, LANES)]
        vals = plsc.load_gather(t2_v, [s16])
        plsc.addupdate_scatter(hist_v, [d16], vals)

    _reduce_hist(hist_v, stage_sh, buf_v, out_v, out_hbm, c, s)


def _mm1_body(x_ref, w1_ref, p0_ref, p1_ref, t1_ref, dinv_ref):
    deg = p0_ref[...] + p1_ref[...] + 1.0
    dinv = lax.rsqrt(jnp.maximum(deg, 1.0))
    dinv_ref[...] = dinv
    t1_ref[...] = jnp.dot(x_ref[...] * dinv, w1_ref[...],
                          precision=lax.Precision.HIGHEST,
                          preferred_element_type=jnp.float32)


_mm1 = pl.pallas_call(
    _mm1_body,
    out_shape=(jax.ShapeDtypeStruct((N, D), jnp.float32),
               jax.ShapeDtypeStruct((N, 1), jnp.float32)),
)


def _mm2_body(a0_ref, a1_ref, t1_ref, dinv_ref, b1_ref, w2_ref, t2_ref):
    agg = a0_ref[...] + a1_ref[...] + t1_ref[...]
    h = jnp.maximum(agg * dinv_ref[...] + b1_ref[...], 0.0)
    t2_ref[...] = jnp.dot(h, w2_ref[...],
                          precision=lax.Precision.HIGHEST,
                          preferred_element_type=jnp.float32) * dinv_ref[...]


_mm2 = pl.pallas_call(
    _mm2_body,
    out_shape=jax.ShapeDtypeStruct((N, 1), jnp.float32),
)


def _fin_body(e0_ref, e1_ref, t2_ref, dinv_ref, b2_ref, out_ref):
    out_ref[...] = ((e0_ref[...] + e1_ref[...] + t2_ref[...]) * dinv_ref[...]
                    + b2_ref[...])


_fin = pl.pallas_call(
    _fin_body,
    out_shape=jax.ShapeDtypeStruct((N, 1), jnp.float32),
)


def kernel(x, edge_index, W1, b1, W2, b2):
    e32 = edge_index.astype(jnp.int32)
    e_agg = e32.reshape(2, NW, NCH, CH)
    e_vr = e32.reshape(2, NW, EW)
    degp = _deg_kernel(e_vr[1])
    p = degp.reshape(NC, NPAD, 1)[:, :N]
    t1, dinv = _mm1(x, W1, p[0], p[1])
    aggp = _agg_kernel(e_vr[0], e_agg[1], t1)
    t2 = _mm2(aggp[0, :N], aggp[1, :N], t1, dinv, b1.reshape(1, D), W2)
    segp = _seg_kernel(e_vr[0], e_vr[1], t2.reshape(N))
    e = segp.reshape(NC, NPAD, 1)[:, :N]
    return _fin(e[0], e[1], t2, dinv, b2.reshape(1, 1))

# --- scband reference (transcript-rebuilt; emitter-appended) ---
"""Pipeline reference for scband-gcn-37520834298162 (READ-ONLY COPY).

The authoritative reference and input builder live on the scoring server;
editing this copy changes nothing except your own understanding.
"""

import jax, jax.numpy as jnp
import numpy as np

N = 10000
E = 320000
D_IN = 128
D_HID = 128
D_OUT = 1


def setup_inputs(seed: int = 0) -> dict:
    key = jax.random.key(seed)
    k_x, k_e, k_w1, k_w2 = jax.random.split(key, 4)
    x = jax.random.normal(k_x, (N, D_IN), dtype=jnp.float32)
    edge_index = jax.random.randint(k_e, (2, E), 0, N, dtype=jnp.int64)
    # Glorot-style init for GCNConv weights, zero bias (PyG default)
    s1 = float(np.sqrt(6.0 / (D_IN + D_HID)))
    W1 = jax.random.uniform(k_w1, (D_IN, D_HID), dtype=jnp.float32, minval=-s1, maxval=s1)
    b1 = jnp.zeros((D_HID,), dtype=jnp.float32)
    s2 = float(np.sqrt(6.0 / (D_HID + D_OUT)))
    W2 = jax.random.uniform(k_w2, (D_HID, D_OUT), dtype=jnp.float32, minval=-s2, maxval=s2)
    b2 = jnp.zeros((D_OUT,), dtype=jnp.float32)
    return {"x": x, "edge_index": edge_index, "W1": W1, "b1": b1, "W2": W2, "b2": b2}


def _gcn_conv(x, src, dst, W, b, n_nodes):
    # x @ W, then symmetric-normalized scatter-add aggregation (self-loops already in src/dst)
    h = x @ W
    deg = jnp.zeros((n_nodes,), dtype=jnp.float32).at[dst].add(1.0)
    dinv = jax.lax.rsqrt(jnp.maximum(deg, 1.0))
    norm = dinv[src] * dinv[dst]
    msg = h[src] * norm[:, None]
    out = jnp.zeros((n_nodes, h.shape[1]), dtype=h.dtype).at[dst].add(msg)
    return out + b


def reference(x, edge_index, W1, b1, W2, b2):
    n_nodes = x.shape[0]
    loop = jnp.arange(n_nodes, dtype=edge_index.dtype)
    src = jnp.concatenate([edge_index[0], loop])
    dst = jnp.concatenate([edge_index[1], loop])
    h = _gcn_conv(x, src, dst, W1, b1, n_nodes)
    h = jax.nn.relu(h)
    # dropout p=0.5 is identity in eval mode
    out = _gcn_conv(h, src, dst, W2, b2, n_nodes)
    return out

if __name__ == "__main__":
    import jax
    _d = setup_inputs()
    print(jax.jit(kernel)(*tuple(_d.values())))

</pallas_src>

<mosaic_0001>
#map = affine_map<(d0, d1) -> (0, 0)>
#map1 = affine_map<(d0, d1) -> (0, 0, 0)>
module attributes {stable_mosaic.version = 14 : i64} {
  func.func @_agg_kernel(%arg0: i32, %arg1: i32, %arg2: memref<32x10000xi32, #tpu.memory_space<hbm>>, %arg3: memref<32x125x80xi32, #tpu.memory_space<hbm>>, %arg4: memref<10000x128xf32, #tpu.memory_space<hbm>>, %arg5: memref<2x10240x128xf32, #tpu.memory_space<hbm>>, %arg6: memref<10000xi32, #tpu.memory_space<vmem>>, %arg7: memref<125x80xi32, #tpu.memory_space<vmem>>, %arg8: memref<80x128xf32, #tpu.memory_space<vmem>>, %arg9: memref<80x128xf32, #tpu.memory_space<vmem>>, %arg10: memref<10240x128xf32, #tpu.memory_space<vmem_shared>>, %arg11: memref<!tpu.dma_semaphore, #tpu.memory_space<semaphore_mem>>, %arg12: memref<!tpu.dma_semaphore, #tpu.memory_space<semaphore_mem>>) attributes {dimension_semantics = [#tpu.dimension_semantics<core_parallel>, #tpu.dimension_semantics<subcore_parallel>], iteration_bounds = array<i64: 2, 16>, scalar_prefetch = 0 : i64, scratch_operands = 7 : i64, tpu.core_type = #tpu.core_type<sc_vector_subcore>, window_params = [{transform_indices = #map}, {transform_indices = #map1}, {transform_indices = #map}, {transform_indices = #map1}]} {
    %mul3A = arith.constant 16 : i32
    %mul3A_0 = arith.muli %arg0, %mul3A : i32
    %add3A = arith.addi %mul3A_0, %arg1 : i32
    "tpu.region"() ({
      %run_scoped3A_117 = tpu.sem_alloc : memref<!tpu.dma_semaphore, #tpu.memory_space<semaphore_mem>>
      %dma_start3A_118 = arith.constant 0 : i32
      %dma_start3A_119 = tpu.memref_slice %arg2[%add3A, %dma_start3A_118] : memref<32x10000xi32, #tpu.memory_space<hbm>> -> memref<1x10000xi32, #tpu.memory_space<hbm>>
      %dma_start3A_120 = tpu.memref_squeeze %dma_start3A_119 : memref<1x10000xi32, #tpu.memory_space<hbm>> -> memref<10000xi32, #tpu.memory_space<hbm>>
      %dma_start3A_121 = arith.constant 0 : i32
      %dma_start3A_122 = tpu.memref_slice %arg2[%add3A, %dma_start3A_121] : memref<32x10000xi32, #tpu.memory_space<hbm>> -> memref<1x10000xi32, #tpu.memory_space<hbm>>
      %dma_start3A_123 = tpu.memref_squeeze %dma_start3A_122 : memref<1x10000xi32, #tpu.memory_space<hbm>> -> memref<10000xi32, #tpu.memory_space<hbm>>
      tpu.enqueue_dma source(%dma_start3A_123 : memref<10000xi32, #tpu.memory_space<hbm>>) target(%arg6 : memref<10000xi32, #tpu.memory_space<vmem>>) target_semaphore(%run_scoped3A_117 : memref<!tpu.dma_semaphore, #tpu.memory_space<semaphore_mem>>)
      %dma_wait3A_124 = arith.constant 0 : i32
      %dma_wait3A_125 = tpu.memref_slice %arg2[%add3A, %dma_wait3A_124] : memref<32x10000xi32, #tpu.memory_space<hbm>> -> memref<1x10000xi32, #tpu.memory_space<hbm>>
      %dma_wait3A_126 = tpu.memref_squeeze %dma_wait3A_125 : memref<1x10000xi32, #tpu.memory_space<hbm>> -> memref<10000xi32, #tpu.memory_space<hbm>>
      %dma_wait3A_127 = arith.constant 0 : i32
      %dma_wait3A_128 = tpu.memref_slice %arg2[%add3A, %dma_wait3A_127] : memref<32x10000xi32, #tpu.memory_space<hbm>> -> memref<1x10000xi32, #tpu.memory_space<hbm>>
      %dma_wait3A_129 = tpu.memref_squeeze %dma_wait3A_128 : memref<1x10000xi32, #tpu.memory_space<hbm>> -> memref<10000xi32, #tpu.memory_space<hbm>>
      tpu.wait_dma2 semaphore(%run_scoped3A_117 : memref<!tpu.dma_semaphore, #tpu.memory_space<semaphore_mem>>) src(%dma_wait3A_129 : memref<10000xi32, #tpu.memory_space<hbm>>) dst(%arg6 : memref<10000xi32, #tpu.memory_space<vmem>>)
      tpu.yield
    }) : () -> ()
    "tpu.region"() ({
      %run_scoped3A_117 = tpu.sem_alloc : memref<!tpu.dma_semaphore, #tpu.memory_space<semaphore_mem>>
      %dma_start3A_118 = arith.constant 0 : i32
      %dma_start3A_119 = arith.constant 0 : i32
      %dma_start3A_120 = tpu.memref_slice %arg3[%add3A, %dma_start3A_118, %dma_start3A_119] : memref<32x125x80xi32, #tpu.memory_space<hbm>> -> memref<1x125x80xi32, #tpu.memory_space<hbm>>
      %dma_start3A_121 = tpu.memref_squeeze %dma_start3A_120 : memref<1x125x80xi32, #tpu.memory_space<hbm>> -> memref<125x80xi32, #tpu.memory_space<hbm>>
      %dma_start3A_122 = arith.constant 0 : i32
      %dma_start3A_123 = arith.constant 0 : i32
      %dma_start3A_124 = tpu.memref_slice %arg3[%add3A, %dma_start3A_122, %dma_start3A_123] : memref<32x125x80xi32, #tpu.memory_space<hbm>> -> memref<1x125x80xi32, #tpu.memory_space<hbm>>
      %dma_start3A_125 = tpu.memref_squeeze %dma_start3A_124 : memref<1x125x80xi32, #tpu.memory_space<hbm>> -> memref<125x80xi32, #tpu.memory_space<hbm>>
      tpu.enqueue_dma source(%dma_start3A_125 : memref<125x80xi32, #tpu.memory_space<hbm>>) target(%arg7 : memref<125x80xi32, #tpu.memory_space<vmem>>) target_semaphore(%run_scoped3A_117 : memref<!tpu.dma_semaphore, #tpu.memory_space<semaphore_mem>>)
      %dma_wait3A_126 = arith.constant 0 : i32
      %dma_wait3A_127 = arith.constant 0 : i32
      %dma_wait3A_128 = tpu.memref_slice %arg3[%add3A, %dma_wait3A_126, %dma_wait3A_127] : memref<32x125x80xi32, #tpu.memory_space<hbm>> -> memref<1x125x80xi32, #tpu.memory_space<hbm>>
      %dma_wait3A_129 = tpu.memref_squeeze %dma_wait3A_128 : memref<1x125x80xi32, #tpu.memory_space<hbm>> -> memref<125x80xi32, #tpu.memory_space<hbm>>
      %dma_wait3A_130 = arith.constant 0 : i32
      %dma_wait3A_131 = arith.constant 0 : i32
      %dma_wait3A_132 = tpu.memref_slice %arg3[%add3A, %dma_wait3A_130, %dma_wait3A_131] : memref<32x125x80xi32, #tpu.memory_space<hbm>> -> memref<1x125x80xi32, #tpu.memory_space<hbm>>
      %dma_wait3A_133 = tpu.memref_squeeze %dma_wait3A_132 : memref<1x125x80xi32, #tpu.memory_space<hbm>> -> memref<125x80xi32, #tpu.memory_space<hbm>>
      tpu.wait_dma2 semaphore(%run_scoped3A_117 : memref<!tpu.dma_semaphore, #tpu.memory_space<semaphore_mem>>) src(%dma_wait3A_133 : memref<125x80xi32, #tpu.memory_space<hbm>>) dst(%arg7 : memref<125x80xi32, #tpu.memory_space<vmem>>)
      tpu.yield
    }) : () -> ()
    %broadcast_in_dim3A = arith.constant 0.000000e+00 : f32
    %broadcast_in_dim3A_1 = vector.broadcast %broadcast_in_dim3A : f32 to vector<16xf32>
    %scan3A = arith.constant 0 : i32
    %scan3A_2 = arith.constant 80 : i32
    %scan3A_3 = arith.addi %scan3A, %scan3A_2 : i32
    %scan3A_4 = arith.constant 1 : i32
    scf.for %scan3A_117 = %scan3A to %scan3A_3 step %scan3A_4  : i32 {
      %mul3A_118 = arith.constant 1 : i32
      %mul3A_119 = arith.muli %scan3A_117, %mul3A_118 : i32
      %add3A_120 = arith.constant 0 : i32
      %add3A_121 = arith.addi %add3A_120, %mul3A_119 : i32
      %swap3A = arith.index_cast %add3A_121 : i32 to index
      %swap3A_122 = arith.constant 0 : index
      %swap3A_123 = tpu.vector_load %arg8[%swap3A, %swap3A_122] {strides = array<i32>} : memref<80x128xf32, #tpu.memory_space<vmem>>, vector<16xf32>,
      tpu.vector_store %arg8[%swap3A, %swap3A_122], %broadcast_in_dim3A_1 {strides = array<i32>} : memref<80x128xf32, #tpu.memory_space<vmem>>, vector<16xf32>,
      %swap3A_124 = arith.index_cast %add3A_121 : i32 to index
      %swap3A_125 = arith.constant 16 : index
      %swap3A_126 = tpu.vector_load %arg8[%swap3A_124, %swap3A_125] {strides = array<i32>} : memref<80x128xf32, #tpu.memory_space<vmem>>, vector<16xf32>,
      tpu.vector_store %arg8[%swap3A_124, %swap3A_125], %broadcast_in_dim3A_1 {strides = array<i32>} : memref<80x128xf32, #tpu.memory_space<vmem>>, vector<16xf32>,
      %swap3A_127 = arith.index_cast %add3A_121 : i32 to index
      %swap3A_128 = arith.constant 32 : index
      %swap3A_129 = tpu.vector_load %arg8[%swap3A_127, %swap3A_128] {strides = array<i32>} : memref<80x128xf32, #tpu.memory_space<vmem>>, vector<16xf32>,
      tpu.vector_store %arg8[%swap3A_127, %swap3A_128], %broadcast_in_dim3A_1 {strides = array<i32>} : memref<80x128xf32, #tpu.memory_space<vmem>>, vector<16xf32>,
      %swap3A_130 = arith.index_cast %add3A_121 : i32 to index
      %swap3A_131 = arith.constant 48 : index
      %swap3A_132 = tpu.vector_load %arg8[%swap3A_130, %swap3A_131] {strides = array<i32>} : memref<80x128xf32, #tpu.memory_space<vmem>>, vector<16xf32>,
      tpu.vector_store %arg8[%swap3A_130, %swap3A_131], %broadcast_in_dim3A_1 {strides = array<i32>} : memref<80x128xf32, #tpu.memory_space<vmem>>, vector<16xf32>,
      %swap3A_133 = arith.index_cast %add3A_121 : i32 to index
      %swap3A_134 = arith.constant 64 : index
      %swap3A_135 = tpu.vector_load %arg8[%swap3A_133, %swap3A_134] {strides = array<i32>} : memref<80x128xf32, #tpu.memory_space<vmem>>, vector<16xf32>,
      tpu.vector_store %arg8[%swap3A_133, %swap3A_134], %broadcast_in_dim3A_1 {strides = array<i32>} : memref<80x128xf32, #tpu.memory_space<vmem>>, vector<16xf32>,
      %swap3A_136 = arith.index_cast %add3A_121 : i32 to index
      %swap3A_137 = arith.constant 80 : index
      %swap3A_138 = tpu.vector_load %arg8[%swap3A_136, %swap3A_137] {strides = array<i32>} : memref<80x128xf32, #tpu.memory_space<vmem>>, vector<16xf32>,
      tpu.vector_store %arg8[%swap3A_136, %swap3A_137], %broadcast_in_dim3A_1 {strides = array<i32>} : memref<80x128xf32, #tpu.memory_space<vmem>>, vector<16xf32>,
      %swap3A_139 = arith.index_cast %add3A_121 : i32 to index
      %swap3A_140 = arith.constant 96 : index
      %swap3A_141 = tpu.vector_load %arg8[%swap3A_139, %swap3A_140] {strides = array<i32>} : memref<80x128xf32, #tpu.memory_space<vmem>>, vector<16xf32>,
      tpu.vector_store %arg8[%swap3A_139, %swap3A_140], %broadcast_in_dim3A_1 {strides = array<i32>} : memref<80x128xf32, #tpu.memory_space<vmem>>, vector<16xf32>,
      %swap3A_142 = arith.index_cast %add3A_121 : i32 to index
      %swap3A_143 = arith.constant 112 : index
      %swap3A_144 = tpu.vector_load %arg8[%swap3A_142, %swap3A_143] {strides = array<i32>} : memref<80x128xf32, #tpu.memory_space<vmem>>, vector<16xf32>,
      tpu.vector_store %arg8[%swap3A_142, %swap3A_143], %broadcast_in_dim3A_1 {strides = array<i32>} : memref<80x128xf32, #tpu.memory_space<vmem>>, vector<16xf32>,
    }
    %scan3A_5 = arith.constant 80 : i32
    %mul3A_6 = arith.constant 640 : i32
    %mul3A_7 = arith.muli %arg1, %mul3A_6 : i32
    %add3A_8 = arith.constant 0 : i32
    %add3A_9 = arith.addi %mul3A_7, %add3A_8 : i32
    "tpu.region"() ({
      %run_scoped3A_117 = tpu.sem_alloc : memref<!tpu.dma_semaphore, #tpu.memory_space<semaphore_mem>>
      %dma_start3A_118 = arith.constant 0 : i32
      %dma_start3A_119 = tpu.memref_slice %arg10[%add3A_9, %dma_start3A_118] : memref<10240x128xf32, #tpu.memory_space<vmem_shared>> -> memref<80x128xf32, #tpu.memory_space<vmem_shared>>
      %dma_start3A_120 = arith.constant 0 : i32
      %dma_start3A_121 = tpu.memref_slice %arg10[%add3A_9, %dma_start3A_120] : memref<10240x128xf32, #tpu.memory_space<vmem_shared>> -> memref<80x128xf32, #tpu.memory_space<vmem_shared>>
      tpu.enqueue_dma source(%arg8 : memref<80x128xf32, #tpu.memory_space<vmem>>) target(%dma_start3A_121 : memref<80x128xf32, #tpu.memory_space<vmem_shared>>) target_semaphore(%run_scoped3A_117 : memref<!tpu.dma_semaphore, #tpu.memory_space<semaphore_mem>>)
      %dma_wait3A_122 = arith.constant 0 : i32
      %dma_wait3A_123 = tpu.memref_slice %arg10[%add3A_9, %dma_wait3A_122] : memref<10240x128xf32, #tpu.memory_space<vmem_shared>> -> memref<80x128xf32, #tpu.memory_space<vmem_shared>>
      %dma_wait3A_124 = arith.constant 0 : i32
      %dma_wait3A_125 = tpu.memref_slice %arg10[%add3A_9, %dma_wait3A_124] : memref<10240x128xf32, #tpu.memory_space<vmem_shared>> -> memref<80x128xf32, #tpu.memory_space<vmem_shared>>
      tpu.wait_dma2 semaphore(%run_scoped3A_117 : memref<!tpu.dma_semaphore, #tpu.memory_space<semaphore_mem>>) src(%arg8 : memref<80x128xf32, #tpu.memory_space<vmem>>) dst(%dma_wait3A_125 : memref<80x128xf32, #tpu.memory_space<vmem_shared>>)
      tpu.yield
    }) : () -> ()
    %mul3A_10 = arith.constant 640 : i32
    %mul3A_11 = arith.muli %arg1, %mul3A_10 : i32
    %add3A_12 = arith.constant 80 : i32
    %add3A_13 = arith.addi %mul3A_11, %add3A_12 : i32
    "tpu.region"() ({
      %run_scoped3A_117 = tpu.sem_alloc : memref<!tpu.dma_semaphore, #tpu.memory_space<semaphore_mem>>
      %dma_start3A_118 = arith.constant 0 : i32
      %dma_start3A_119 = tpu.memref_slice %arg10[%add3A_13, %dma_start3A_118] : memref<10240x128xf32, #tpu.memory_space<vmem_shared>> -> memref<80x128xf32, #tpu.memory_space<vmem_shared>>
      %dma_start3A_120 = arith.constant 0 : i32
      %dma_start3A_121 = tpu.memref_slice %arg10[%add3A_13, %dma_start3A_120] : memref<10240x128xf32, #tpu.memory_space<vmem_shared>> -> memref<80x128xf32, #tpu.memory_space<vmem_shared>>
      tpu.enqueue_dma source(%arg8 : memref<80x128xf32, #tpu.memory_space<vmem>>) target(%dma_start3A_121 : memref<80x128xf32, #tpu.memory_space<vmem_shared>>) target_semaphore(%run_scoped3A_117 : memref<!tpu.dma_semaphore, #tpu.memory_space<semaphore_mem>>)
      %dma_wait3A_122 = arith.constant 0 : i32
      %dma_wait3A_123 = tpu.memref_slice %arg10[%add3A_13, %dma_wait3A_122] : memref<10240x128xf32, #tpu.memory_space<vmem_shared>> -> memref<80x128xf32, #tpu.memory_space<vmem_shared>>
      %dma_wait3A_124 = arith.constant 0 : i32
      %dma_wait3A_125 = tpu.memref_slice %arg10[%add3A_13, %dma_wait3A_124] : memref<10240x128xf32, #tpu.memory_space<vmem_shared>> -> memref<80x128xf32, #tpu.memory_space<vmem_shared>>
      tpu.wait_dma2 semaphore(%run_scoped3A_117 : memref<!tpu.dma_semaphore, #tpu.memory_space<semaphore_mem>>) src(%arg8 : memref<80x128xf32, #tpu.memory_space<vmem>>) dst(%dma_wait3A_125 : memref<80x128xf32, #tpu.memory_space<vmem_shared>>)
      tpu.yield
    }) : () -> ()
    %mul3A_14 = arith.constant 640 : i32
    %mul3A_15 = arith.muli %arg1, %mul3A_14 : i32
    %add3A_16 = arith.constant 160 : i32
    %add3A_17 = arith.addi %mul3A_15, %add3A_16 : i32
    "tpu.region"() ({
      %run_scoped3A_117 = tpu.sem_alloc : memref<!tpu.dma_semaphore, #tpu.memory_space<semaphore_mem>>
      %dma_start3A_118 = arith.constant 0 : i32
      %dma_start3A_119 = tpu.memref_slice %arg10[%add3A_17, %dma_start3A_118] : memref<10240x128xf32, #tpu.memory_space<vmem_shared>> -> memref<80x128xf32, #tpu.memory_space<vmem_shared>>
      %dma_start3A_120 = arith.constant 0 : i32
      %dma_start3A_121 = tpu.memref_slice %arg10[%add3A_17, %dma_start3A_120] : memref<10240x128xf32, #tpu.memory_space<vmem_shared>> -> memref<80x128xf32, #tpu.memory_space<vmem_shared>>
      tpu.enqueue_dma source(%arg8 : memref<80x128xf32, #tpu.memory_space<vmem>>) target(%dma_start3A_121 : memref<80x128xf32, #tpu.memory_space<vmem_shared>>) target_semaphore(%run_scoped3A_117 : memref<!tpu.dma_semaphore, #tpu.memory_space<semaphore_mem>>)
      %dma_wait3A_122 = arith.constant 0 : i32
      %dma_wait3A_123 = tpu.memref_slice %arg10[%add3A_17, %dma_wait3A_122] : memref<10240x128xf32, #tpu.memory_space<vmem_shared>> -> memref<80x128xf32, #tpu.memory_space<vmem_shared>>
      %dma_wait3A_124 = arith.constant 0 : i32
      %dma_wait3A_125 = tpu.memref_slice %arg10[%add3A_17, %dma_wait3A_124] : memref<10240x128xf32, #tpu.memory_space<vmem_shared>> -> memref<80x128xf32, #tpu.memory_space<vmem_shared>>
      tpu.wait_dma2 semaphore(%run_scoped3A_117 : memref<!tpu.dma_semaphore, #tpu.memory_space<semaphore_mem>>) src(%arg8 : memref<80x128xf32, #tpu.memory_space<vmem>>) dst(%dma_wait3A_125 : memref<80x128xf32, #tpu.memory_space<vmem_shared>>)
      tpu.yield
    }) : () -> ()
    %mul3A_18 = arith.constant 640 : i32
    %mul3A_19 = arith.muli %arg1, %mul3A_18 : i32
    %add3A_20 = arith.constant 240 : i32
    %add3A_21 = arith.addi %mul3A_19, %add3A_20 : i32
    "tpu.region"() ({
      %run_scoped3A_117 = tpu.sem_alloc : memref<!tpu.dma_semaphore, #tpu.memory_space<semaphore_mem>>
      %dma_start3A_118 = arith.constant 0 : i32
      %dma_start3A_119 = tpu.memref_slice %arg10[%add3A_21, %dma_start3A_118] : memref<10240x128xf32, #tpu.memory_space<vmem_shared>> -> memref<80x128xf32, #tpu.memory_space<vmem_shared>>
      %dma_start3A_120 = arith.constant 0 : i32
      %dma_start3A_121 = tpu.memref_slice %arg10[%add3A_21, %dma_start3A_120] : memref<10240x128xf32, #tpu.memory_space<vmem_shared>> -> memref<80x128xf32, #tpu.memory_space<vmem_shared>>
      tpu.enqueue_dma source(%arg8 : memref<80x128xf32, #tpu.memory_space<vmem>>) target(%dma_start3A_121 : memref<80x128xf32, #tpu.memory_space<vmem_shared>>) target_semaphore(%run_scoped3A_117 : memref<!tpu.dma_semaphore, #tpu.memory_space<semaphore_mem>>)
      %dma_wait3A_122 = arith.constant 0 : i32
      %dma_wait3A_123 = tpu.memref_slice %arg10[%add3A_21, %dma_wait3A_122] : memref<10240x128xf32, #tpu.memory_space<vmem_shared>> -> memref<80x128xf32, #tpu.memory_space<vmem_shared>>
      %dma_wait3A_124 = arith.constant 0 : i32
      %dma_wait3A_125 = tpu.memref_slice %arg10[%add3A_21, %dma_wait3A_124] : memref<10240x128xf32, #tpu.memory_space<vmem_shared>> -> memref<80x128xf32, #tpu.memory_space<vmem_shared>>
      tpu.wait_dma2 semaphore(%run_scoped3A_117 : memref<!tpu.dma_semaphore, #tpu.memory_space<semaphore_mem>>) src(%arg8 : memref<80x128xf32, #tpu.memory_space<vmem>>) dst(%dma_wait3A_125 : memref<80x128xf32, #tpu.memory_space<vmem_shared>>)
      tpu.yield
    }) : () -> ()
    %mul3A_22 = arith.constant 640 : i32
    %mul3A_23 = arith.muli %arg1, %mul3A_22 : i32
    %add3A_24 = arith.constant 320 : i32
    %add3A_25 = arith.addi %mul3A_23, %add3A_24 : i32
    "tpu.region"() ({
      %run_scoped3A_117 = tpu.sem_alloc : memref<!tpu.dma_semaphore, #tpu.memory_space<semaphore_mem>>
      %dma_start3A_118 = arith.constant 0 : i32
      %dma_start3A_119 = tpu.memref_slice %arg10[%add3A_25, %dma_start3A_118] : memref<10240x128xf32, #tpu.memory_space<vmem_shared>> -> memref<80x128xf32, #tpu.memory_space<vmem_shared>>
      %dma_start3A_120 = arith.constant 0 : i32
      %dma_start3A_121 = tpu.memref_slice %arg10[%add3A_25, %dma_start3A_120] : memref<10240x128xf32, #tpu.memory_space<vmem_shared>> -> memref<80x128xf32, #tpu.memory_space<vmem_shared>>
      tpu.enqueue_dma source(%arg8 : memref<80x128xf32, #tpu.memory_space<vmem>>) target(%dma_start3A_121 : memref<80x128xf32, #tpu.memory_space<vmem_shared>>) target_semaphore(%run_scoped3A_117 : memref<!tpu.dma_semaphore, #tpu.memory_space<semaphore_mem>>)
      %dma_wait3A_122 = arith.constant 0 : i32
      %dma_wait3A_123 = tpu.memref_slice %arg10[%add3A_25, %dma_wait3A_122] : memref<10240x128xf32, #tpu.memory_space<vmem_shared>> -> memref<80x128xf32, #tpu.memory_space<vmem_shared>>
      %dma_wait3A_124 = arith.constant 0 : i32
      %dma_wait3A_125 = tpu.memref_slice %arg10[%add3A_25, %dma_wait3A_124] : memref<10240x128xf32, #tpu.memory_space<vmem_shared>> -> memref<80x128xf32, #tpu.memory_space<vmem_shared>>
      tpu.wait_dma2 semaphore(%run_scoped3A_117 : memref<!tpu.dma_semaphore, #tpu.memory_space<semaphore_mem>>) src(%arg8 : memref<80x128xf32, #tpu.memory_space<vmem>>) dst(%dma_wait3A_125 : memref<80x128xf32, #tpu.memory_space<vmem_shared>>)
      tpu.yield
    }) : () -> ()
    %mul3A_26 = arith.constant 640 : i32
    %mul3A_27 = arith.muli %arg1, %mul3A_26 : i32
    %add3A_28 = arith.constant 400 : i32
    %add3A_29 = arith.addi %mul3A_27, %add3A_28 : i32
    "tpu.region"() ({
      %run_scoped3A_117 = tpu.sem_alloc : memref<!tpu.dma_semaphore, #tpu.memory_space<semaphore_mem>>
      %dma_start3A_118 = arith.constant 0 : i32
      %dma_start3A_119 = tpu.memref_slice %arg10[%add3A_29, %dma_start3A_118] : memref<10240x128xf32, #tpu.memory_space<vmem_shared>> -> memref<80x128xf32, #tpu.memory_space<vmem_shared>>
      %dma_start3A_120 = arith.constant 0 : i32
      %dma_start3A_121 = tpu.memref_slice %arg10[%add3A_29, %dma_start3A_120] : memref<10240x128xf32, #tpu.memory_space<vmem_shared>> -> memref<80x128xf32, #tpu.memory_space<vmem_shared>>
      tpu.enqueue_dma source(%arg8 : memref<80x128xf32, #tpu.memory_space<vmem>>) target(%dma_start3A_121 : memref<80x128xf32, #tpu.memory_space<vmem_shared>>) target_semaphore(%run_scoped3A_117 : memref<!tpu.dma_semaphore, #tpu.memory_space<semaphore_mem>>)
      %dma_wait3A_122 = arith.constant 0 : i32
      %dma_wait3A_123 = tpu.memref_slice %arg10[%add3A_29, %dma_wait3A_122] : memref<10240x128xf32, #tpu.memory_space<vmem_shared>> -> memref<80x128xf32, #tpu.memory_space<vmem_shared>>
      %dma_wait3A_124 = arith.constant 0 : i32
      %dma_wait3A_125 = tpu.memref_slice %arg10[%add3A_29, %dma_wait3A_124] : memref<10240x128xf32, #tpu.memory_space<vmem_shared>> -> memref<80x128xf32, #tpu.memory_space<vmem_shared>>
      tpu.wait_dma2 semaphore(%run_scoped3A_117 : memref<!tpu.dma_semaphore, #tpu.memory_space<semaphore_mem>>) src(%arg8 : memref<80x128xf32, #tpu.memory_space<vmem>>) dst(%dma_wait3A_125 : memref<80x128xf32, #tpu.memory_space<vmem_shared>>)
      tpu.yield
    }) : () -> ()
    %mul3A_30 = arith.constant 640 : i32
    %mul3A_31 = arith.muli %arg1, %mul3A_30 : i32
    %add3A_32 = arith.constant 480 : i32
    %add3A_33 = arith.addi %mul3A_31, %add3A_32 : i32
    "tpu.region"() ({
      %run_scoped3A_117 = tpu.sem_alloc : memref<!tpu.dma_semaphore, #tpu.memory_space<semaphore_mem>>
      %dma_start3A_118 = arith.constant 0 : i32
      %dma_start3A_119 = tpu.memref_slice %arg10[%add3A_33, %dma_start3A_118] : memref<10240x128xf32, #tpu.memory_space<vmem_shared>> -> memref<80x128xf32, #tpu.memory_space<vmem_shared>>
      %dma_start3A_120 = arith.constant 0 : i32
      %dma_start3A_121 = tpu.memref_slice %arg10[%add3A_33, %dma_start3A_120] : memref<10240x128xf32, #tpu.memory_space<vmem_shared>> -> memref<80x128xf32, #tpu.memory_space<vmem_shared>>
      tpu.enqueue_dma source(%arg8 : memref<80x128xf32, #tpu.memory_space<vmem>>) target(%dma_start3A_121 : memref<80x128xf32, #tpu.memory_space<vmem_shared>>) target_semaphore(%run_scoped3A_117 : memref<!tpu.dma_semaphore, #tpu.memory_space<semaphore_mem>>)
      %dma_wait3A_122 = arith.constant 0 : i32
      %dma_wait3A_123 = tpu.memref_slice %arg10[%add3A_33, %dma_wait3A_122] : memref<10240x128xf32, #tpu.memory_space<vmem_shared>> -> memref<80x128xf32, #tpu.memory_space<vmem_shared>>
      %dma_wait3A_124 = arith.constant 0 : i32
      %dma_wait3A_125 = tpu.memref_slice %arg10[%add3A_33, %dma_wait3A_124] : memref<10240x128xf32, #tpu.memory_space<vmem_shared>> -> memref<80x128xf32, #tpu.memory_space<vmem_shared>>
      tpu.wait_dma2 semaphore(%run_scoped3A_117 : memref<!tpu.dma_semaphore, #tpu.memory_space<semaphore_mem>>) src(%arg8 : memref<80x128xf32, #tpu.memory_space<vmem>>) dst(%dma_wait3A_125 : memref<80x128xf32, #tpu.memory_space<vmem_shared>>)
      tpu.yield
    }) : () -> ()
    %mul3A_34 = arith.constant 640 : i32
    %mul3A_35 = arith.muli %arg1, %mul3A_34 : i32
    %add3A_36 = arith.constant 560 : i32
    %add3A_37 = arith.addi %mul3A_35, %add3A_36 : i32
    "tpu.region"() ({
      %run_scoped3A_117 = tpu.sem_alloc : memref<!tpu.dma_semaphore, #tpu.memory_space<semaphore_mem>>
      %dma_start3A_118 = arith.constant 0 : i32
      %dma_start3A_119 = tpu.memref_slice %arg10[%add3A_37, %dma_start3A_118] : memref<10240x128xf32, #tpu.memory_space<vmem_shared>> -> memref<80x128xf32, #tpu.memory_space<vmem_shared>>
      %dma_start3A_120 = arith.constant 0 : i32
      %dma_start3A_121 = tpu.memref_slice %arg10[%add3A_37, %dma_start3A_120] : memref<10240x128xf32, #tpu.memory_space<vmem_shared>> -> memref<80x128xf32, #tpu.memory_space<vmem_shared>>
      tpu.enqueue_dma source(%arg8 : memref<80x128xf32, #tpu.memory_space<vmem>>) target(%dma_start3A_121 : memref<80x128xf32, #tpu.memory_space<vmem_shared>>) target_semaphore(%run_scoped3A_117 : memref<!tpu.dma_semaphore, #tpu.memory_space<semaphore_mem>>)
      %dma_wait3A_122 = arith.constant 0 : i32
      %dma_wait3A_123 = tpu.memref_slice %arg10[%add3A_37, %dma_wait3A_122] : memref<10240x128xf32, #tpu.memory_space<vmem_shared>> -> memref<80x128xf32, #tpu.memory_space<vmem_shared>>
      %dma_wait3A_124 = arith.constant 0 : i32
      %dma_wait3A_125 = tpu.memref_slice %arg10[%add3A_37, %dma_wait3A_124] : memref<10240x128xf32, #tpu.memory_space<vmem_shared>> -> memref<80x128xf32, #tpu.memory_space<vmem_shared>>
      tpu.wait_dma2 semaphore(%run_scoped3A_117 : memref<!tpu.dma_semaphore, #tpu.memory_space<semaphore_mem>>) src(%arg8 : memref<80x128xf32, #tpu.memory_space<vmem>>) dst(%dma_wait3A_125 : memref<80x128xf32, #tpu.memory_space<vmem_shared>>)
      tpu.yield
    }) : () -> ()
    %barrier3A = arith.constant 0 : index
    tpu.barrier barrier_id(%barrier3A)
    %dma_start3A = arith.constant 0 : i32
    %dma_start3A_38 = tpu.memref_slice %arg6[%dma_start3A] : memref<10000xi32, #tpu.memory_space<vmem>> -> memref<80xi32, #tpu.memory_space<vmem>>
    %dma_start3A_39 = arith.constant 0 : i32
    %dma_start3A_40 = arith.constant 0 : i32
    %dma_start3A_41 = tpu.memref_slice %arg4[%dma_start3A_39, %dma_start3A_40] : memref<10000x128xf32, #tpu.memory_space<hbm>> -> memref<10000x128xf32, #tpu.memory_space<hbm>>
    tpu.enqueue_indirect_dma source(%dma_start3A_41 : memref<10000x128xf32, #tpu.memory_space<hbm>>) target(%arg8 : memref<80x128xf32, #tpu.memory_space<vmem>>) offsets(%dma_start3A_38 : memref<80xi32, #tpu.memory_space<vmem>>) semaphore(%arg11 : memref<!tpu.dma_semaphore, #tpu.memory_space<semaphore_mem>>)
    %scan3A_42 = arith.constant 0 : i32
    %scan3A_43 = arith.constant 62 : i32
    %scan3A_44 = arith.addi %scan3A_42, %scan3A_43 : i32
    %scan3A_45 = arith.constant 1 : i32
    scf.for %scan3A_117 = %scan3A_42 to %scan3A_44 step %scan3A_45  : i32 {
      %mul3A_118 = arith.constant 1 : i32
      %mul3A_119 = arith.muli %scan3A_117, %mul3A_118 : i32
      %add3A_120 = arith.constant 0 : i32
      %add3A_121 = arith.addi %add3A_120, %mul3A_119 : i32
      %mul3A_122 = arith.constant 2 : i32
      %mul3A_123 = arith.muli %add3A_121, %mul3A_122 : i32
      %add3A_124 = arith.constant 1 : i32
      %add3A_125 = arith.addi %mul3A_123, %add3A_124 : i32
      %mul3A_126 = arith.constant 80 : i32
      %mul3A_127 = arith.muli %add3A_125, %mul3A_126 : i32
      %dma_start3A_128 = tpu.memref_slice %arg6[%mul3A_127] : memref<10000xi32, #tpu.memory_space<vmem>> -> memref<80xi32, #tpu.memory_space<vmem>>
      %dma_start3A_129 = arith.constant 0 : i32
      %dma_start3A_130 = arith.constant 0 : i32
      %dma_start3A_131 = tpu.memref_slice %arg4[%dma_start3A_129, %dma_start3A_130] : memref<10000x128xf32, #tpu.memory_space<hbm>> -> memref<10000x128xf32, #tpu.memory_space<hbm>>
      tpu.enqueue_indirect_dma source(%dma_start3A_131 : memref<10000x128xf32, #tpu.memory_space<hbm>>) target(%arg9 : memref<80x128xf32, #tpu.memory_space<vmem>>) offsets(%dma_start3A_128 : memref<80xi32, #tpu.memory_space<vmem>>) semaphore(%arg12 : memref<!tpu.dma_semaphore, #tpu.memory_space<semaphore_mem>>)
      %dma_wait3A_132 = arith.constant 0 : i32
      %dma_wait3A_133 = arith.constant 0 : i32
      %dma_wait3A_134 = tpu.memref_slice %arg4[%dma_wait3A_132, %dma_wait3A_133] : memref<10000x128xf32, #tpu.memory_space<hbm>> -> memref<80x128xf32, #tpu.memory_space<hbm>>
      %dma_wait3A_135 = arith.constant 0 : i32
      %dma_wait3A_136 = arith.constant 0 : i32
      %dma_wait3A_137 = tpu.memref_slice %arg4[%dma_wait3A_135, %dma_wait3A_136] : memref<10000x128xf32, #tpu.memory_space<hbm>> -> memref<80x128xf32, #tpu.memory_space<hbm>>
      tpu.wait_dma2 semaphore(%arg11 : memref<!tpu.dma_semaphore, #tpu.memory_space<semaphore_mem>>) src(%dma_wait3A_137 : memref<80x128xf32, #tpu.memory_space<hbm>>) dst(%arg8 : memref<80x128xf32, #tpu.memory_space<vmem>>)
      "tpu.region"() ({
        %run_scoped3A_154 = tpu.sem_alloc : memref<!tpu.dma_semaphore, #tpu.memory_space<semaphore_mem>>
        %dma_start3A_155 = arith.constant 0 : i32
        %dma_start3A_156 = tpu.memref_slice %arg7[%mul3A_123, %dma_start3A_155] : memref<125x80xi32, #tpu.memory_space<vmem>> -> memref<1x80xi32, #tpu.memory_space<vmem>>
        %dma_start3A_157 = tpu.memref_squeeze %dma_start3A_156 : memref<1x80xi32, #tpu.memory_space<vmem>> -> memref<80xi32, #tpu.memory_space<vmem>>
        %dma_start3A_158 = arith.constant 0 : i32
        %dma_start3A_159 = arith.constant 0 : i32
        %dma_start3A_160 = tpu.memref_slice %arg10[%dma_start3A_158, %dma_start3A_159] : memref<10240x128xf32, #tpu.memory_space<vmem_shared>> -> memref<10240x128xf32, #tpu.memory_space<vmem_shared>>
        tpu.enqueue_indirect_dma source(%arg8 : memref<80x128xf32, #tpu.memory_space<vmem>>) target(%dma_start3A_160 : memref<10240x128xf32, #tpu.memory_space<vmem_shared>>) offsets(%dma_start3A_157 : memref<80xi32, #tpu.memory_space<vmem>>) semaphore(%run_scoped3A_154 : memref<!tpu.dma_semaphore, #tpu.memory_space<semaphore_mem>>) {add = true}
        %dma_wait3A_161 = arith.constant 0 : i32
        %dma_wait3A_162 = tpu.memref_slice %arg7[%mul3A_123, %dma_wait3A_161] : memref<125x80xi32, #tpu.memory_space<vmem>> -> memref<1x80xi32, #tpu.memory_space<vmem>>
        %dma_wait3A_163 = tpu.memref_squeeze %dma_wait3A_162 : memref<1x80xi32, #tpu.memory_space<vmem>> -> memref<80xi32, #tpu.memory_space<vmem>>
        %dma_wait3A_164 = arith.constant 0 : i32
        %dma_wait3A_165 = arith.constant 0 : i32
        %dma_wait3A_166 = tpu.memref_slice %arg10[%dma_wait3A_164, %dma_wait3A_165] : memref<10240x128xf32, #tpu.memory_space<vmem_shared>> -> memref<10240x128xf32, #tpu.memory_space<vmem_shared>>
        tpu.wait_indirect_dma semaphore(%run_scoped3A_154 : memref<!tpu.dma_semaphore, #tpu.memory_space<semaphore_mem>>) src(%arg8 : memref<80x128xf32, #tpu.memory_space<vmem>>) dst(%dma_wait3A_166 : memref<10240x128xf32, #tpu.memory_space<vmem_shared>>)
        tpu.yield
      }) : () -> ()
      %add3A_138 = arith.constant 2 : i32
      %add3A_139 = arith.addi %mul3A_123, %add3A_138 : i32
      %mul3A_140 = arith.constant 80 : i32
      %mul3A_141 = arith.muli %add3A_139, %mul3A_140 : i32
      %dma_start3A_142 = tpu.memref_slice %arg6[%mul3A_141] : memref<10000xi32, #tpu.memory_space<vmem>> -> memref<80xi32, #tpu.memory_space<vmem>>
      %dma_start3A_143 = arith.constant 0 : i32
      %dma_start3A_144 = arith.constant 0 : i32
      %dma_start3A_145 = tpu.memref_slice %arg4[%dma_start3A_143, %dma_start3A_144] : memref<10000x128xf32, #tpu.memory_space<hbm>> -> memref<10000x128xf32, #tpu.memory_space<hbm>>
      tpu.enqueue_indirect_dma source(%dma_start3A_145 : memref<10000x128xf32, #tpu.memory_space<hbm>>) target(%arg8 : memref<80x128xf32, #tpu.memory_space<vmem>>) offsets(%dma_start3A_142 : memref<80xi32, #tpu.memory_space<vmem>>) semaphore(%arg11 : memref<!tpu.dma_semaphore, #tpu.memory_space<semaphore_mem>>)
      %dma_wait3A_146 = arith.constant 0 : i32
      %dma_wait3A_147 = arith.constant 0 : i32
      %dma_wait3A_148 = tpu.memref_slice %arg4[%dma_wait3A_146, %dma_wait3A_147] : memref<10000x128xf32, #tpu.memory_space<hbm>> -> memref<80x128xf32, #tpu.memory_space<hbm>>
      %dma_wait3A_149 = arith.constant 0 : i32
      %dma_wait3A_150 = arith.constant 0 : i32
      %dma_wait3A_151 = tpu.memref_slice %arg4[%dma_wait3A_149, %dma_wait3A_150] : memref<10000x128xf32, #tpu.memory_space<hbm>> -> memref<80x128xf32, #tpu.memory_space<hbm>>
      tpu.wait_dma2 semaphore(%arg12 : memref<!tpu.dma_semaphore, #tpu.memory_space<semaphore_mem>>) src(%dma_wait3A_151 : memref<80x128xf32, #tpu.memory_space<hbm>>) dst(%arg9 : memref<80x128xf32, #tpu.memory_space<vmem>>)
      %add3A_152 = arith.constant 1 : i32
      %add3A_153 = arith.addi %mul3A_123, %add3A_152 : i32
      "tpu.region"() ({
        %run_scoped3A_154 = tpu.sem_alloc : memref<!tpu.dma_semaphore, #tpu.memory_space<semaphore_mem>>
        %dma_start3A_155 = arith.constant 0 : i32
        %dma_start3A_156 = tpu.memref_slice %arg7[%add3A_153, %dma_start3A_155] : memref<125x80xi32, #tpu.memory_space<vmem>> -> memref<1x80xi32, #tpu.memory_space<vmem>>
        %dma_start3A_157 = tpu.memref_squeeze %dma_start3A_156 : memref<1x80xi32, #tpu.memory_space<vmem>> -> memref<80xi32, #tpu.memory_space<vmem>>
        %dma_start3A_158 = arith.constant 0 : i32
        %dma_start3A_159 = arith.constant 0 : i32
        %dma_start3A_160 = tpu.memref_slice %arg10[%dma_start3A_158, %dma_start3A_159] : memref<10240x128xf32, #tpu.memory_space<vmem_shared>> -> memref<10240x128xf32, #tpu.memory_space<vmem_shared>>
        tpu.enqueue_indirect_dma source(%arg9 : memref<80x128xf32, #tpu.memory_space<vmem>>) target(%dma_start3A_160 : memref<10240x128xf32, #tpu.memory_space<vmem_shared>>) offsets(%dma_start3A_157 : memref<80xi32, #tpu.memory_space<vmem>>) semaphore(%run_scoped3A_154 : memref<!tpu.dma_semaphore, #tpu.memory_space<semaphore_mem>>) {add = true}
        %dma_wait3A_161 = arith.constant 0 : i32
        %dma_wait3A_162 = tpu.memref_slice %arg7[%add3A_153, %dma_wait3A_161] : memref<125x80xi32, #tpu.memory_space<vmem>> -> memref<1x80xi32, #tpu.memory_space<vmem>>
        %dma_wait3A_163 = tpu.memref_squeeze %dma_wait3A_162 : memref<1x80xi32, #tpu.memory_space<vmem>> -> memref<80xi32, #tpu.memory_space<vmem>>
        %dma_wait3A_164 = arith.constant 0 : i32
        %dma_wait3A_165 = arith.constant 0 : i32
        %dma_wait3A_166 = tpu.memref_slice %arg10[%dma_wait3A_164, %dma_wait3A_165] : memref<10240x128xf32, #tpu.memory_space<vmem_shared>> -> memref<10240x128xf32, #tpu.memory_space<vmem_shared>>
        tpu.wait_indirect_dma semaphore(%run_scoped3A_154 : memref<!tpu.dma_semaphore, #tpu.memory_space<semaphore_mem>>) src(%arg9 : memref<80x128xf32, #tpu.memory_space<vmem>>) dst(%dma_wait3A_166 : memref<10240x128xf32, #tpu.memory_space<vmem_shared>>)
        tpu.yield
      }) : () -> ()
    }
    %scan3A_46 = arith.constant 62 : i32
    %dma_wait3A = arith.constant 0 : i32
    %dma_wait3A_47 = arith.constant 0 : i32
    %dma_wait3A_48 = tpu.memref_slice %arg4[%dma_wait3A, %dma_wait3A_47] : memref<10000x128xf32, #tpu.memory_space<hbm>> -> memref<80x128xf32, #tpu.memory_space<hbm>>
    %dma_wait3A_49 = arith.constant 0 : i32
    %dma_wait3A_50 = arith.constant 0 : i32
    %dma_wait3A_51 = tpu.memref_slice %arg4[%dma_wait3A_49, %dma_wait3A_50] : memref<10000x128xf32, #tpu.memory_space<hbm>> -> memref<80x128xf32, #tpu.memory_space<hbm>>
    tpu.wait_dma2 semaphore(%arg11 : memref<!tpu.dma_semaphore, #tpu.memory_space<semaphore_mem>>) src(%dma_wait3A_51 : memref<80x128xf32, #tpu.memory_space<hbm>>) dst(%arg8 : memref<80x128xf32, #tpu.memory_space<vmem>>)
    %run_scoped3A = arith.constant 124 : i32
    "tpu.region"() ({
      %run_scoped3A_117 = tpu.sem_alloc : memref<!tpu.dma_semaphore, #tpu.memory_space<semaphore_mem>>
      %dma_start3A_118 = arith.constant 0 : i32
      %dma_start3A_119 = tpu.memref_slice %arg7[%run_scoped3A, %dma_start3A_118] : memref<125x80xi32, #tpu.memory_space<vmem>> -> memref<1x80xi32, #tpu.memory_space<vmem>>
      %dma_start3A_120 = tpu.memref_squeeze %dma_start3A_119 : memref<1x80xi32, #tpu.memory_space<vmem>> -> memref<80xi32, #tpu.memory_space<vmem>>
      %dma_start3A_121 = arith.constant 0 : i32
      %dma_start3A_122 = arith.constant 0 : i32
      %dma_start3A_123 = tpu.memref_slice %arg10[%dma_start3A_121, %dma_start3A_122] : memref<10240x128xf32, #tpu.memory_space<vmem_shared>> -> memref<10240x128xf32, #tpu.memory_space<vmem_shared>>
      tpu.enqueue_indirect_dma source(%arg8 : memref<80x128xf32, #tpu.memory_space<vmem>>) target(%dma_start3A_123 : memref<10240x128xf32, #tpu.memory_space<vmem_shared>>) offsets(%dma_start3A_120 : memref<80xi32, #tpu.memory_space<vmem>>) semaphore(%run_scoped3A_117 : memref<!tpu.dma_semaphore, #tpu.memory_space<semaphore_mem>>) {add = true}
      %dma_wait3A_124 = arith.constant 0 : i32
      %dma_wait3A_125 = tpu.memref_slice %arg7[%run_scoped3A, %dma_wait3A_124] : memref<125x80xi32, #tpu.memory_space<vmem>> -> memref<1x80xi32, #tpu.memory_space<vmem>>
      %dma_wait3A_126 = tpu.memref_squeeze %dma_wait3A_125 : memref<1x80xi32, #tpu.memory_space<vmem>> -> memref<80xi32, #tpu.memory_space<vmem>>
      %dma_wait3A_127 = arith.constant 0 : i32
      %dma_wait3A_128 = arith.constant 0 : i32
      %dma_wait3A_129 = tpu.memref_slice %arg10[%dma_wait3A_127, %dma_wait3A_128] : memref<10240x128xf32, #tpu.memory_space<vmem_shared>> -> memref<10240x128xf32, #tpu.memory_space<vmem_shared>>
      tpu.wait_indirect_dma semaphore(%run_scoped3A_117 : memref<!tpu.dma_semaphore, #tpu.memory_space<semaphore_mem>>) src(%arg8 : memref<80x128xf32, #tpu.memory_space<vmem>>) dst(%dma_wait3A_129 : memref<10240x128xf32, #tpu.memory_space<vmem_shared>>)
      tpu.yield
    }) : () -> ()
    %barrier3A_52 = arith.constant 0 : index
    tpu.barrier barrier_id(%barrier3A_52)
    %mul3A_53 = arith.constant 640 : i32
    %mul3A_54 = arith.muli %arg1, %mul3A_53 : i32
    %add3A_55 = arith.constant 0 : i32
    %add3A_56 = arith.addi %mul3A_54, %add3A_55 : i32
    %mul3A_57 = arith.constant 640 : i32
    %mul3A_58 = arith.muli %arg1, %mul3A_57 : i32
    %add3A_59 = arith.constant 0 : i32
    %add3A_60 = arith.addi %mul3A_58, %add3A_59 : i32
    "tpu.region"() ({
      %run_scoped3A_117 = tpu.sem_alloc : memref<!tpu.dma_semaphore, #tpu.memory_space<semaphore_mem>>
      %dma_start3A_118 = arith.constant 0 : i32
      %dma_start3A_119 = tpu.memref_slice %arg5[%arg0, %add3A_60, %dma_start3A_118] : memref<2x10240x128xf32, #tpu.memory_space<hbm>> -> memref<1x80x128xf32, #tpu.memory_space<hbm>>
      %dma_start3A_120 = tpu.memref_squeeze %dma_start3A_119 : memref<1x80x128xf32, #tpu.memory_space<hbm>> -> memref<80x128xf32, #tpu.memory_space<hbm>>
      %dma_start3A_121 = arith.constant 0 : i32
      %dma_start3A_122 = tpu.memref_slice %arg10[%add3A_56, %dma_start3A_121] : memref<10240x128xf32, #tpu.memory_space<vmem_shared>> -> memref<80x128xf32, #tpu.memory_space<vmem_shared>>
      tpu.enqueue_dma source(%dma_start3A_122 : memref<80x128xf32, #tpu.memory_space<vmem_shared>>) target(%dma_start3A_120 : memref<80x128xf32, #tpu.memory_space<hbm>>) target_semaphore(%run_scoped3A_117 : memref<!tpu.dma_semaphore, #tpu.memory_space<semaphore_mem>>)
      %dma_wait3A_123 = arith.constant 0 : i32
      %dma_wait3A_124 = tpu.memref_slice %arg5[%arg0, %add3A_60, %dma_wait3A_123] : memref<2x10240x128xf32, #tpu.memory_space<hbm>> -> memref<1x80x128xf32, #tpu.memory_space<hbm>>
      %dma_wait3A_125 = tpu.memref_squeeze %dma_wait3A_124 : memref<1x80x128xf32, #tpu.memory_space<hbm>> -> memref<80x128xf32, #tpu.memory_space<hbm>>
      %dma_wait3A_126 = arith.constant 0 : i32
      %dma_wait3A_127 = tpu.memref_slice %arg10[%add3A_56, %dma_wait3A_126] : memref<10240x128xf32, #tpu.memory_space<vmem_shared>> -> memref<80x128xf32, #tpu.memory_space<vmem_shared>>
      tpu.wait_dma2 semaphore(%run_scoped3A_117 : memref<!tpu.dma_semaphore, #tpu.memory_space<semaphore_mem>>) src(%dma_wait3A_127 : memref<80x128xf32, #tpu.memory_space<vmem_shared>>) dst(%dma_wait3A_125 : memref<80x128xf32, #tpu.memory_space<hbm>>)
      tpu.yield
    }) : () -> ()
    %mul3A_61 = arith.constant 640 : i32
    %mul3A_62 = arith.muli %arg1, %mul3A_61 : i32
    %add3A_63 = arith.constant 80 : i32
    %add3A_64 = arith.addi %mul3A_62, %add3A_63 : i32
    %mul3A_65 = arith.constant 640 : i32
    %mul3A_66 = arith.muli %arg1, %mul3A_65 : i32
    %add3A_67 = arith.constant 80 : i32
    %add3A_68 = arith.addi %mul3A_66, %add3A_67 : i32
    "tpu.region"() ({
      %run_scoped3A_117 = tpu.sem_alloc : memref<!tpu.dma_semaphore, #tpu.memory_space<semaphore_mem>>
      %dma_start3A_118 = arith.constant 0 : i32
      %dma_start3A_119 = tpu.memref_slice %arg5[%arg0, %add3A_68, %dma_start3A_118] : memref<2x10240x128xf32, #tpu.memory_space<hbm>> -> memref<1x80x128xf32, #tpu.memory_space<hbm>>
      %dma_start3A_120 = tpu.memref_squeeze %dma_start3A_119 : memref<1x80x128xf32, #tpu.memory_space<hbm>> -> memref<80x128xf32, #tpu.memory_space<hbm>>
      %dma_start3A_121 = arith.constant 0 : i32
      %dma_start3A_122 = tpu.memref_slice %arg10[%add3A_64, %dma_start3A_121] : memref<10240x128xf32, #tpu.memory_space<vmem_shared>> -> memref<80x128xf32, #tpu.memory_space<vmem_shared>>
      tpu.enqueue_dma source(%dma_start3A_122 : memref<80x128xf32, #tpu.memory_space<vmem_shared>>) target(%dma_start3A_120 : memref<80x128xf32, #tpu.memory_space<hbm>>) target_semaphore(%run_scoped3A_117 : memref<!tpu.dma_semaphore, #tpu.memory_space<semaphore_mem>>)
      %dma_wait3A_123 = arith.constant 0 : i32
      %dma_wait3A_124 = tpu.memref_slice %arg5[%arg0, %add3A_68, %dma_wait3A_123] : memref<2x10240x128xf32, #tpu.memory_space<hbm>> -> memref<1x80x128xf32, #tpu.memory_space<hbm>>
      %dma_wait3A_125 = tpu.memref_squeeze %dma_wait3A_124 : memref<1x80x128xf32, #tpu.memory_space<hbm>> -> memref<80x128xf32, #tpu.memory_space<hbm>>
      %dma_wait3A_126 = arith.constant 0 : i32
      %dma_wait3A_127 = tpu.memref_slice %arg10[%add3A_64, %dma_wait3A_126] : memref<10240x128xf32, #tpu.memory_space<vmem_shared>> -> memref<80x128xf32, #tpu.memory_space<vmem_shared>>
      tpu.wait_dma2 semaphore(%run_scoped3A_117 : memref<!tpu.dma_semaphore, #tpu.memory_space<semaphore_mem>>) src(%dma_wait3A_127 : memref<80x128xf32, #tpu.memory_space<vmem_shared>>) dst(%dma_wait3A_125 : memref<80x128xf32, #tpu.memory_space<hbm>>)
      tpu.yield
    }) : () -> ()
    %mul3A_69 = arith.constant 640 : i32
    %mul3A_70 = arith.muli %arg1, %mul3A_69 : i32
    %add3A_71 = arith.constant 160 : i32
    %add3A_72 = arith.addi %mul3A_70, %add3A_71 : i32
    %mul3A_73 = arith.constant 640 : i32
    %mul3A_74 = arith.muli %arg1, %mul3A_73 : i32
    %add3A_75 = arith.constant 160 : i32
    %add3A_76 = arith.addi %mul3A_74, %add3A_75 : i32
    "tpu.region"() ({
      %run_scoped3A_117 = tpu.sem_alloc : memref<!tpu.dma_semaphore, #tpu.memory_space<semaphore_mem>>
      %dma_start3A_118 = arith.constant 0 : i32
      %dma_start3A_119 = tpu.memref_slice %arg5[%arg0, %add3A_76, %dma_start3A_118] : memref<2x10240x128xf32, #tpu.memory_space<hbm>> -> memref<1x80x128xf32, #tpu.memory_space<hbm>>
      %dma_start3A_120 = tpu.memref_squeeze %dma_start3A_119 : memref<1x80x128xf32, #tpu.memory_space<hbm>> -> memref<80x128xf32, #tpu.memory_space<hbm>>
      %dma_start3A_121 = arith.constant 0 : i32
      %dma_start3A_122 = tpu.memref_slice %arg10[%add3A_72, %dma_start3A_121] : memref<10240x128xf32, #tpu.memory_space<vmem_shared>> -> memref<80x128xf32, #tpu.memory_space<vmem_shared>>
      tpu.enqueue_dma source(%dma_start3A_122 : memref<80x128xf32, #tpu.memory_space<vmem_shared>>) target(%dma_start3A_120 : memref<80x128xf32, #tpu.memory_space<hbm>>) target_semaphore(%run_scoped3A_117 : memref<!tpu.dma_semaphore, #tpu.memory_space<semaphore_mem>>)
      %dma_wait3A_123 = arith.constant 0 : i32
      %dma_wait3A_124 = tpu.memref_slice %arg5[%arg0, %add3A_76, %dma_wait3A_123] : memref<2x10240x128xf32, #tpu.memory_space<hbm>> -> memref<1x80x128xf32, #tpu.memory_space<hbm>>
      %dma_wait3A_125 = tpu.memref_squeeze %dma_wait3A_124 : memref<1x80x128xf32, #tpu.memory_space<hbm>> -> memref<80x128xf32, #tpu.memory_space<hbm>>
      %dma_wait3A_126 = arith.constant 0 : i32
      %dma_wait3A_127 = tpu.memref_slice %arg10[%add3A_72, %dma_wait3A_126] : memref<10240x128xf32, #tpu.memory_space<vmem_shared>> -> memref<80x128xf32, #tpu.memory_space<vmem_shared>>
      tpu.wait_dma2 semaphore(%run_scoped3A_117 : memref<!tpu.dma_semaphore, #tpu.memory_space<semaphore_mem>>) src(%dma_wait3A_127 : memref<80x128xf32, #tpu.memory_space<vmem_shared>>) dst(%dma_wait3A_125 : memref<80x128xf32, #tpu.memory_space<hbm>>)
      tpu.yield
    }) : () -> ()
    %mul3A_77 = arith.constant 640 : i32
    %mul3A_78 = arith.muli %arg1, %mul3A_77 : i32
    %add3A_79 = arith.constant 240 : i32
    %add3A_80 = arith.addi %mul3A_78, %add3A_79 : i32
    %mul3A_81 = arith.constant 640 : i32
    %mul3A_82 = arith.muli %arg1, %mul3A_81 : i32
    %add3A_83 = arith.constant 240 : i32
    %add3A_84 = arith.addi %mul3A_82, %add3A_83 : i32
    "tpu.region"() ({
      %run_scoped3A_117 = tpu.sem_alloc : memref<!tpu.dma_semaphore, #tpu.memory_space<semaphore_mem>>
      %dma_start3A_118 = arith.constant 0 : i32
      %dma_start3A_119 = tpu.memref_slice %arg5[%arg0, %add3A_84, %dma_start3A_118] : memref<2x10240x128xf32, #tpu.memory_space<hbm>> -> memref<1x80x128xf32, #tpu.memory_space<hbm>>
      %dma_start3A_120 = tpu.memref_squeeze %dma_start3A_119 : memref<1x80x128xf32, #tpu.memory_space<hbm>> -> memref<80x128xf32, #tpu.memory_space<hbm>>
      %dma_start3A_121 = arith.constant 0 : i32
      %dma_start3A_122 = tpu.memref_slice %arg10[%add3A_80, %dma_start3A_121] : memref<10240x128xf32, #tpu.memory_space<vmem_shared>> -> memref<80x128xf32, #tpu.memory_space<vmem_shared>>
      tpu.enqueue_dma source(%dma_start3A_122 : memref<80x128xf32, #tpu.memory_space<vmem_shared>>) target(%dma_start3A_120 : memref<80x128xf32, #tpu.memory_space<hbm>>) target_semaphore(%run_scoped3A_117 : memref<!tpu.dma_semaphore, #tpu.memory_space<semaphore_mem>>)
      %dma_wait3A_123 = arith.constant 0 : i32
      %dma_wait3A_124 = tpu.memref_slice %arg5[%arg0, %add3A_84, %dma_wait3A_123] : memref<2x10240x128xf32, #tpu.memory_space<hbm>> -> memref<1x80x128xf32, #tpu.memory_space<hbm>>
      %dma_wait3A_125 = tpu.memref_squeeze %dma_wait3A_124 : memref<1x80x128xf32, #tpu.memory_space<hbm>> -> memref<80x128xf32, #tpu.memory_space<hbm>>
      %dma_wait3A_126 = arith.constant 0 : i32
      %dma_wait3A_127 = tpu.memref_slice %arg10[%add3A_80, %dma_wait3A_126] : memref<10240x128xf32, #tpu.memory_space<vmem_shared>> -> memref<80x128xf32, #tpu.memory_space<vmem_shared>>
      tpu.wait_dma2 semaphore(%run_scoped3A_117 : memref<!tpu.dma_semaphore, #tpu.memory_space<semaphore_mem>>) src(%dma_wait3A_127 : memref<80x128xf32, #tpu.memory_space<vmem_shared>>) dst(%dma_wait3A_125 : memref<80x128xf32, #tpu.memory_space<hbm>>)
      tpu.yield
    }) : () -> ()
    %mul3A_85 = arith.constant 640 : i32
    %mul3A_86 = arith.muli %arg1, %mul3A_85 : i32
    %add3A_87 = arith.constant 320 : i32
    %add3A_88 = arith.addi %mul3A_86, %add3A_87 : i32
    %mul3A_89 = arith.constant 640 : i32
    %mul3A_90 = arith.muli %arg1, %mul3A_89 : i32
    %add3A_91 = arith.constant 320 : i32
    %add3A_92 = arith.addi %mul3A_90, %add3A_91 : i32
    "tpu.region"() ({
      %run_scoped3A_117 = tpu.sem_alloc : memref<!tpu.dma_semaphore, #tpu.memory_space<semaphore_mem>>
      %dma_start3A_118 = arith.constant 0 : i32
      %dma_start3A_119 = tpu.memref_slice %arg5[%arg0, %add3A_92, %dma_start3A_118] : memref<2x10240x128xf32, #tpu.memory_space<hbm>> -> memref<1x80x128xf32, #tpu.memory_space<hbm>>
      %dma_start3A_120 = tpu.memref_squeeze %dma_start3A_119 : memref<1x80x128xf32, #tpu.memory_space<hbm>> -> memref<80x128xf32, #tpu.memory_space<hbm>>
      %dma_start3A_121 = arith.constant 0 : i32
      %dma_start3A_122 = tpu.memref_slice %arg10[%add3A_88, %dma_start3A_121] : memref<10240x128xf32, #tpu.memory_space<vmem_shared>> -> memref<80x128xf32, #tpu.memory_space<vmem_shared>>
      tpu.enqueue_dma source(%dma_start3A_122 : memref<80x128xf32, #tpu.memory_space<vmem_shared>>) target(%dma_start3A_120 : memref<80x128xf32, #tpu.memory_space<hbm>>) target_semaphore(%run_scoped3A_117 : memref<!tpu.dma_semaphore, #tpu.memory_space<semaphore_mem>>)
      %dma_wait3A_123 = arith.constant 0 : i32
      %dma_wait3A_124 = tpu.memref_slice %arg5[%arg0, %add3A_92, %dma_wait3A_123] : memref<2x10240x128xf32, #tpu.memory_space<hbm>> -> memref<1x80x128xf32, #tpu.memory_space<hbm>>
      %dma_wait3A_125 = tpu.memref_squeeze %dma_wait3A_124 : memref<1x80x128xf32, #tpu.memory_space<hbm>> -> memref<80x128xf32, #tpu.memory_space<hbm>>
      %dma_wait3A_126 = arith.constant 0 : i32
      %dma_wait3A_127 = tpu.memref_slice %arg10[%add3A_88, %dma_wait3A_126] : memref<10240x128xf32, #tpu.memory_space<vmem_shared>> -> memref<80x128xf32, #tpu.memory_space<vmem_shared>>
      tpu.wait_dma2 semaphore(%run_scoped3A_117 : memref<!tpu.dma_semaphore, #tpu.memory_space<semaphore_mem>>) src(%dma_wait3A_127 : memref<80x128xf32, #tpu.memory_space<vmem_shared>>) dst(%dma_wait3A_125 : memref<80x128xf32, #tpu.memory_space<hbm>>)
      tpu.yield
    }) : () -> ()
    %mul3A_93 = arith.constant 640 : i32
    %mul3A_94 = arith.muli %arg1, %mul3A_93 : i32
    %add3A_95 = arith.constant 400 : i32
    %add3A_96 = arith.addi %mul3A_94, %add3A_95 : i32
    %mul3A_97 = arith.constant 640 : i32
    %mul3A_98 = arith.muli %arg1, %mul3A_97 : i32
    %add3A_99 = arith.constant 400 : i32
    %add3A_100 = arith.addi %mul3A_98, %add3A_99 : i32
    "tpu.region"() ({
      %run_scoped3A_117 = tpu.sem_alloc : memref<!tpu.dma_semaphore, #tpu.memory_space<semaphore_mem>>
      %dma_start3A_118 = arith.constant 0 : i32
      %dma_start3A_119 = tpu.memref_slice %arg5[%arg0, %add3A_100, %dma_start3A_118] : memref<2x10240x128xf32, #tpu.memory_space<hbm>> -> memref<1x80x128xf32, #tpu.memory_space<hbm>>
      %dma_start3A_120 = tpu.memref_squeeze %dma_start3A_119 : memref<1x80x128xf32, #tpu.memory_space<hbm>> -> memref<80x128xf32, #tpu.memory_space<hbm>>
      %dma_start3A_121 = arith.constant 0 : i32
      %dma_start3A_122 = tpu.memref_slice %arg10[%add3A_96, %dma_start3A_121] : memref<10240x128xf32, #tpu.memory_space<vmem_shared>> -> memref<80x128xf32, #tpu.memory_space<vmem_shared>>
      tpu.enqueue_dma source(%dma_start3A_122 : memref<80x128xf32, #tpu.memory_space<vmem_shared>>) target(%dma_start3A_120 : memref<80x128xf32, #tpu.memory_space<hbm>>) target_semaphore(%run_scoped3A_117 : memref<!tpu.dma_semaphore, #tpu.memory_space<semaphore_mem>>)
      %dma_wait3A_123 = arith.constant 0 : i32
      %dma_wait3A_124 = tpu.memref_slice %arg5[%arg0, %add3A_100, %dma_wait3A_123] : memref<2x10240x128xf32, #tpu.memory_space<hbm>> -> memref<1x80x128xf32, #tpu.memory_space<hbm>>
      %dma_wait3A_125 = tpu.memref_squeeze %dma_wait3A_124 : memref<1x80x128xf32, #tpu.memory_space<hbm>> -> memref<80x128xf32, #tpu.memory_space<hbm>>
      %dma_wait3A_126 = arith.constant 0 : i32
      %dma_wait3A_127 = tpu.memref_slice %arg10[%add3A_96, %dma_wait3A_126] : memref<10240x128xf32, #tpu.memory_space<vmem_shared>> -> memref<80x128xf32, #tpu.memory_space<vmem_shared>>
      tpu.wait_dma2 semaphore(%run_scoped3A_117 : memref<!tpu.dma_semaphore, #tpu.memory_space<semaphore_mem>>) src(%dma_wait3A_127 : memref<80x128xf32, #tpu.memory_space<vmem_shared>>) dst(%dma_wait3A_125 : memref<80x128xf32, #tpu.memory_space<hbm>>)
      tpu.yield
    }) : () -> ()
    %mul3A_101 = arith.constant 640 : i32
    %mul3A_102 = arith.muli %arg1, %mul3A_101 : i32
    %add3A_103 = arith.constant 480 : i32
    %add3A_104 = arith.addi %mul3A_102, %add3A_103 : i32
    %mul3A_105 = arith.constant 640 : i32
    %mul3A_106 = arith.muli %arg1, %mul3A_105 : i32
    %add3A_107 = arith.constant 480 : i32
    %add3A_108 = arith.addi %mul3A_106, %add3A_107 : i32
    "tpu.region"() ({
      %run_scoped3A_117 = tpu.sem_alloc : memref<!tpu.dma_semaphore, #tpu.memory_space<semaphore_mem>>
      %dma_start3A_118 = arith.constant 0 : i32
      %dma_start3A_119 = tpu.memref_slice %arg5[%arg0, %add3A_108, %dma_start3A_118] : memref<2x10240x128xf32, #tpu.memory_space<hbm>> -> memref<1x80x128xf32, #tpu.memory_space<hbm>>
      %dma_start3A_120 = tpu.memref_squeeze %dma_start3A_119 : memref<1x80x128xf32, #tpu.memory_space<hbm>> -> memref<80x128xf32, #tpu.memory_space<hbm>>
      %dma_start3A_121 = arith.constant 0 : i32
      %dma_start3A_122 = tpu.memref_slice %arg10[%add3A_104, %dma_start3A_121] : memref<10240x128xf32, #tpu.memory_space<vmem_shared>> -> memref<80x128xf32, #tpu.memory_space<vmem_shared>>
      tpu.enqueue_dma source(%dma_start3A_122 : memref<80x128xf32, #tpu.memory_space<vmem_shared>>) target(%dma_start3A_120 : memref<80x128xf32, #tpu.memory_space<hbm>>) target_semaphore(%run_scoped3A_117 : memref<!tpu.dma_semaphore, #tpu.memory_space<semaphore_mem>>)
      %dma_wait3A_123 = arith.constant 0 : i32
      %dma_wait3A_124 = tpu.memref_slice %arg5[%arg0, %add3A_108, %dma_wait3A_123] : memref<2x10240x128xf32, #tpu.memory_space<hbm>> -> memref<1x80x128xf32, #tpu.memory_space<hbm>>
      %dma_wait3A_125 = tpu.memref_squeeze %dma_wait3A_124 : memref<1x80x128xf32, #tpu.memory_space<hbm>> -> memref<80x128xf32, #tpu.memory_space<hbm>>
      %dma_wait3A_126 = arith.constant 0 : i32
      %dma_wait3A_127 = tpu.memref_slice %arg10[%add3A_104, %dma_wait3A_126] : memref<10240x128xf32, #tpu.memory_space<vmem_shared>> -> memref<80x128xf32, #tpu.memory_space<vmem_shared>>
      tpu.wait_dma2 semaphore(%run_scoped3A_117 : memref<!tpu.dma_semaphore, #tpu.memory_space<semaphore_mem>>) src(%dma_wait3A_127 : memref<80x128xf32, #tpu.memory_space<vmem_shared>>) dst(%dma_wait3A_125 : memref<80x128xf32, #tpu.memory_space<hbm>>)
      tpu.yield
    }) : () -> ()
    %mul3A_109 = arith.constant 640 : i32
    %mul3A_110 = arith.muli %arg1, %mul3A_109 : i32
    %add3A_111 = arith.constant 560 : i32
    %add3A_112 = arith.addi %mul3A_110, %add3A_111 : i32
    %mul3A_113 = arith.constant 640 : i32
    %mul3A_114 = arith.muli %arg1, %mul3A_113 : i32
    %add3A_115 = arith.constant 560 : i32
    %add3A_116 = arith.addi %mul3A_114, %add3A_115 : i32
    "tpu.region"() ({
      %run_scoped3A_117 = tpu.sem_alloc : memref<!tpu.dma_semaphore, #tpu.memory_space<semaphore_mem>>
      %dma_start3A_118 = arith.constant 0 : i32
      %dma_start3A_119 = tpu.memref_slice %arg5[%arg0, %add3A_116, %dma_start3A_118] : memref<2x10240x128xf32, #tpu.memory_space<hbm>> -> memref<1x80x128xf32, #tpu.memory_space<hbm>>
      %dma_start3A_120 = tpu.memref_squeeze %dma_start3A_119 : memref<1x80x128xf32, #tpu.memory_space<hbm>> -> memref<80x128xf32, #tpu.memory_space<hbm>>
      %dma_start3A_121 = arith.constant 0 : i32
      %dma_start3A_122 = tpu.memref_slice %arg10[%add3A_112, %dma_start3A_121] : memref<10240x128xf32, #tpu.memory_space<vmem_shared>> -> memref<80x128xf32, #tpu.memory_space<vmem_shared>>
      tpu.enqueue_dma source(%dma_start3A_122 : memref<80x128xf32, #tpu.memory_space<vmem_shared>>) target(%dma_start3A_120 : memref<80x128xf32, #tpu.memory_space<hbm>>) target_semaphore(%run_scoped3A_117 : memref<!tpu.dma_semaphore, #tpu.memory_space<semaphore_mem>>)
      %dma_wait3A_123 = arith.constant 0 : i32
      %dma_wait3A_124 = tpu.memref_slice %arg5[%arg0, %add3A_116, %dma_wait3A_123] : memref<2x10240x128xf32, #tpu.memory_space<hbm>> -> memref<1x80x128xf32, #tpu.memory_space<hbm>>
      %dma_wait3A_125 = tpu.memref_squeeze %dma_wait3A_124 : memref<1x80x128xf32, #tpu.memory_space<hbm>> -> memref<80x128xf32, #tpu.memory_space<hbm>>
      %dma_wait3A_126 = arith.constant 0 : i32
      %dma_wait3A_127 = tpu.memref_slice %arg10[%add3A_112, %dma_wait3A_126] : memref<10240x128xf32, #tpu.memory_space<vmem_shared>> -> memref<80x128xf32, #tpu.memory_space<vmem_shared>>
      tpu.wait_dma2 semaphore(%run_scoped3A_117 : memref<!tpu.dma_semaphore, #tpu.memory_space<semaphore_mem>>) src(%dma_wait3A_127 : memref<80x128xf32, #tpu.memory_space<vmem_shared>>) dst(%dma_wait3A_125 : memref<80x128xf32, #tpu.memory_space<hbm>>)
      tpu.yield
    }) : () -> ()
    return
  }
}

#map = affine_map<(d0, d1) -> (0, 0)>
module attributes {stable_mosaic.version = 14 : i64} {
  func.func @_deg_kernel(%arg0: i32, %arg1: i32, %arg2: memref<32x10000xi32, #tpu.memory_space<hbm>>, %arg3: memref<2x10240xf32, #tpu.memory_space<hbm>>, %arg4: memref<10000xi32, #tpu.memory_space<vmem>>, %arg5: memref<10240xf32, #tpu.memory_space<vmem>>, %arg6: memref<10240xf32, #tpu.memory_space<vmem>>, %arg7: memref<640xf32, #tpu.memory_space<vmem>>, %arg8: memref<163840xf32, #tpu.memory_space<vmem_shared>>) attributes {dimension_semantics = [#tpu.dimension_semantics<core_parallel>, #tpu.dimension_semantics<subcore_parallel>], iteration_bounds = array<i64: 2, 16>, scalar_prefetch = 0 : i64, scratch_operands = 5 : i64, tpu.core_type = #tpu.core_type<sc_vector_subcore>, window_params = [{transform_indices = #map}, {transform_indices = #map}]} {
    %mul3A = arith.constant 16 : i32
    %mul3A_0 = arith.muli %arg0, %mul3A : i32
    %add3A = arith.addi %mul3A_0, %arg1 : i32
    "tpu.region"() ({
      %run_scoped3A = tpu.sem_alloc : memref<!tpu.dma_semaphore, #tpu.memory_space<semaphore_mem>>
      %dma_start3A = arith.constant 0 : i32
      %dma_start3A_86 = tpu.memref_slice %arg2[%add3A, %dma_start3A] : memref<32x10000xi32, #tpu.memory_space<hbm>> -> memref<1x10000xi32, #tpu.memory_space<hbm>>
      %dma_start3A_87 = tpu.memref_squeeze %dma_start3A_86 : memref<1x10000xi32, #tpu.memory_space<hbm>> -> memref<10000xi32, #tpu.memory_space<hbm>>
      %dma_start3A_88 = arith.constant 0 : i32
      %dma_start3A_89 = tpu.memref_slice %arg2[%add3A, %dma_start3A_88] : memref<32x10000xi32, #tpu.memory_space<hbm>> -> memref<1x10000xi32, #tpu.memory_space<hbm>>
      %dma_start3A_90 = tpu.memref_squeeze %dma_start3A_89 : memref<1x10000xi32, #tpu.memory_space<hbm>> -> memref<10000xi32, #tpu.memory_space<hbm>>
      tpu.enqueue_dma source(%dma_start3A_90 : memref<10000xi32, #tpu.memory_space<hbm>>) target(%arg4 : memref<10000xi32, #tpu.memory_space<vmem>>) target_semaphore(%run_scoped3A : memref<!tpu.dma_semaphore, #tpu.memory_space<semaphore_mem>>)
      %dma_wait3A = arith.constant 0 : i32
      %dma_wait3A_91 = tpu.memref_slice %arg2[%add3A, %dma_wait3A] : memref<32x10000xi32, #tpu.memory_space<hbm>> -> memref<1x10000xi32, #tpu.memory_space<hbm>>
      %dma_wait3A_92 = tpu.memref_squeeze %dma_wait3A_91 : memref<1x10000xi32, #tpu.memory_space<hbm>> -> memref<10000xi32, #tpu.memory_space<hbm>>
      %dma_wait3A_93 = arith.constant 0 : i32
      %dma_wait3A_94 = tpu.memref_slice %arg2[%add3A, %dma_wait3A_93] : memref<32x10000xi32, #tpu.memory_space<hbm>> -> memref<1x10000xi32, #tpu.memory_space<hbm>>
      %dma_wait3A_95 = tpu.memref_squeeze %dma_wait3A_94 : memref<1x10000xi32, #tpu.memory_space<hbm>> -> memref<10000xi32, #tpu.memory_space<hbm>>
      tpu.wait_dma2 semaphore(%run_scoped3A : memref<!tpu.dma_semaphore, #tpu.memory_space<semaphore_mem>>) src(%dma_wait3A_95 : memref<10000xi32, #tpu.memory_space<hbm>>) dst(%arg4 : memref<10000xi32, #tpu.memory_space<vmem>>)
      tpu.yield
    }) : () -> ()
    %broadcast_in_dim3A = arith.constant 0.000000e+00 : f32
    %broadcast_in_dim3A_1 = vector.broadcast %broadcast_in_dim3A : f32 to vector<16xf32>
    %scan3A = arith.constant 0 : i32
    %scan3A_2 = arith.constant 640 : i32
    %scan3A_3 = arith.addi %scan3A, %scan3A_2 : i32
    %scan3A_4 = arith.constant 1 : i32
    scf.for %scan3A_86 = %scan3A to %scan3A_3 step %scan3A_4  : i32 {
      %mul3A_87 = arith.constant 1 : i32
      %mul3A_88 = arith.muli %scan3A_86, %mul3A_87 : i32
      %add3A_89 = arith.constant 0 : i32
      %add3A_90 = arith.addi %add3A_89, %mul3A_88 : i32
      %mul3A_91 = arith.constant 16 : i32
      %mul3A_92 = arith.muli %add3A_90, %mul3A_91 : i32
      %swap3A = arith.index_cast %mul3A_92 : i32 to index
      %swap3A_93 = tpu.vector_load %arg5[%swap3A] {strides = array<i32>} : memref<10240xf32, #tpu.memory_space<vmem>>, vector<16xf32>,
      tpu.vector_store %arg5[%swap3A], %broadcast_in_dim3A_1 {strides = array<i32>} : memref<10240xf32, #tpu.memory_space<vmem>>, vector<16xf32>,
    }
    %scan3A_5 = arith.constant 640 : i32
    %broadcast_in_dim3A_6 = arith.constant 1.000000e+00 : f32
    %broadcast_in_dim3A_7 = vector.broadcast %broadcast_in_dim3A_6 : f32 to vector<16xf32>
    %scan3A_8 = arith.constant 0 : i32
    %scan3A_9 = arith.constant 625 : i32
    %scan3A_10 = arith.addi %scan3A_8, %scan3A_9 : i32
    %scan3A_11 = arith.constant 1 : i32
    scf.for %scan3A_86 = %scan3A_8 to %scan3A_10 step %scan3A_11  : i32 {
      %mul3A_87 = arith.constant 1 : i32
      %mul3A_88 = arith.muli %scan3A_86, %mul3A_87 : i32
      %add3A_89 = arith.constant 0 : i32
      %add3A_90 = arith.addi %add3A_89, %mul3A_88 : i32
      %mul3A_91 = arith.constant 16 : i32
      %mul3A_92 = arith.muli %add3A_90, %mul3A_91 : i32
      %get3A = arith.index_cast %mul3A_92 : i32 to index
      %get3A_93 = tpu.vector_load %arg4[%get3A] {strides = array<i32>} : memref<10000xi32, #tpu.memory_space<vmem>>, vector<16xi32>,
      tpu.vector_store_idx %arg5[%get3A_93], %broadcast_in_dim3A_7 {add = true} : memref<10240xf32, #tpu.memory_space<vmem>>[vector<16xi32>], vector<16xf32>,
    }
    %scan3A_12 = arith.constant 625 : i32
    %mul3A_13 = arith.constant 10240 : i32
    %mul3A_14 = arith.muli %arg1, %mul3A_13 : i32
    "tpu.region"() ({
      %run_scoped3A = tpu.sem_alloc : memref<!tpu.dma_semaphore, #tpu.memory_space<semaphore_mem>>
      %dma_start3A = tpu.memref_slice %arg8[%mul3A_14] : memref<163840xf32, #tpu.memory_space<vmem_shared>> -> memref<10240xf32, #tpu.memory_space<vmem_shared>>
      %dma_start3A_86 = tpu.memref_slice %arg8[%mul3A_14] : memref<163840xf32, #tpu.memory_space<vmem_shared>> -> memref<10240xf32, #tpu.memory_space<vmem_shared>>
      tpu.enqueue_dma source(%arg5 : memref<10240xf32, #tpu.memory_space<vmem>>) target(%dma_start3A_86 : memref<10240xf32, #tpu.memory_space<vmem_shared>>) target_semaphore(%run_scoped3A : memref<!tpu.dma_semaphore, #tpu.memory_space<semaphore_mem>>)
      %dma_wait3A = tpu.memref_slice %arg8[%mul3A_14] : memref<163840xf32, #tpu.memory_space<vmem_shared>> -> memref<10240xf32, #tpu.memory_space<vmem_shared>>
      %dma_wait3A_87 = tpu.memref_slice %arg8[%mul3A_14] : memref<163840xf32, #tpu.memory_space<vmem_shared>> -> memref<10240xf32, #tpu.memory_space<vmem_shared>>
      tpu.wait_dma2 semaphore(%run_scoped3A : memref<!tpu.dma_semaphore, #tpu.memory_space<semaphore_mem>>) src(%arg5 : memref<10240xf32, #tpu.memory_space<vmem>>) dst(%dma_wait3A_87 : memref<10240xf32, #tpu.memory_space<vmem_shared>>)
      tpu.yield
    }) : () -> ()
    %barrier3A = arith.constant 0 : index
    tpu.barrier barrier_id(%barrier3A)
    %mul3A_15 = arith.constant 640 : i32
    %mul3A_16 = arith.muli %arg1, %mul3A_15 : i32
    %add3A_17 = arith.constant 0 : i32
    %add3A_18 = arith.addi %add3A_17, %mul3A_16 : i32
    "tpu.region"() ({
      %run_scoped3A = tpu.sem_alloc : memref<!tpu.dma_semaphore, #tpu.memory_space<semaphore_mem>>
      %dma_start3A = arith.constant 0 : i32
      %dma_start3A_86 = tpu.memref_slice %arg6[%dma_start3A] : memref<10240xf32, #tpu.memory_space<vmem>> -> memref<640xf32, #tpu.memory_space<vmem>>
      %dma_start3A_87 = tpu.memref_slice %arg8[%add3A_18] : memref<163840xf32, #tpu.memory_space<vmem_shared>> -> memref<640xf32, #tpu.memory_space<vmem_shared>>
      %dma_start3A_88 = arith.constant 0 : i32
      %dma_start3A_89 = tpu.memref_slice %arg6[%dma_start3A_88] : memref<10240xf32, #tpu.memory_space<vmem>> -> memref<640xf32, #tpu.memory_space<vmem>>
      %dma_start3A_90 = tpu.memref_slice %arg8[%add3A_18] : memref<163840xf32, #tpu.memory_space<vmem_shared>> -> memref<640xf32, #tpu.memory_space<vmem_shared>>
      tpu.enqueue_dma source(%dma_start3A_90 : memref<640xf32, #tpu.memory_space<vmem_shared>>) target(%dma_start3A_89 : memref<640xf32, #tpu.memory_space<vmem>>) target_semaphore(%run_scoped3A : memref<!tpu.dma_semaphore, #tpu.memory_space<semaphore_mem>>)
      %dma_wait3A = arith.constant 0 : i32
      %dma_wait3A_91 = tpu.memref_slice %arg6[%dma_wait3A] : memref<10240xf32, #tpu.memory_space<vmem>> -> memref<640xf32, #tpu.memory_space<vmem>>
      %dma_wait3A_92 = tpu.memref_slice %arg8[%add3A_18] : memref<163840xf32, #tpu.memory_space<vmem_shared>> -> memref<640xf32, #tpu.memory_space<vmem_shared>>
      %dma_wait3A_93 = arith.constant 0 : i32
      %dma_wait3A_94 = tpu.memref_slice %arg6[%dma_wait3A_93] : memref<10240xf32, #tpu.memory_space<vmem>> -> memref<640xf32, #tpu.memory_space<vmem>>
      %dma_wait3A_95 = tpu.memref_slice %arg8[%add3A_18] : memref<163840xf32, #tpu.memory_space<vmem_shared>> -> memref<640xf32, #tpu.memory_space<vmem_shared>>
      tpu.wait_dma2 semaphore(%run_scoped3A : memref<!tpu.dma_semaphore, #tpu.memory_space<semaphore_mem>>) src(%dma_wait3A_95 : memref<640xf32, #tpu.memory_space<vmem_shared>>) dst(%dma_wait3A_94 : memref<640xf32, #tpu.memory_space<vmem>>)
      tpu.yield
    }) : () -> ()
    %mul3A_19 = arith.constant 640 : i32
    %mul3A_20 = arith.muli %arg1, %mul3A_19 : i32
    %add3A_21 = arith.constant 10240 : i32
    %add3A_22 = arith.addi %add3A_21, %mul3A_20 : i32
    "tpu.region"() ({
      %run_scoped3A = tpu.sem_alloc : memref<!tpu.dma_semaphore, #tpu.memory_space<semaphore_mem>>
      %dma_start3A = arith.constant 640 : i32
      %dma_start3A_86 = tpu.memref_slice %arg6[%dma_start3A] : memref<10240xf32, #tpu.memory_space<vmem>> -> memref<640xf32, #tpu.memory_space<vmem>>
      %dma_start3A_87 = tpu.memref_slice %arg8[%add3A_22] : memref<163840xf32, #tpu.memory_space<vmem_shared>> -> memref<640xf32, #tpu.memory_space<vmem_shared>>
      %dma_start3A_88 = arith.constant 640 : i32
      %dma_start3A_89 = tpu.memref_slice %arg6[%dma_start3A_88] : memref<10240xf32, #tpu.memory_space<vmem>> -> memref<640xf32, #tpu.memory_space<vmem>>
      %dma_start3A_90 = tpu.memref_slice %arg8[%add3A_22] : memref<163840xf32, #tpu.memory_space<vmem_shared>> -> memref<640xf32, #tpu.memory_space<vmem_shared>>
      tpu.enqueue_dma source(%dma_start3A_90 : memref<640xf32, #tpu.memory_space<vmem_shared>>) target(%dma_start3A_89 : memref<640xf32, #tpu.memory_space<vmem>>) target_semaphore(%run_scoped3A : memref<!tpu.dma_semaphore, #tpu.memory_space<semaphore_mem>>)
      %dma_wait3A = arith.constant 640 : i32
      %dma_wait3A_91 = tpu.memref_slice %arg6[%dma_wait3A] : memref<10240xf32, #tpu.memory_space<vmem>> -> memref<640xf32, #tpu.memory_space<vmem>>
      %dma_wait3A_92 = tpu.memref_slice %arg8[%add3A_22] : memref<163840xf32, #tpu.memory_space<vmem_shared>> -> memref<640xf32, #tpu.memory_space<vmem_shared>>
      %dma_wait3A_93 = arith.constant 640 : i32
      %dma_wait3A_94 = tpu.memref_slice %arg6[%dma_wait3A_93] : memref<10240xf32, #tpu.memory_space<vmem>> -> memref<640xf32, #tpu.memory_space<vmem>>
      %dma_wait3A_95 = tpu.memref_slice %arg8[%add3A_22] : memref<163840xf32, #tpu.memory_space<vmem_shared>> -> memref<640xf32, #tpu.memory_space<vmem_shared>>
      tpu.wait_dma2 semaphore(%run_scoped3A : memref<!tpu.dma_semaphore, #tpu.memory_space<semaphore_mem>>) src(%dma_wait3A_95 : memref<640xf32, #tpu.memory_space<vmem_shared>>) dst(%dma_wait3A_94 : memref<640xf32, #tpu.memory_space<vmem>>)
      tpu.yield
    }) : () -> ()
    %mul3A_23 = arith.constant 640 : i32
    %mul3A_24 = arith.muli %arg1, %mul3A_23 : i32
    %add3A_25 = arith.constant 20480 : i32
    %add3A_26 = arith.addi %add3A_25, %mul3A_24 : i32
    "tpu.region"() ({
      %run_scoped3A = tpu.sem_alloc : memref<!tpu.dma_semaphore, #tpu.memory_space<semaphore_mem>>
      %dma_start3A = arith.constant 1280 : i32
      %dma_start3A_86 = tpu.memref_slice %arg6[%dma_start3A] : memref<10240xf32, #tpu.memory_space<vmem>> -> memref<640xf32, #tpu.memory_space<vmem>>
      %dma_start3A_87 = tpu.memref_slice %arg8[%add3A_26] : memref<163840xf32, #tpu.memory_space<vmem_shared>> -> memref<640xf32, #tpu.memory_space<vmem_shared>>
      %dma_start3A_88 = arith.constant 1280 : i32
      %dma_start3A_89 = tpu.memref_slice %arg6[%dma_start3A_88] : memref<10240xf32, #tpu.memory_space<vmem>> -> memref<640xf32, #tpu.memory_space<vmem>>
      %dma_start3A_90 = tpu.memref_slice %arg8[%add3A_26] : memref<163840xf32, #tpu.memory_space<vmem_shared>> -> memref<640xf32, #tpu.memory_space<vmem_shared>>
      tpu.enqueue_dma source(%dma_start3A_90 : memref<640xf32, #tpu.memory_space<vmem_shared>>) target(%dma_start3A_89 : memref<640xf32, #tpu.memory_space<vmem>>) target_semaphore(%run_scoped3A : memref<!tpu.dma_semaphore, #tpu.memory_space<semaphore_mem>>)
      %dma_wait3A = arith.constant 1280 : i32
      %dma_wait3A_91 = tpu.memref_slice %arg6[%dma_wait3A] : memref<10240xf32, #tpu.memory_space<vmem>> -> memref<640xf32, #tpu.memory_space<vmem>>
      %dma_wait3A_92 = tpu.memref_slice %arg8[%add3A_26] : memref<163840xf32, #tpu.memory_space<vmem_shared>> -> memref<640xf32, #tpu.memory_space<vmem_shared>>
      %dma_wait3A_93 = arith.constant 1280 : i32
      %dma_wait3A_94 = tpu.memref_slice %arg6[%dma_wait3A_93] : memref<10240xf32, #tpu.memory_space<vmem>> -> memref<640xf32, #tpu.memory_space<vmem>>
      %dma_wait3A_95 = tpu.memref_slice %arg8[%add3A_26] : memref<163840xf32, #tpu.memory_space<vmem_shared>> -> memref<640xf32, #tpu.memory_space<vmem_shared>>
      tpu.wait_dma2 semaphore(%run_scoped3A : memref<!tpu.dma_semaphore, #tpu.memory_space<semaphore_mem>>) src(%dma_wait3A_95 : memref<640xf32, #tpu.memory_space<vmem_shared>>) dst(%dma_wait3A_94 : memref<640xf32, #tpu.memory_space<vmem>>)
      tpu.yield
    }) : () -> ()
    %mul3A_27 = arith.constant 640 : i32
    %mul3A_28 = arith.muli %arg1, %mul3A_27 : i32
    %add3A_29 = arith.constant 30720 : i32
    %add3A_30 = arith.addi %add3A_29, %mul3A_28 : i32
    "tpu.region"() ({
      %run_scoped3A = tpu.sem_alloc : memref<!tpu.dma_semaphore, #tpu.memory_space<semaphore_mem>>
      %dma_start3A = arith.constant 1920 : i32
      %dma_start3A_86 = tpu.memref_slice %arg6[%dma_start3A] : memref<10240xf32, #tpu.memory_space<vmem>> -> memref<640xf32, #tpu.memory_space<vmem>>
      %dma_start3A_87 = tpu.memref_slice %arg8[%add3A_30] : memref<163840xf32, #tpu.memory_space<vmem_shared>> -> memref<640xf32, #tpu.memory_space<vmem_shared>>
      %dma_start3A_88 = arith.constant 1920 : i32
      %dma_start3A_89 = tpu.memref_slice %arg6[%dma_start3A_88] : memref<10240xf32, #tpu.memory_space<vmem>> -> memref<640xf32, #tpu.memory_space<vmem>>
      %dma_start3A_90 = tpu.memref_slice %arg8[%add3A_30] : memref<163840xf32, #tpu.memory_space<vmem_shared>> -> memref<640xf32, #tpu.memory_space<vmem_shared>>
      tpu.enqueue_dma source(%dma_start3A_90 : memref<640xf32, #tpu.memory_space<vmem_shared>>) target(%dma_start3A_89 : memref<640xf32, #tpu.memory_space<vmem>>) target_semaphore(%run_scoped3A : memref<!tpu.dma_semaphore, #tpu.memory_space<semaphore_mem>>)
      %dma_wait3A = arith.constant 1920 : i32
      %dma_wait3A_91 = tpu.memref_slice %arg6[%dma_wait3A] : memref<10240xf32, #tpu.memory_space<vmem>> -> memref<640xf32, #tpu.memory_space<vmem>>
      %dma_wait3A_92 = tpu.memref_slice %arg8[%add3A_30] : memref<163840xf32, #tpu.memory_space<vmem_shared>> -> memref<640xf32, #tpu.memory_space<vmem_shared>>
      %dma_wait3A_93 = arith.constant 1920 : i32
      %dma_wait3A_94 = tpu.memref_slice %arg6[%dma_wait3A_93] : memref<10240xf32, #tpu.memory_space<vmem>> -> memref<640xf32, #tpu.memory_space<vmem>>
      %dma_wait3A_95 = tpu.memref_slice %arg8[%add3A_30] : memref<163840xf32, #tpu.memory_space<vmem_shared>> -> memref<640xf32, #tpu.memory_space<vmem_shared>>
      tpu.wait_dma2 semaphore(%run_scoped3A : memref<!tpu.dma_semaphore, #tpu.memory_space<semaphore_mem>>) src(%dma_wait3A_95 : memref<640xf32, #tpu.memory_space<vmem_shared>>) dst(%dma_wait3A_94 : memref<640xf32, #tpu.memory_space<vmem>>)
      tpu.yield
    }) : () -> ()
    %mul3A_31 = arith.constant 640 : i32
    %mul3A_32 = arith.muli %arg1, %mul3A_31 : i32
    %add3A_33 = arith.constant 40960 : i32
    %add3A_34 = arith.addi %add3A_33, %mul3A_32 : i32
    "tpu.region"() ({
      %run_scoped3A = tpu.sem_alloc : memref<!tpu.dma_semaphore, #tpu.memory_space<semaphore_mem>>
      %dma_start3A = arith.constant 2560 : i32
      %dma_start3A_86 = tpu.memref_slice %arg6[%dma_start3A] : memref<10240xf32, #tpu.memory_space<vmem>> -> memref<640xf32, #tpu.memory_space<vmem>>
      %dma_start3A_87 = tpu.memref_slice %arg8[%add3A_34] : memref<163840xf32, #tpu.memory_space<vmem_shared>> -> memref<640xf32, #tpu.memory_space<vmem_shared>>
      %dma_start3A_88 = arith.constant 2560 : i32
      %dma_start3A_89 = tpu.memref_slice %arg6[%dma_start3A_88] : memref<10240xf32, #tpu.memory_space<vmem>> -> memref<640xf32, #tpu.memory_space<vmem>>
      %dma_start3A_90 = tpu.memref_slice %arg8[%add3A_34] : memref<163840xf32, #tpu.memory_space<vmem_shared>> -> memref<640xf32, #tpu.memory_space<vmem_shared>>
      tpu.enqueue_dma source(%dma_start3A_90 : memref<640xf32, #tpu.memory_space<vmem_shared>>) target(%dma_start3A_89 : memref<640xf32, #tpu.memory_space<vmem>>) target_semaphore(%run_scoped3A : memref<!tpu.dma_semaphore, #tpu.memory_space<semaphore_mem>>)
      %dma_wait3A = arith.constant 2560 : i32
      %dma_wait3A_91 = tpu.memref_slice %arg6[%dma_wait3A] : memref<10240xf32, #tpu.memory_space<vmem>> -> memref<640xf32, #tpu.memory_space<vmem>>
      %dma_wait3A_92 = tpu.memref_slice %arg8[%add3A_34] : memref<163840xf32, #tpu.memory_space<vmem_shared>> -> memref<640xf32, #tpu.memory_space<vmem_shared>>
      %dma_wait3A_93 = arith.constant 2560 : i32
      %dma_wait3A_94 = tpu.memref_slice %arg6[%dma_wait3A_93] : memref<10240xf32, #tpu.memory_space<vmem>> -> memref<640xf32, #tpu.memory_space<vmem>>
      %dma_wait3A_95 = tpu.memref_slice %arg8[%add3A_34] : memref<163840xf32, #tpu.memory_space<vmem_shared>> -> memref<640xf32, #tpu.memory_space<vmem_shared>>
      tpu.wait_dma2 semaphore(%run_scoped3A : memref<!tpu.dma_semaphore, #tpu.memory_space<semaphore_mem>>) src(%dma_wait3A_95 : memref<640xf32, #tpu.memory_space<vmem_shared>>) dst(%dma_wait3A_94 : memref<640xf32, #tpu.memory_space<vmem>>)
      tpu.yield
    }) : () -> ()
    %mul3A_35 = arith.constant 640 : i32
    %mul3A_36 = arith.muli %arg1, %mul3A_35 : i32
    %add3A_37 = arith.constant 51200 : i32
    %add3A_38 = arith.addi %add3A_37, %mul3A_36 : i32
    "tpu.region"() ({
      %run_scoped3A = tpu.sem_alloc : memref<!tpu.dma_semaphore, #tpu.memory_space<semaphore_mem>>
      %dma_start3A = arith.constant 3200 : i32
      %dma_start3A_86 = tpu.memref_slice %arg6[%dma_start3A] : memref<10240xf32, #tpu.memory_space<vmem>> -> memref<640xf32, #tpu.memory_space<vmem>>
      %dma_start3A_87 = tpu.memref_slice %arg8[%add3A_38] : memref<163840xf32, #tpu.memory_space<vmem_shared>> -> memref<640xf32, #tpu.memory_space<vmem_shared>>
      %dma_start3A_88 = arith.constant 3200 : i32
      %dma_start3A_89 = tpu.memref_slice %arg6[%dma_start3A_88] : memref<10240xf32, #tpu.memory_space<vmem>> -> memref<640xf32, #tpu.memory_space<vmem>>
      %dma_start3A_90 = tpu.memref_slice %arg8[%add3A_38] : memref<163840xf32, #tpu.memory_space<vmem_shared>> -> memref<640xf32, #tpu.memory_space<vmem_shared>>
      tpu.enqueue_dma source(%dma_start3A_90 : memref<640xf32, #tpu.memory_space<vmem_shared>>) target(%dma_start3A_89 : memref<640xf32, #tpu.memory_space<vmem>>) target_semaphore(%run_scoped3A : memref<!tpu.dma_semaphore, #tpu.memory_space<semaphore_mem>>)
      %dma_wait3A = arith.constant 3200 : i32
      %dma_wait3A_91 = tpu.memref_slice %arg6[%dma_wait3A] : memref<10240xf32, #tpu.memory_space<vmem>> -> memref<640xf32, #tpu.memory_space<vmem>>
      %dma_wait3A_92 = tpu.memref_slice %arg8[%add3A_38] : memref<163840xf32, #tpu.memory_space<vmem_shared>> -> memref<640xf32, #tpu.memory_space<vmem_shared>>
      %dma_wait3A_93 = arith.constant 3200 : i32
      %dma_wait3A_94 = tpu.memref_slice %arg6[%dma_wait3A_93] : memref<10240xf32, #tpu.memory_space<vmem>> -> memref<640xf32, #tpu.memory_space<vmem>>
      %dma_wait3A_95 = tpu.memref_slice %arg8[%add3A_38] : memref<163840xf32, #tpu.memory_space<vmem_shared>> -> memref<640xf32, #tpu.memory_space<vmem_shared>>
      tpu.wait_dma2 semaphore(%run_scoped3A : memref<!tpu.dma_semaphore, #tpu.memory_space<semaphore_mem>>) src(%dma_wait3A_95 : memref<640xf32, #tpu.memory_space<vmem_shared>>) dst(%dma_wait3A_94 : memref<640xf32, #tpu.memory_space<vmem>>)
      tpu.yield
    }) : () -> ()
    %mul3A_39 = arith.constant 640 : i32
    %mul3A_40 = arith.muli %arg1, %mul3A_39 : i32
    %add3A_41 = arith.constant 61440 : i32
    %add3A_42 = arith.addi %add3A_41, %mul3A_40 : i32
    "tpu.region"() ({
      %run_scoped3A = tpu.sem_alloc : memref<!tpu.dma_semaphore, #tpu.memory_space<semaphore_mem>>
      %dma_start3A = arith.constant 3840 : i32
      %dma_start3A_86 = tpu.memref_slice %arg6[%dma_start3A] : memref<10240xf32, #tpu.memory_space<vmem>> -> memref<640xf32, #tpu.memory_space<vmem>>
      %dma_start3A_87 = tpu.memref_slice %arg8[%add3A_42] : memref<163840xf32, #tpu.memory_space<vmem_shared>> -> memref<640xf32, #tpu.memory_space<vmem_shared>>
      %dma_start3A_88 = arith.constant 3840 : i32
      %dma_start3A_89 = tpu.memref_slice %arg6[%dma_start3A_88] : memref<10240xf32, #tpu.memory_space<vmem>> -> memref<640xf32, #tpu.memory_space<vmem>>
      %dma_start3A_90 = tpu.memref_slice %arg8[%add3A_42] : memref<163840xf32, #tpu.memory_space<vmem_shared>> -> memref<640xf32, #tpu.memory_space<vmem_shared>>
      tpu.enqueue_dma source(%dma_start3A_90 : memref<640xf32, #tpu.memory_space<vmem_shared>>) target(%dma_start3A_89 : memref<640xf32, #tpu.memory_space<vmem>>) target_semaphore(%run_scoped3A : memref<!tpu.dma_semaphore, #tpu.memory_space<semaphore_mem>>)
      %dma_wait3A = arith.constant 3840 : i32
      %dma_wait3A_91 = tpu.memref_slice %arg6[%dma_wait3A] : memref<10240xf32, #tpu.memory_space<vmem>> -> memref<640xf32, #tpu.memory_space<vmem>>
      %dma_wait3A_92 = tpu.memref_slice %arg8[%add3A_42] : memref<163840xf32, #tpu.memory_space<vmem_shared>> -> memref<640xf32, #tpu.memory_space<vmem_shared>>
      %dma_wait3A_93 = arith.constant 3840 : i32
      %dma_wait3A_94 = tpu.memref_slice %arg6[%dma_wait3A_93] : memref<10240xf32, #tpu.memory_space<vmem>> -> memref<640xf32, #tpu.memory_space<vmem>>
      %dma_wait3A_95 = tpu.memref_slice %arg8[%add3A_42] : memref<163840xf32, #tpu.memory_space<vmem_shared>> -> memref<640xf32, #tpu.memory_space<vmem_shared>>
      tpu.wait_dma2 semaphore(%run_scoped3A : memref<!tpu.dma_semaphore, #tpu.memory_space<semaphore_mem>>) src(%dma_wait3A_95 : memref<640xf32, #tpu.memory_space<vmem_shared>>) dst(%dma_wait3A_94 : memref<640xf32, #tpu.memory_space<vmem>>)
      tpu.yield
    }) : () -> ()
    %mul3A_43 = arith.constant 640 : i32
    %mul3A_44 = arith.muli %arg1, %mul3A_43 : i32
    %add3A_45 = arith.constant 71680 : i32
    %add3A_46 = arith.addi %add3A_45, %mul3A_44 : i32
    "tpu.region"() ({
      %run_scoped3A = tpu.sem_alloc : memref<!tpu.dma_semaphore, #tpu.memory_space<semaphore_mem>>
      %dma_start3A = arith.constant 4480 : i32
      %dma_start3A_86 = tpu.memref_slice %arg6[%dma_start3A] : memref<10240xf32, #tpu.memory_space<vmem>> -> memref<640xf32, #tpu.memory_space<vmem>>
      %dma_start3A_87 = tpu.memref_slice %arg8[%add3A_46] : memref<163840xf32, #tpu.memory_space<vmem_shared>> -> memref<640xf32, #tpu.memory_space<vmem_shared>>
      %dma_start3A_88 = arith.constant 4480 : i32
      %dma_start3A_89 = tpu.memref_slice %arg6[%dma_start3A_88] : memref<10240xf32, #tpu.memory_space<vmem>> -> memref<640xf32, #tpu.memory_space<vmem>>
      %dma_start3A_90 = tpu.memref_slice %arg8[%add3A_46] : memref<163840xf32, #tpu.memory_space<vmem_shared>> -> memref<640xf32, #tpu.memory_space<vmem_shared>>
      tpu.enqueue_dma source(%dma_start3A_90 : memref<640xf32, #tpu.memory_space<vmem_shared>>) target(%dma_start3A_89 : memref<640xf32, #tpu.memory_space<vmem>>) target_semaphore(%run_scoped3A : memref<!tpu.dma_semaphore, #tpu.memory_space<semaphore_mem>>)
      %dma_wait3A = arith.constant 4480 : i32
      %dma_wait3A_91 = tpu.memref_slice %arg6[%dma_wait3A] : memref<10240xf32, #tpu.memory_space<vmem>> -> memref<640xf32, #tpu.memory_space<vmem>>
      %dma_wait3A_92 = tpu.memref_slice %arg8[%add3A_46] : memref<163840xf32, #tpu.memory_space<vmem_shared>> -> memref<640xf32, #tpu.memory_space<vmem_shared>>
      %dma_wait3A_93 = arith.constant 4480 : i32
      %dma_wait3A_94 = tpu.memref_slice %arg6[%dma_wait3A_93] : memref<10240xf32, #tpu.memory_space<vmem>> -> memref<640xf32, #tpu.memory_space<vmem>>
      %dma_wait3A_95 = tpu.memref_slice %arg8[%add3A_46] : memref<163840xf32, #tpu.memory_space<vmem_shared>> -> memref<640xf32, #tpu.memory_space<vmem_shared>>
      tpu.wait_dma2 semaphore(%run_scoped3A : memref<!tpu.dma_semaphore, #tpu.memory_space<semaphore_mem>>) src(%dma_wait3A_95 : memref<640xf32, #tpu.memory_space<vmem_shared>>) dst(%dma_wait3A_94 : memref<640xf32, #tpu.memory_space<vmem>>)
      tpu.yield
    }) : () -> ()
    %mul3A_47 = arith.constant 640 : i32
    %mul3A_48 = arith.muli %arg1, %mul3A_47 : i32
    %add3A_49 = arith.constant 81920 : i32
    %add3A_50 = arith.addi %add3A_49, %mul3A_48 : i32
    "tpu.region"() ({
      %run_scoped3A = tpu.sem_alloc : memref<!tpu.dma_semaphore, #tpu.memory_space<semaphore_mem>>
      %dma_start3A = arith.constant 5120 : i32
      %dma_start3A_86 = tpu.memref_slice %arg6[%dma_start3A] : memref<10240xf32, #tpu.memory_space<vmem>> -> memref<640xf32, #tpu.memory_space<vmem>>
      %dma_start3A_87 = tpu.memref_slice %arg8[%add3A_50] : memref<163840xf32, #tpu.memory_space<vmem_shared>> -> memref<640xf32, #tpu.memory_space<vmem_shared>>
      %dma_start3A_88 = arith.constant 5120 : i32
      %dma_start3A_89 = tpu.memref_slice %arg6[%dma_start3A_88] : memref<10240xf32, #tpu.memory_space<vmem>> -> memref<640xf32, #tpu.memory_space<vmem>>
      %dma_start3A_90 = tpu.memref_slice %arg8[%add3A_50] : memref<163840xf32, #tpu.memory_space<vmem_shared>> -> memref<640xf32, #tpu.memory_space<vmem_shared>>
      tpu.enqueue_dma source(%dma_start3A_90 : memref<640xf32, #tpu.memory_space<vmem_shared>>) target(%dma_start3A_89 : memref<640xf32, #tpu.memory_space<vmem>>) target_semaphore(%run_scoped3A : memref<!tpu.dma_semaphore, #tpu.memory_space<semaphore_mem>>)
      %dma_wait3A = arith.constant 5120 : i32
      %dma_wait3A_91 = tpu.memref_slice %arg6[%dma_wait3A] : memref<10240xf32, #tpu.memory_space<vmem>> -> memref<640xf32, #tpu.memory_space<vmem>>
      %dma_wait3A_92 = tpu.memref_slice %arg8[%add3A_50] : memref<163840xf32, #tpu.memory_space<vmem_shared>> -> memref<640xf32, #tpu.memory_space<vmem_shared>>
      %dma_wait3A_93 = arith.constant 5120 : i32
      %dma_wait3A_94 = tpu.memref_slice %arg6[%dma_wait3A_93] : memref<10240xf32, #tpu.memory_space<vmem>> -> memref<640xf32, #tpu.memory_space<vmem>>
      %dma_wait3A_95 = tpu.memref_slice %arg8[%add3A_50] : memref<163840xf32, #tpu.memory_space<vmem_shared>> -> memref<640xf32, #tpu.memory_space<vmem_shared>>
      tpu.wait_dma2 semaphore(%run_scoped3A : memref<!tpu.dma_semaphore, #tpu.memory_space<semaphore_mem>>) src(%dma_wait3A_95 : memref<640xf32, #tpu.memory_space<vmem_shared>>) dst(%dma_wait3A_94 : memref<640xf32, #tpu.memory_space<vmem>>)
      tpu.yield
    }) : () -> ()
    %mul3A_51 = arith.constant 640 : i32
    %mul3A_52 = arith.muli %arg1, %mul3A_51 : i32
    %add3A_53 = arith.constant 92160 : i32
    %add3A_54 = arith.addi %add3A_53, %mul3A_52 : i32
    "tpu.region"() ({
      %run_scoped3A = tpu.sem_alloc : memref<!tpu.dma_semaphore, #tpu.memory_space<semaphore_mem>>
      %dma_start3A = arith.constant 5760 : i32
      %dma_start3A_86 = tpu.memref_slice %arg6[%dma_start3A] : memref<10240xf32, #tpu.memory_space<vmem>> -> memref<640xf32, #tpu.memory_space<vmem>>
      %dma_start3A_87 = tpu.memref_slice %arg8[%add3A_54] : memref<163840xf32, #tpu.memory_space<vmem_shared>> -> memref<640xf32, #tpu.memory_space<vmem_shared>>
      %dma_start3A_88 = arith.constant 5760 : i32
      %dma_start3A_89 = tpu.memref_slice %arg6[%dma_start3A_88] : memref<10240xf32, #tpu.memory_space<vmem>> -> memref<640xf32, #tpu.memory_space<vmem>>
      %dma_start3A_90 = tpu.memref_slice %arg8[%add3A_54] : memref<163840xf32, #tpu.memory_space<vmem_shared>> -> memref<640xf32, #tpu.memory_space<vmem_shared>>
      tpu.enqueue_dma source(%dma_start3A_90 : memref<640xf32, #tpu.memory_space<vmem_shared>>) target(%dma_start3A_89 : memref<640xf32, #tpu.memory_space<vmem>>) target_semaphore(%run_scoped3A : memref<!tpu.dma_semaphore, #tpu.memory_space<semaphore_mem>>)
      %dma_wait3A = arith.constant 5760 : i32
      %dma_wait3A_91 = tpu.memref_slice %arg6[%dma_wait3A] : memref<10240xf32, #tpu.memory_space<vmem>> -> memref<640xf32, #tpu.memory_space<vmem>>
      %dma_wait3A_92 = tpu.memref_slice %arg8[%add3A_54] : memref<163840xf32, #tpu.memory_space<vmem_shared>> -> memref<640xf32, #tpu.memory_space<vmem_shared>>
      %dma_wait3A_93 = arith.constant 5760 : i32
      %dma_wait3A_94 = tpu.memref_slice %arg6[%dma_wait3A_93] : memref<10240xf32, #tpu.memory_space<vmem>> -> memref<640xf32, #tpu.memory_space<vmem>>
      %dma_wait3A_95 = tpu.memref_slice %arg8[%add3A_54] : memref<163840xf32, #tpu.memory_space<vmem_shared>> -> memref<640xf32, #tpu.memory_space<vmem_shared>>
      tpu.wait_dma2 semaphore(%run_scoped3A : memref<!tpu.dma_semaphore, #tpu.memory_space<semaphore_mem>>) src(%dma_wait3A_95 : memref<640xf32, #tpu.memory_space<vmem_shared>>) dst(%dma_wait3A_94 : memref<640xf32, #tpu.memory_space<vmem>>)
      tpu.yield
    }) : () -> ()
    %mul3A_55 = arith.constant 640 : i32
    %mul3A_56 = arith.muli %arg1, %mul3A_55 : i32
    %add3A_57 = arith.constant 102400 : i32
    %add3A_58 = arith.addi %add3A_57, %mul3A_56 : i32
    "tpu.region"() ({
      %run_scoped3A = tpu.sem_alloc : memref<!tpu.dma_semaphore, #tpu.memory_space<semaphore_mem>>
      %dma_start3A = arith.constant 6400 : i32
      %dma_start3A_86 = tpu.memref_slice %arg6[%dma_start3A] : memref<10240xf32, #tpu.memory_space<vmem>> -> memref<640xf32, #tpu.memory_space<vmem>>
      %dma_start3A_87 = tpu.memref_slice %arg8[%add3A_58] : memref<163840xf32, #tpu.memory_space<vmem_shared>> -> memref<640xf32, #tpu.memory_space<vmem_shared>>
      %dma_start3A_88 = arith.constant 6400 : i32
      %dma_start3A_89 = tpu.memref_slice %arg6[%dma_start3A_88] : memref<10240xf32, #tpu.memory_space<vmem>> -> memref<640xf32, #tpu.memory_space<vmem>>
      %dma_start3A_90 = tpu.memref_slice %arg8[%add3A_58] : memref<163840xf32, #tpu.memory_space<vmem_shared>> -> memref<640xf32, #tpu.memory_space<vmem_shared>>
      tpu.enqueue_dma source(%dma_start3A_90 : memref<640xf32, #tpu.memory_space<vmem_shared>>) target(%dma_start3A_89 : memref<640xf32, #tpu.memory_space<vmem>>) target_semaphore(%run_scoped3A : memref<!tpu.dma_semaphore, #tpu.memory_space<semaphore_mem>>)
      %dma_wait3A = arith.constant 6400 : i32
      %dma_wait3A_91 = tpu.memref_slice %arg6[%dma_wait3A] : memref<10240xf32, #tpu.memory_space<vmem>> -> memref<640xf32, #tpu.memory_space<vmem>>
      %dma_wait3A_92 = tpu.memref_slice %arg8[%add3A_58] : memref<163840xf32, #tpu.memory_space<vmem_shared>> -> memref<640xf32, #tpu.memory_space<vmem_shared>>
      %dma_wait3A_93 = arith.constant 6400 : i32
      %dma_wait3A_94 = tpu.memref_slice %arg6[%dma_wait3A_93] : memref<10240xf32, #tpu.memory_space<vmem>> -> memref<640xf32, #tpu.memory_space<vmem>>
      %dma_wait3A_95 = tpu.memref_slice %arg8[%add3A_58] : memref<163840xf32, #tpu.memory_space<vmem_shared>> -> memref<640xf32, #tpu.memory_space<vmem_shared>>
      tpu.wait_dma2 semaphore(%run_scoped3A : memref<!tpu.dma_semaphore, #tpu.memory_space<semaphore_mem>>) src(%dma_wait3A_95 : memref<640xf32, #tpu.memory_space<vmem_shared>>) dst(%dma_wait3A_94 : memref<640xf32, #tpu.memory_space<vmem>>)
      tpu.yield
    }) : () -> ()
    %mul3A_59 = arith.constant 640 : i32
    %mul3A_60 = arith.muli %arg1, %mul3A_59 : i32
    %add3A_61 = arith.constant 112640 : i32
    %add3A_62 = arith.addi %add3A_61, %mul3A_60 : i32
    "tpu.region"() ({
      %run_scoped3A = tpu.sem_alloc : memref<!tpu.dma_semaphore, #tpu.memory_space<semaphore_mem>>
      %dma_start3A = arith.constant 7040 : i32
      %dma_start3A_86 = tpu.memref_slice %arg6[%dma_start3A] : memref<10240xf32, #tpu.memory_space<vmem>> -> memref<640xf32, #tpu.memory_space<vmem>>
      %dma_start3A_87 = tpu.memref_slice %arg8[%add3A_62] : memref<163840xf32, #tpu.memory_space<vmem_shared>> -> memref<640xf32, #tpu.memory_space<vmem_shared>>
      %dma_start3A_88 = arith.constant 7040 : i32
      %dma_start3A_89 = tpu.memref_slice %arg6[%dma_start3A_88] : memref<10240xf32, #tpu.memory_space<vmem>> -> memref<640xf32, #tpu.memory_space<vmem>>
      %dma_start3A_90 = tpu.memref_slice %arg8[%add3A_62] : memref<163840xf32, #tpu.memory_space<vmem_shared>> -> memref<640xf32, #tpu.memory_space<vmem_shared>>
      tpu.enqueue_dma source(%dma_start3A_90 : memref<640xf32, #tpu.memory_space<vmem_shared>>) target(%dma_start3A_89 : memref<640xf32, #tpu.memory_space<vmem>>) target_semaphore(%run_scoped3A : memref<!tpu.dma_semaphore, #tpu.memory_space<semaphore_mem>>)
      %dma_wait3A = arith.constant 7040 : i32
      %dma_wait3A_91 = tpu.memref_slice %arg6[%dma_wait3A] : memref<10240xf32, #tpu.memory_space<vmem>> -> memref<640xf32, #tpu.memory_space<vmem>>
      %dma_wait3A_92 = tpu.memref_slice %arg8[%add3A_62] : memref<163840xf32, #tpu.memory_space<vmem_shared>> -> memref<640xf32, #tpu.memory_space<vmem_shared>>
      %dma_wait3A_93 = arith.constant 7040 : i32
      %dma_wait3A_94 = tpu.memref_slice %arg6[%dma_wait3A_93] : memref<10240xf32, #tpu.memory_space<vmem>> -> memref<640xf32, #tpu.memory_space<vmem>>
      %dma_wait3A_95 = tpu.memref_slice %arg8[%add3A_62] : memref<163840xf32, #tpu.memory_space<vmem_shared>> -> memref<640xf32, #tpu.memory_space<vmem_shared>>
      tpu.wait_dma2 semaphore(%run_scoped3A : memref<!tpu.dma_semaphore, #tpu.memory_space<semaphore_mem>>) src(%dma_wait3A_95 : memref<640xf32, #tpu.memory_space<vmem_shared>>) dst(%dma_wait3A_94 : memref<640xf32, #tpu.memory_space<vmem>>)
      tpu.yield
    }) : () -> ()
    %mul3A_63 = arith.constant 640 : i32
    %mul3A_64 = arith.muli %arg1, %mul3A_63 : i32
    %add3A_65 = arith.constant 122880 : i32
    %add3A_66 = arith.addi %add3A_65, %mul3A_64 : i32
    "tpu.region"() ({
      %run_scoped3A = tpu.sem_alloc : memref<!tpu.dma_semaphore, #tpu.memory_space<semaphore_mem>>
      %dma_start3A = arith.constant 7680 : i32
      %dma_start3A_86 = tpu.memref_slice %arg6[%dma_start3A] : memref<10240xf32, #tpu.memory_space<vmem>> -> memref<640xf32, #tpu.memory_space<vmem>>
      %dma_start3A_87 = tpu.memref_slice %arg8[%add3A_66] : memref<163840xf32, #tpu.memory_space<vmem_shared>> -> memref<640xf32, #tpu.memory_space<vmem_shared>>
      %dma_start3A_88 = arith.constant 7680 : i32
      %dma_start3A_89 = tpu.memref_slice %arg6[%dma_start3A_88] : memref<10240xf32, #tpu.memory_space<vmem>> -> memref<640xf32, #tpu.memory_space<vmem>>
      %dma_start3A_90 = tpu.memref_slice %arg8[%add3A_66] : memref<163840xf32, #tpu.memory_space<vmem_shared>> -> memref<640xf32, #tpu.memory_space<vmem_shared>>
      tpu.enqueue_dma source(%dma_start3A_90 : memref<640xf32, #tpu.memory_space<vmem_shared>>) target(%dma_start3A_89 : memref<640xf32, #tpu.memory_space<vmem>>) target_semaphore(%run_scoped3A : memref<!tpu.dma_semaphore, #tpu.memory_space<semaphore_mem>>)
      %dma_wait3A = arith.constant 7680 : i32
      %dma_wait3A_91 = tpu.memref_slice %arg6[%dma_wait3A] : memref<10240xf32, #tpu.memory_space<vmem>> -> memref<640xf32, #tpu.memory_space<vmem>>
      %dma_wait3A_92 = tpu.memref_slice %arg8[%add3A_66] : memref<163840xf32, #tpu.memory_space<vmem_shared>> -> memref<640xf32, #tpu.memory_space<vmem_shared>>
      %dma_wait3A_93 = arith.constant 7680 : i32
      %dma_wait3A_94 = tpu.memref_slice %arg6[%dma_wait3A_93] : memref<10240xf32, #tpu.memory_space<vmem>> -> memref<640xf32, #tpu.memory_space<vmem>>
      %dma_wait3A_95 = tpu.memref_slice %arg8[%add3A_66] : memref<163840xf32, #tpu.memory_space<vmem_shared>> -> memref<640xf32, #tpu.memory_space<vmem_shared>>
      tpu.wait_dma2 semaphore(%run_scoped3A : memref<!tpu.dma_semaphore, #tpu.memory_space<semaphore_mem>>) src(%dma_wait3A_95 : memref<640xf32, #tpu.memory_space<vmem_shared>>) dst(%dma_wait3A_94 : memref<640xf32, #tpu.memory_space<vmem>>)
      tpu.yield
    }) : () -> ()
    %mul3A_67 = arith.constant 640 : i32
    %mul3A_68 = arith.muli %arg1, %mul3A_67 : i32
    %add3A_69 = arith.constant 133120 : i32
    %add3A_70 = arith.addi %add3A_69, %mul3A_68 : i32
    "tpu.region"() ({
      %run_scoped3A = tpu.sem_alloc : memref<!tpu.dma_semaphore, #tpu.memory_space<semaphore_mem>>
      %dma_start3A = arith.constant 8320 : i32
      %dma_start3A_86 = tpu.memref_slice %arg6[%dma_start3A] : memref<10240xf32, #tpu.memory_space<vmem>> -> memref<640xf32, #tpu.memory_space<vmem>>
      %dma_start3A_87 = tpu.memref_slice %arg8[%add3A_70] : memref<163840xf32, #tpu.memory_space<vmem_shared>> -> memref<640xf32, #tpu.memory_space<vmem_shared>>
      %dma_start3A_88 = arith.constant 8320 : i32
      %dma_start3A_89 = tpu.memref_slice %arg6[%dma_start3A_88] : memref<10240xf32, #tpu.memory_space<vmem>> -> memref<640xf32, #tpu.memory_space<vmem>>
      %dma_start3A_90 = tpu.memref_slice %arg8[%add3A_70] : memref<163840xf32, #tpu.memory_space<vmem_shared>> -> memref<640xf32, #tpu.memory_space<vmem_shared>>
      tpu.enqueue_dma source(%dma_start3A_90 : memref<640xf32, #tpu.memory_space<vmem_shared>>) target(%dma_start3A_89 : memref<640xf32, #tpu.memory_space<vmem>>) target_semaphore(%run_scoped3A : memref<!tpu.dma_semaphore, #tpu.memory_space<semaphore_mem>>)
      %dma_wait3A = arith.constant 8320 : i32
      %dma_wait3A_91 = tpu.memref_slice %arg6[%dma_wait3A] : memref<10240xf32, #tpu.memory_space<vmem>> -> memref<640xf32, #tpu.memory_space<vmem>>
      %dma_wait3A_92 = tpu.memref_slice %arg8[%add3A_70] : memref<163840xf32, #tpu.memory_space<vmem_shared>> -> memref<640xf32, #tpu.memory_space<vmem_shared>>
      %dma_wait3A_93 = arith.constant 8320 : i32
      %dma_wait3A_94 = tpu.memref_slice %arg6[%dma_wait3A_93] : memref<10240xf32, #tpu.memory_space<vmem>> -> memref<640xf32, #tpu.memory_space<vmem>>
      %dma_wait3A_95 = tpu.memref_slice %arg8[%add3A_70] : memref<163840xf32, #tpu.memory_space<vmem_shared>> -> memref<640xf32, #tpu.memory_space<vmem_shared>>
      tpu.wait_dma2 semaphore(%run_scoped3A : memref<!tpu.dma_semaphore, #tpu.memory_space<semaphore_mem>>) src(%dma_wait3A_95 : memref<640xf32, #tpu.memory_space<vmem_shared>>) dst(%dma_wait3A_94 : memref<640xf32, #tpu.memory_space<vmem>>)
      tpu.yield
    }) : () -> ()
    %mul3A_71 = arith.constant 640 : i32
    %mul3A_72 = arith.muli %arg1, %mul3A_71 : i32
    %add3A_73 = arith.constant 143360 : i32
    %add3A_74 = arith.addi %add3A_73, %mul3A_72 : i32
    "tpu.region"() ({
      %run_scoped3A = tpu.sem_alloc : memref<!tpu.dma_semaphore, #tpu.memory_space<semaphore_mem>>
      %dma_start3A = arith.constant 8960 : i32
      %dma_start3A_86 = tpu.memref_slice %arg6[%dma_start3A] : memref<10240xf32, #tpu.memory_space<vmem>> -> memref<640xf32, #tpu.memory_space<vmem>>
      %dma_start3A_87 = tpu.memref_slice %arg8[%add3A_74] : memref<163840xf32, #tpu.memory_space<vmem_shared>> -> memref<640xf32, #tpu.memory_space<vmem_shared>>
      %dma_start3A_88 = arith.constant 8960 : i32
      %dma_start3A_89 = tpu.memref_slice %arg6[%dma_start3A_88] : memref<10240xf32, #tpu.memory_space<vmem>> -> memref<640xf32, #tpu.memory_space<vmem>>
      %dma_start3A_90 = tpu.memref_slice %arg8[%add3A_74] : memref<163840xf32, #tpu.memory_space<vmem_shared>> -> memref<640xf32, #tpu.memory_space<vmem_shared>>
      tpu.enqueue_dma source(%dma_start3A_90 : memref<640xf32, #tpu.memory_space<vmem_shared>>) target(%dma_start3A_89 : memref<640xf32, #tpu.memory_space<vmem>>) target_semaphore(%run_scoped3A : memref<!tpu.dma_semaphore, #tpu.memory_space<semaphore_mem>>)
      %dma_wait3A = arith.constant 8960 : i32
      %dma_wait3A_91 = tpu.memref_slice %arg6[%dma_wait3A] : memref<10240xf32, #tpu.memory_space<vmem>> -> memref<640xf32, #tpu.memory_space<vmem>>
      %dma_wait3A_92 = tpu.memref_slice %arg8[%add3A_74] : memref<163840xf32, #tpu.memory_space<vmem_shared>> -> memref<640xf32, #tpu.memory_space<vmem_shared>>
      %dma_wait3A_93 = arith.constant 8960 : i32
      %dma_wait3A_94 = tpu.memref_slice %arg6[%dma_wait3A_93] : memref<10240xf32, #tpu.memory_space<vmem>> -> memref<640xf32, #tpu.memory_space<vmem>>
      %dma_wait3A_95 = tpu.memref_slice %arg8[%add3A_74] : memref<163840xf32, #tpu.memory_space<vmem_shared>> -> memref<640xf32, #tpu.memory_space<vmem_shared>>
      tpu.wait_dma2 semaphore(%run_scoped3A : memref<!tpu.dma_semaphore, #tpu.memory_space<semaphore_mem>>) src(%dma_wait3A_95 : memref<640xf32, #tpu.memory_space<vmem_shared>>) dst(%dma_wait3A_94 : memref<640xf32, #tpu.memory_space<vmem>>)
      tpu.yield
    }) : () -> ()
    %mul3A_75 = arith.constant 640 : i32
    %mul3A_76 = arith.muli %arg1, %mul3A_75 : i32
    %add3A_77 = arith.constant 153600 : i32
    %add3A_78 = arith.addi %add3A_77, %mul3A_76 : i32
    "tpu.region"() ({
      %run_scoped3A = tpu.sem_alloc : memref<!tpu.dma_semaphore, #tpu.memory_space<semaphore_mem>>
      %dma_start3A = arith.constant 9600 : i32
      %dma_start3A_86 = tpu.memref_slice %arg6[%dma_start3A] : memref<10240xf32, #tpu.memory_space<vmem>> -> memref<640xf32, #tpu.memory_space<vmem>>
      %dma_start3A_87 = tpu.memref_slice %arg8[%add3A_78] : memref<163840xf32, #tpu.memory_space<vmem_shared>> -> memref<640xf32, #tpu.memory_space<vmem_shared>>
      %dma_start3A_88 = arith.constant 9600 : i32
      %dma_start3A_89 = tpu.memref_slice %arg6[%dma_start3A_88] : memref<10240xf32, #tpu.memory_space<vmem>> -> memref<640xf32, #tpu.memory_space<vmem>>
      %dma_start3A_90 = tpu.memref_slice %arg8[%add3A_78] : memref<163840xf32, #tpu.memory_space<vmem_shared>> -> memref<640xf32, #tpu.memory_space<vmem_shared>>
      tpu.enqueue_dma source(%dma_start3A_90 : memref<640xf32, #tpu.memory_space<vmem_shared>>) target(%dma_start3A_89 : memref<640xf32, #tpu.memory_space<vmem>>) target_semaphore(%run_scoped3A : memref<!tpu.dma_semaphore, #tpu.memory_space<semaphore_mem>>)
      %dma_wait3A = arith.constant 9600 : i32
      %dma_wait3A_91 = tpu.memref_slice %arg6[%dma_wait3A] : memref<10240xf32, #tpu.memory_space<vmem>> -> memref<640xf32, #tpu.memory_space<vmem>>
      %dma_wait3A_92 = tpu.memref_slice %arg8[%add3A_78] : memref<163840xf32, #tpu.memory_space<vmem_shared>> -> memref<640xf32, #tpu.memory_space<vmem_shared>>
      %dma_wait3A_93 = arith.constant 9600 : i32
      %dma_wait3A_94 = tpu.memref_slice %arg6[%dma_wait3A_93] : memref<10240xf32, #tpu.memory_space<vmem>> -> memref<640xf32, #tpu.memory_space<vmem>>
      %dma_wait3A_95 = tpu.memref_slice %arg8[%add3A_78] : memref<163840xf32, #tpu.memory_space<vmem_shared>> -> memref<640xf32, #tpu.memory_space<vmem_shared>>
      tpu.wait_dma2 semaphore(%run_scoped3A : memref<!tpu.dma_semaphore, #tpu.memory_space<semaphore_mem>>) src(%dma_wait3A_95 : memref<640xf32, #tpu.memory_space<vmem_shared>>) dst(%dma_wait3A_94 : memref<640xf32, #tpu.memory_space<vmem>>)
      tpu.yield
    }) : () -> ()
    %scan3A_79 = arith.constant 0 : i32
    %scan3A_80 = arith.constant 40 : i32
    %scan3A_81 = arith.addi %scan3A_79, %scan3A_80 : i32
    %scan3A_82 = arith.constant 1 : i32
    scf.for %scan3A_86 = %scan3A_79 to %scan3A_81 step %scan3A_82  : i32 {
      %mul3A_87 = arith.constant 1 : i32
      %mul3A_88 = arith.muli %scan3A_86, %mul3A_87 : i32
      %add3A_89 = arith.constant 0 : i32
      %add3A_90 = arith.addi %add3A_89, %mul3A_88 : i32
      %mul3A_91 = arith.constant 16 : i32
      %mul3A_92 = arith.muli %add3A_90, %mul3A_91 : i32
      %get3A = arith.index_cast %mul3A_92 : i32 to index
      %get3A_93 = tpu.vector_load %arg6[%get3A] {strides = array<i32>} : memref<10240xf32, #tpu.memory_space<vmem>>, vector<16xf32>,
      %mul3A_94 = arith.constant 16 : i32
      %mul3A_95 = arith.muli %add3A_90, %mul3A_94 : i32
      %add3A_96 = arith.constant 640 : i32
      %add3A_97 = arith.addi %add3A_96, %mul3A_95 : i32
      %get3A_98 = arith.index_cast %add3A_97 : i32 to index
      %get3A_99 = tpu.vector_load %arg6[%get3A_98] {strides = array<i32>} : memref<10240xf32, #tpu.memory_space<vmem>>, vector<16xf32>,
      %add3A_100 = arith.addf %get3A_93, %get3A_99 : vector<16xf32>
      %mul3A_101 = arith.constant 16 : i32
      %mul3A_102 = arith.muli %add3A_90, %mul3A_101 : i32
      %add3A_103 = arith.constant 1280 : i32
      %add3A_104 = arith.addi %add3A_103, %mul3A_102 : i32
      %get3A_105 = arith.index_cast %add3A_104 : i32 to index
      %get3A_106 = tpu.vector_load %arg6[%get3A_105] {strides = array<i32>} : memref<10240xf32, #tpu.memory_space<vmem>>, vector<16xf32>,
      %add3A_107 = arith.addf %add3A_100, %get3A_106 : vector<16xf32>
      %mul3A_108 = arith.constant 16 : i32
      %mul3A_109 = arith.muli %add3A_90, %mul3A_108 : i32
      %add3A_110 = arith.constant 1920 : i32
      %add3A_111 = arith.addi %add3A_110, %mul3A_109 : i32
      %get3A_112 = arith.index_cast %add3A_111 : i32 to index
      %get3A_113 = tpu.vector_load %arg6[%get3A_112] {strides = array<i32>} : memref<10240xf32, #tpu.memory_space<vmem>>, vector<16xf32>,
      %add3A_114 = arith.addf %add3A_107, %get3A_113 : vector<16xf32>
      %mul3A_115 = arith.constant 16 : i32
      %mul3A_116 = arith.muli %add3A_90, %mul3A_115 : i32
      %add3A_117 = arith.constant 2560 : i32
      %add3A_118 = arith.addi %add3A_117, %mul3A_116 : i32
      %get3A_119 = arith.index_cast %add3A_118 : i32 to index
      %get3A_120 = tpu.vector_load %arg6[%get3A_119] {strides = array<i32>} : memref<10240xf32, #tpu.memory_space<vmem>>, vector<16xf32>,
      %add3A_121 = arith.addf %add3A_114, %get3A_120 : vector<16xf32>
      %mul3A_122 = arith.constant 16 : i32
      %mul3A_123 = arith.muli %add3A_90, %mul3A_122 : i32
      %add3A_124 = arith.constant 3200 : i32
      %add3A_125 = arith.addi %add3A_124, %mul3A_123 : i32
      %get3A_126 = arith.index_cast %add3A_125 : i32 to index
      %get3A_127 = tpu.vector_load %arg6[%get3A_126] {strides = array<i32>} : memref<10240xf32, #tpu.memory_space<vmem>>, vector<16xf32>,
      %add3A_128 = arith.addf %add3A_121, %get3A_127 : vector<16xf32>
      %mul3A_129 = arith.constant 16 : i32
      %mul3A_130 = arith.muli %add3A_90, %mul3A_129 : i32
      %add3A_131 = arith.constant 3840 : i32
      %add3A_132 = arith.addi %add3A_131, %mul3A_130 : i32
      %get3A_133 = arith.index_cast %add3A_132 : i32 to index
      %get3A_134 = tpu.vector_load %arg6[%get3A_133] {strides = array<i32>} : memref<10240xf32, #tpu.memory_space<vmem>>, vector<16xf32>,
      %add3A_135 = arith.addf %add3A_128, %get3A_134 : vector<16xf32>
      %mul3A_136 = arith.constant 16 : i32
      %mul3A_137 = arith.muli %add3A_90, %mul3A_136 : i32
      %add3A_138 = arith.constant 4480 : i32
      %add3A_139 = arith.addi %add3A_138, %mul3A_137 : i32
      %get3A_140 = arith.index_cast %add3A_139 : i32 to index
      %get3A_141 = tpu.vector_load %arg6[%get3A_140] {strides = array<i32>} : memref<10240xf32, #tpu.memory_space<vmem>>, vector<16xf32>,
      %add3A_142 = arith.addf %add3A_135, %get3A_141 : vector<16xf32>
      %mul3A_143 = arith.constant 16 : i32
      %mul3A_144 = arith.muli %add3A_90, %mul3A_143 : i32
      %add3A_145 = arith.constant 5120 : i32
      %add3A_146 = arith.addi %add3A_145, %mul3A_144 : i32
      %get3A_147 = arith.index_cast %add3A_146 : i32 to index
      %get3A_148 = tpu.vector_load %arg6[%get3A_147] {strides = array<i32>} : memref<10240xf32, #tpu.memory_space<vmem>>, vector<16xf32>,
      %add3A_149 = arith.addf %add3A_142, %get3A_148 : vector<16xf32>
      %mul3A_150 = arith.constant 16 : i32
      %mul3A_151 = arith.muli %add3A_90, %mul3A_150 : i32
      %add3A_152 = arith.constant 5760 : i32
      %add3A_153 = arith.addi %add3A_152, %mul3A_151 : i32
      %get3A_154 = arith.index_cast %add3A_153 : i32 to index
      %get3A_155 = tpu.vector_load %arg6[%get3A_154] {strides = array<i32>} : memref<10240xf32, #tpu.memory_space<vmem>>, vector<16xf32>,
      %add3A_156 = arith.addf %add3A_149, %get3A_155 : vector<16xf32>
      %mul3A_157 = arith.constant 16 : i32
      %mul3A_158 = arith.muli %add3A_90, %mul3A_157 : i32
      %add3A_159 = arith.constant 6400 : i32
      %add3A_160 = arith.addi %add3A_159, %mul3A_158 : i32
      %get3A_161 = arith.index_cast %add3A_160 : i32 to index
      %get3A_162 = tpu.vector_load %arg6[%get3A_161] {strides = array<i32>} : memref<10240xf32, #tpu.memory_space<vmem>>, vector<16xf32>,
      %add3A_163 = arith.addf %add3A_156, %get3A_162 : vector<16xf32>
      %mul3A_164 = arith.constant 16 : i32
      %mul3A_165 = arith.muli %add3A_90, %mul3A_164 : i32
      %add3A_166 = arith.constant 7040 : i32
      %add3A_167 = arith.addi %add3A_166, %mul3A_165 : i32
      %get3A_168 = arith.index_cast %add3A_167 : i32 to index
      %get3A_169 = tpu.vector_load %arg6[%get3A_168] {strides = array<i32>} : memref<10240xf32, #tpu.memory_space<vmem>>, vector<16xf32>,
      %add3A_170 = arith.addf %add3A_163, %get3A_169 : vector<16xf32>
      %mul3A_171 = arith.constant 16 : i32
      %mul3A_172 = arith.muli %add3A_90, %mul3A_171 : i32
      %add3A_173 = arith.constant 7680 : i32
      %add3A_174 = arith.addi %add3A_173, %mul3A_172 : i32
      %get3A_175 = arith.index_cast %add3A_174 : i32 to index
      %get3A_176 = tpu.vector_load %arg6[%get3A_175] {strides = array<i32>} : memref<10240xf32, #tpu.memory_space<vmem>>, vector<16xf32>,
      %add3A_177 = arith.addf %add3A_170, %get3A_176 : vector<16xf32>
      %mul3A_178 = arith.constant 16 : i32
      %mul3A_179 = arith.muli %add3A_90, %mul3A_178 : i32
      %add3A_180 = arith.constant 8320 : i32
      %add3A_181 = arith.addi %add3A_180, %mul3A_179 : i32
      %get3A_182 = arith.index_cast %add3A_181 : i32 to index
      %get3A_183 = tpu.vector_load %arg6[%get3A_182] {strides = array<i32>} : memref<10240xf32, #tpu.memory_space<vmem>>, vector<16xf32>,
      %add3A_184 = arith.addf %add3A_177, %get3A_183 : vector<16xf32>
      %mul3A_185 = arith.constant 16 : i32
      %mul3A_186 = arith.muli %add3A_90, %mul3A_185 : i32
      %add3A_187 = arith.constant 8960 : i32
      %add3A_188 = arith.addi %add3A_187, %mul3A_186 : i32
      %get3A_189 = arith.index_cast %add3A_188 : i32 to index
      %get3A_190 = tpu.vector_load %arg6[%get3A_189] {strides = array<i32>} : memref<10240xf32, #tpu.memory_space<vmem>>, vector<16xf32>,
      %add3A_191 = arith.addf %add3A_184, %get3A_190 : vector<16xf32>
      %mul3A_192 = arith.constant 16 : i32
      %mul3A_193 = arith.muli %add3A_90, %mul3A_192 : i32
      %add3A_194 = arith.constant 9600 : i32
      %add3A_195 = arith.addi %add3A_194, %mul3A_193 : i32
      %get3A_196 = arith.index_cast %add3A_195 : i32 to index
      %get3A_197 = tpu.vector_load %arg6[%get3A_196] {strides = array<i32>} : memref<10240xf32, #tpu.memory_space<vmem>>, vector<16xf32>,
      %add3A_198 = arith.addf %add3A_191, %get3A_197 : vector<16xf32>
      %mul3A_199 = arith.constant 16 : i32
      %mul3A_200 = arith.muli %add3A_90, %mul3A_199 : i32
      %swap3A = arith.index_cast %mul3A_200 : i32 to index
      %swap3A_201 = tpu.vector_load %arg7[%swap3A] {strides = array<i32>} : memref<640xf32, #tpu.memory_space<vmem>>, vector<16xf32>,
      tpu.vector_store %arg7[%swap3A], %add3A_198 {strides = array<i32>} : memref<640xf32, #tpu.memory_space<vmem>>, vector<16xf32>,
    }
    %scan3A_83 = arith.constant 40 : i32
    %mul3A_84 = arith.constant 640 : i32
    %mul3A_85 = arith.muli %arg1, %mul3A_84 : i32
    "tpu.region"() ({
      %run_scoped3A = tpu.sem_alloc : memref<!tpu.dma_semaphore, #tpu.memory_space<semaphore_mem>>
      %dma_start3A = tpu.memref_slice %arg3[%arg0, %mul3A_85] : memref<2x10240xf32, #tpu.memory_space<hbm>> -> memref<1x640xf32, #tpu.memory_space<hbm>>
      %dma_start3A_86 = tpu.memref_squeeze %dma_start3A : memref<1x640xf32, #tpu.memory_space<hbm>> -> memref<640xf32, #tpu.memory_space<hbm>>
      %dma_start3A_87 = tpu.memref_slice %arg3[%arg0, %mul3A_85] : memref<2x10240xf32, #tpu.memory_space<hbm>> -> memref<1x640xf32, #tpu.memory_space<hbm>>
      %dma_start3A_88 = tpu.memref_squeeze %dma_start3A_87 : memref<1x640xf32, #tpu.memory_space<hbm>> -> memref<640xf32, #tpu.memory_space<hbm>>
      tpu.enqueue_dma source(%arg7 : memref<640xf32, #tpu.memory_space<vmem>>) target(%dma_start3A_88 : memref<640xf32, #tpu.memory_space<hbm>>) target_semaphore(%run_scoped3A : memref<!tpu.dma_semaphore, #tpu.memory_space<semaphore_mem>>)
      %dma_wait3A = tpu.memref_slice %arg3[%arg0, %mul3A_85] : memref<2x10240xf32, #tpu.memory_space<hbm>> -> memref<1x640xf32, #tpu.memory_space<hbm>>
      %dma_wait3A_89 = tpu.memref_squeeze %dma_wait3A : memref<1x640xf32, #tpu.memory_space<hbm>> -> memref<640xf32, #tpu.memory_space<hbm>>
      %dma_wait3A_90 = tpu.memref_slice %arg3[%arg0, %mul3A_85] : memref<2x10240xf32, #tpu.memory_space<hbm>> -> memref<1x640xf32, #tpu.memory_space<hbm>>
      %dma_wait3A_91 = tpu.memref_squeeze %dma_wait3A_90 : memref<1x640xf32, #tpu.memory_space<hbm>> -> memref<640xf32, #tpu.memory_space<hbm>>
      tpu.wait_dma2 semaphore(%run_scoped3A : memref<!tpu.dma_semaphore, #tpu.memory_space<semaphore_mem>>) src(%arg7 : memref<640xf32, #tpu.memory_space<vmem>>) dst(%dma_wait3A_91 : memref<640xf32, #tpu.memory_space<hbm>>)
      tpu.yield
    }) : () -> ()
    return
  }
}

#map = affine_map<(d0, d1) -> (0, 0)>
#map1 = affine_map<(d0, d1) -> (0)>
module attributes {stable_mosaic.version = 14 : i64} {
  func.func @_seg_kernel(%arg0: i32, %arg1: i32, %arg2: memref<32x10000xi32, #tpu.memory_space<hbm>>, %arg3: memref<32x10000xi32, #tpu.memory_space<hbm>>, %arg4: memref<10000xf32, #tpu.memory_space<hbm>>, %arg5: memref<2x10240xf32, #tpu.memory_space<hbm>>, %arg6: memref<10000xi32, #tpu.memory_space<vmem>>, %arg7: memref<10000xi32, #tpu.memory_space<vmem>>, %arg8: memref<10000xf32, #tpu.memory_space<vmem>>, %arg9: memref<10240xf32, #tpu.memory_space<vmem>>, %arg10: memref<10240xf32, #tpu.memory_space<vmem>>, %arg11: memref<640xf32, #tpu.memory_space<vmem>>, %arg12: memref<163840xf32, #tpu.memory_space<vmem_shared>>) attributes {dimension_semantics = [#tpu.dimension_semantics<core_parallel>, #tpu.dimension_semantics<subcore_parallel>], iteration_bounds = array<i64: 2, 16>, scalar_prefetch = 0 : i64, scratch_operands = 7 : i64, tpu.core_type = #tpu.core_type<sc_vector_subcore>, window_params = [{transform_indices = #map}, {transform_indices = #map}, {transform_indices = #map1}, {transform_indices = #map}]} {
    %mul3A = arith.constant 16 : i32
    %mul3A_0 = arith.muli %arg0, %mul3A : i32
    %add3A = arith.addi %mul3A_0, %arg1 : i32
    "tpu.region"() ({
      %run_scoped3A = tpu.sem_alloc : memref<!tpu.dma_semaphore, #tpu.memory_space<semaphore_mem>>
      %dma_start3A = arith.constant 0 : i32
      %dma_start3A_84 = tpu.memref_slice %arg2[%add3A, %dma_start3A] : memref<32x10000xi32, #tpu.memory_space<hbm>> -> memref<1x10000xi32, #tpu.memory_space<hbm>>
      %dma_start3A_85 = tpu.memref_squeeze %dma_start3A_84 : memref<1x10000xi32, #tpu.memory_space<hbm>> -> memref<10000xi32, #tpu.memory_space<hbm>>
      %dma_start3A_86 = arith.constant 0 : i32
      %dma_start3A_87 = tpu.memref_slice %arg2[%add3A, %dma_start3A_86] : memref<32x10000xi32, #tpu.memory_space<hbm>> -> memref<1x10000xi32, #tpu.memory_space<hbm>>
      %dma_start3A_88 = tpu.memref_squeeze %dma_start3A_87 : memref<1x10000xi32, #tpu.memory_space<hbm>> -> memref<10000xi32, #tpu.memory_space<hbm>>
      tpu.enqueue_dma source(%dma_start3A_88 : memref<10000xi32, #tpu.memory_space<hbm>>) target(%arg6 : memref<10000xi32, #tpu.memory_space<vmem>>) target_semaphore(%run_scoped3A : memref<!tpu.dma_semaphore, #tpu.memory_space<semaphore_mem>>)
      %dma_wait3A = arith.constant 0 : i32
      %dma_wait3A_89 = tpu.memref_slice %arg2[%add3A, %dma_wait3A] : memref<32x10000xi32, #tpu.memory_space<hbm>> -> memref<1x10000xi32, #tpu.memory_space<hbm>>
      %dma_wait3A_90 = tpu.memref_squeeze %dma_wait3A_89 : memref<1x10000xi32, #tpu.memory_space<hbm>> -> memref<10000xi32, #tpu.memory_space<hbm>>
      %dma_wait3A_91 = arith.constant 0 : i32
      %dma_wait3A_92 = tpu.memref_slice %arg2[%add3A, %dma_wait3A_91] : memref<32x10000xi32, #tpu.memory_space<hbm>> -> memref<1x10000xi32, #tpu.memory_space<hbm>>
      %dma_wait3A_93 = tpu.memref_squeeze %dma_wait3A_92 : memref<1x10000xi32, #tpu.memory_space<hbm>> -> memref<10000xi32, #tpu.memory_space<hbm>>
      tpu.wait_dma2 semaphore(%run_scoped3A : memref<!tpu.dma_semaphore, #tpu.memory_space<semaphore_mem>>) src(%dma_wait3A_93 : memref<10000xi32, #tpu.memory_space<hbm>>) dst(%arg6 : memref<10000xi32, #tpu.memory_space<vmem>>)
      tpu.yield
    }) : () -> ()
    "tpu.region"() ({
      %run_scoped3A = tpu.sem_alloc : memref<!tpu.dma_semaphore, #tpu.memory_space<semaphore_mem>>
      %dma_start3A = arith.constant 0 : i32
      %dma_start3A_84 = tpu.memref_slice %arg3[%add3A, %dma_start3A] : memref<32x10000xi32, #tpu.memory_space<hbm>> -> memref<1x10000xi32, #tpu.memory_space<hbm>>
      %dma_start3A_85 = tpu.memref_squeeze %dma_start3A_84 : memref<1x10000xi32, #tpu.memory_space<hbm>> -> memref<10000xi32, #tpu.memory_space<hbm>>
      %dma_start3A_86 = arith.constant 0 : i32
      %dma_start3A_87 = tpu.memref_slice %arg3[%add3A, %dma_start3A_86] : memref<32x10000xi32, #tpu.memory_space<hbm>> -> memref<1x10000xi32, #tpu.memory_space<hbm>>
      %dma_start3A_88 = tpu.memref_squeeze %dma_start3A_87 : memref<1x10000xi32, #tpu.memory_space<hbm>> -> memref<10000xi32, #tpu.memory_space<hbm>>
      tpu.enqueue_dma source(%dma_start3A_88 : memref<10000xi32, #tpu.memory_space<hbm>>) target(%arg7 : memref<10000xi32, #tpu.memory_space<vmem>>) target_semaphore(%run_scoped3A : memref<!tpu.dma_semaphore, #tpu.memory_space<semaphore_mem>>)
      %dma_wait3A = arith.constant 0 : i32
      %dma_wait3A_89 = tpu.memref_slice %arg3[%add3A, %dma_wait3A] : memref<32x10000xi32, #tpu.memory_space<hbm>> -> memref<1x10000xi32, #tpu.memory_space<hbm>>
      %dma_wait3A_90 = tpu.memref_squeeze %dma_wait3A_89 : memref<1x10000xi32, #tpu.memory_space<hbm>> -> memref<10000xi32, #tpu.memory_space<hbm>>
      %dma_wait3A_91 = arith.constant 0 : i32
      %dma_wait3A_92 = tpu.memref_slice %arg3[%add3A, %dma_wait3A_91] : memref<32x10000xi32, #tpu.memory_space<hbm>> -> memref<1x10000xi32, #tpu.memory_space<hbm>>
      %dma_wait3A_93 = tpu.memref_squeeze %dma_wait3A_92 : memref<1x10000xi32, #tpu.memory_space<hbm>> -> memref<10000xi32, #tpu.memory_space<hbm>>
      tpu.wait_dma2 semaphore(%run_scoped3A : memref<!tpu.dma_semaphore, #tpu.memory_space<semaphore_mem>>) src(%dma_wait3A_93 : memref<10000xi32, #tpu.memory_space<hbm>>) dst(%arg7 : memref<10000xi32, #tpu.memory_space<vmem>>)
      tpu.yield
    }) : () -> ()
    "tpu.region"() ({
      %run_scoped3A = tpu.sem_alloc : memref<!tpu.dma_semaphore, #tpu.memory_space<semaphore_mem>>
      tpu.enqueue_dma source(%arg4 : memref<10000xf32, #tpu.memory_space<hbm>>) target(%arg8 : memref<10000xf32, #tpu.memory_space<vmem>>) target_semaphore(%run_scoped3A : memref<!tpu.dma_semaphore, #tpu.memory_space<semaphore_mem>>)
      tpu.wait_dma2 semaphore(%run_scoped3A : memref<!tpu.dma_semaphore, #tpu.memory_space<semaphore_mem>>) src(%arg4 : memref<10000xf32, #tpu.memory_space<hbm>>) dst(%arg8 : memref<10000xf32, #tpu.memory_space<vmem>>)
      tpu.yield
    }) : () -> ()
    %broadcast_in_dim3A = arith.constant 0.000000e+00 : f32
    %broadcast_in_dim3A_1 = vector.broadcast %broadcast_in_dim3A : f32 to vector<16xf32>
    %scan3A = arith.constant 0 : i32
    %scan3A_2 = arith.constant 640 : i32
    %scan3A_3 = arith.addi %scan3A, %scan3A_2 : i32
    %scan3A_4 = arith.constant 1 : i32
    scf.for %scan3A_84 = %scan3A to %scan3A_3 step %scan3A_4  : i32 {
      %mul3A_85 = arith.constant 1 : i32
      %mul3A_86 = arith.muli %scan3A_84, %mul3A_85 : i32
      %add3A_87 = arith.constant 0 : i32
      %add3A_88 = arith.addi %add3A_87, %mul3A_86 : i32
      %mul3A_89 = arith.constant 16 : i32
      %mul3A_90 = arith.muli %add3A_88, %mul3A_89 : i32
      %swap3A = arith.index_cast %mul3A_90 : i32 to index
      %swap3A_91 = tpu.vector_load %arg9[%swap3A] {strides = array<i32>} : memref<10240xf32, #tpu.memory_space<vmem>>, vector<16xf32>,
      tpu.vector_store %arg9[%swap3A], %broadcast_in_dim3A_1 {strides = array<i32>} : memref<10240xf32, #tpu.memory_space<vmem>>, vector<16xf32>,
    }
    %scan3A_5 = arith.constant 640 : i32
    %scan3A_6 = arith.constant 0 : i32
    %scan3A_7 = arith.constant 625 : i32
    %scan3A_8 = arith.addi %scan3A_6, %scan3A_7 : i32
    %scan3A_9 = arith.constant 1 : i32
    scf.for %scan3A_84 = %scan3A_6 to %scan3A_8 step %scan3A_9  : i32 {
      %mul3A_85 = arith.constant 1 : i32
      %mul3A_86 = arith.muli %scan3A_84, %mul3A_85 : i32
      %add3A_87 = arith.constant 0 : i32
      %add3A_88 = arith.addi %add3A_87, %mul3A_86 : i32
      %mul3A_89 = arith.constant 16 : i32
      %mul3A_90 = arith.muli %add3A_88, %mul3A_89 : i32
      %get3A = arith.index_cast %mul3A_90 : i32 to index
      %get3A_91 = tpu.vector_load %arg6[%get3A] {strides = array<i32>} : memref<10000xi32, #tpu.memory_space<vmem>>, vector<16xi32>,
      %mul3A_92 = arith.constant 16 : i32
      %mul3A_93 = arith.muli %add3A_88, %mul3A_92 : i32
      %get3A_94 = arith.index_cast %mul3A_93 : i32 to index
      %get3A_95 = tpu.vector_load %arg7[%get3A_94] {strides = array<i32>} : memref<10000xi32, #tpu.memory_space<vmem>>, vector<16xi32>,
      %gather3A = tpu.vector_load_idx %arg8[%get3A_91] : memref<10000xf32, #tpu.memory_space<vmem>>[vector<16xi32>], vector<16xf32>,
      tpu.vector_store_idx %arg9[%get3A_95], %gather3A {add = true} : memref<10240xf32, #tpu.memory_space<vmem>>[vector<16xi32>], vector<16xf32>,
    }
    %scan3A_10 = arith.constant 625 : i32
    %mul3A_11 = arith.constant 10240 : i32
    %mul3A_12 = arith.muli %arg1, %mul3A_11 : i32
    "tpu.region"() ({
      %run_scoped3A = tpu.sem_alloc : memref<!tpu.dma_semaphore, #tpu.memory_space<semaphore_mem>>
      %dma_start3A = tpu.memref_slice %arg12[%mul3A_12] : memref<163840xf32, #tpu.memory_space<vmem_shared>> -> memref<10240xf32, #tpu.memory_space<vmem_shared>>
      %dma_start3A_84 = tpu.memref_slice %arg12[%mul3A_12] : memref<163840xf32, #tpu.memory_space<vmem_shared>> -> memref<10240xf32, #tpu.memory_space<vmem_shared>>
      tpu.enqueue_dma source(%arg9 : memref<10240xf32, #tpu.memory_space<vmem>>) target(%dma_start3A_84 : memref<10240xf32, #tpu.memory_space<vmem_shared>>) target_semaphore(%run_scoped3A : memref<!tpu.dma_semaphore, #tpu.memory_space<semaphore_mem>>)
      %dma_wait3A = tpu.memref_slice %arg12[%mul3A_12] : memref<163840xf32, #tpu.memory_space<vmem_shared>> -> memref<10240xf32, #tpu.memory_space<vmem_shared>>
      %dma_wait3A_85 = tpu.memref_slice %arg12[%mul3A_12] : memref<163840xf32, #tpu.memory_space<vmem_shared>> -> memref<10240xf32, #tpu.memory_space<vmem_shared>>
      tpu.wait_dma2 semaphore(%run_scoped3A : memref<!tpu.dma_semaphore, #tpu.memory_space<semaphore_mem>>) src(%arg9 : memref<10240xf32, #tpu.memory_space<vmem>>) dst(%dma_wait3A_85 : memref<10240xf32, #tpu.memory_space<vmem_shared>>)
      tpu.yield
    }) : () -> ()
    %barrier3A = arith.constant 0 : index
    tpu.barrier barrier_id(%barrier3A)
    %mul3A_13 = arith.constant 640 : i32
    %mul3A_14 = arith.muli %arg1, %mul3A_13 : i32
    %add3A_15 = arith.constant 0 : i32
    %add3A_16 = arith.addi %add3A_15, %mul3A_14 : i32
    "tpu.region"() ({
      %run_scoped3A = tpu.sem_alloc : memref<!tpu.dma_semaphore, #tpu.memory_space<semaphore_mem>>
      %dma_start3A = arith.constant 0 : i32
      %dma_start3A_84 = tpu.memref_slice %arg10[%dma_start3A] : memref<10240xf32, #tpu.memory_space<vmem>> -> memref<640xf32, #tpu.memory_space<vmem>>
      %dma_start3A_85 = tpu.memref_slice %arg12[%add3A_16] : memref<163840xf32, #tpu.memory_space<vmem_shared>> -> memref<640xf32, #tpu.memory_space<vmem_shared>>
      %dma_start3A_86 = arith.constant 0 : i32
      %dma_start3A_87 = tpu.memref_slice %arg10[%dma_start3A_86] : memref<10240xf32, #tpu.memory_space<vmem>> -> memref<640xf32, #tpu.memory_space<vmem>>
      %dma_start3A_88 = tpu.memref_slice %arg12[%add3A_16] : memref<163840xf32, #tpu.memory_space<vmem_shared>> -> memref<640xf32, #tpu.memory_space<vmem_shared>>
      tpu.enqueue_dma source(%dma_start3A_88 : memref<640xf32, #tpu.memory_space<vmem_shared>>) target(%dma_start3A_87 : memref<640xf32, #tpu.memory_space<vmem>>) target_semaphore(%run_scoped3A : memref<!tpu.dma_semaphore, #tpu.memory_space<semaphore_mem>>)
      %dma_wait3A = arith.constant 0 : i32
      %dma_wait3A_89 = tpu.memref_slice %arg10[%dma_wait3A] : memref<10240xf32, #tpu.memory_space<vmem>> -> memref<640xf32, #tpu.memory_space<vmem>>
      %dma_wait3A_90 = tpu.memref_slice %arg12[%add3A_16] : memref<163840xf32, #tpu.memory_space<vmem_shared>> -> memref<640xf32, #tpu.memory_space<vmem_shared>>
      %dma_wait3A_91 = arith.constant 0 : i32
      %dma_wait3A_92 = tpu.memref_slice %arg10[%dma_wait3A_91] : memref<10240xf32, #tpu.memory_space<vmem>> -> memref<640xf32, #tpu.memory_space<vmem>>
      %dma_wait3A_93 = tpu.memref_slice %arg12[%add3A_16] : memref<163840xf32, #tpu.memory_space<vmem_shared>> -> memref<640xf32, #tpu.memory_space<vmem_shared>>
      tpu.wait_dma2 semaphore(%run_scoped3A : memref<!tpu.dma_semaphore, #tpu.memory_space<semaphore_mem>>) src(%dma_wait3A_93 : memref<640xf32, #tpu.memory_space<vmem_shared>>) dst(%dma_wait3A_92 : memref<640xf32, #tpu.memory_space<vmem>>)
      tpu.yield
    }) : () -> ()
    %mul3A_17 = arith.constant 640 : i32
    %mul3A_18 = arith.muli %arg1, %mul3A_17 : i32
    %add3A_19 = arith.constant 10240 : i32
    %add3A_20 = arith.addi %add3A_19, %mul3A_18 : i32
    "tpu.region"() ({
      %run_scoped3A = tpu.sem_alloc : memref<!tpu.dma_semaphore, #tpu.memory_space<semaphore_mem>>
      %dma_start3A = arith.constant 640 : i32
      %dma_start3A_84 = tpu.memref_slice %arg10[%dma_start3A] : memref<10240xf32, #tpu.memory_space<vmem>> -> memref<640xf32, #tpu.memory_space<vmem>>
      %dma_start3A_85 = tpu.memref_slice %arg12[%add3A_20] : memref<163840xf32, #tpu.memory_space<vmem_shared>> -> memref<640xf32, #tpu.memory_space<vmem_shared>>
      %dma_start3A_86 = arith.constant 640 : i32
      %dma_start3A_87 = tpu.memref_slice %arg10[%dma_start3A_86] : memref<10240xf32, #tpu.memory_space<vmem>> -> memref<640xf32, #tpu.memory_space<vmem>>
      %dma_start3A_88 = tpu.memref_slice %arg12[%add3A_20] : memref<163840xf32, #tpu.memory_space<vmem_shared>> -> memref<640xf32, #tpu.memory_space<vmem_shared>>
      tpu.enqueue_dma source(%dma_start3A_88 : memref<640xf32, #tpu.memory_space<vmem_shared>>) target(%dma_start3A_87 : memref<640xf32, #tpu.memory_space<vmem>>) target_semaphore(%run_scoped3A : memref<!tpu.dma_semaphore, #tpu.memory_space<semaphore_mem>>)
      %dma_wait3A = arith.constant 640 : i32
      %dma_wait3A_89 = tpu.memref_slice %arg10[%dma_wait3A] : memref<10240xf32, #tpu.memory_space<vmem>> -> memref<640xf32, #tpu.memory_space<vmem>>
      %dma_wait3A_90 = tpu.memref_slice %arg12[%add3A_20] : memref<163840xf32, #tpu.memory_space<vmem_shared>> -> memref<640xf32, #tpu.memory_space<vmem_shared>>
      %dma_wait3A_91 = arith.constant 640 : i32
      %dma_wait3A_92 = tpu.memref_slice %arg10[%dma_wait3A_91] : memref<10240xf32, #tpu.memory_space<vmem>> -> memref<640xf32, #tpu.memory_space<vmem>>
      %dma_wait3A_93 = tpu.memref_slice %arg12[%add3A_20] : memref<163840xf32, #tpu.memory_space<vmem_shared>> -> memref<640xf32, #tpu.memory_space<vmem_shared>>
      tpu.wait_dma2 semaphore(%run_scoped3A : memref<!tpu.dma_semaphore, #tpu.memory_space<semaphore_mem>>) src(%dma_wait3A_93 : memref<640xf32, #tpu.memory_space<vmem_shared>>) dst(%dma_wait3A_92 : memref<640xf32, #tpu.memory_space<vmem>>)
      tpu.yield
    }) : () -> ()
    %mul3A_21 = arith.constant 640 : i32
    %mul3A_22 = arith.muli %arg1, %mul3A_21 : i32
    %add3A_23 = arith.constant 20480 : i32
    %add3A_24 = arith.addi %add3A_23, %mul3A_22 : i32
    "tpu.region"() ({
      %run_scoped3A = tpu.sem_alloc : memref<!tpu.dma_semaphore, #tpu.memory_space<semaphore_mem>>
      %dma_start3A = arith.constant 1280 : i32
      %dma_start3A_84 = tpu.memref_slice %arg10[%dma_start3A] : memref<10240xf32, #tpu.memory_space<vmem>> -> memref<640xf32, #tpu.memory_space<vmem>>
      %dma_start3A_85 = tpu.memref_slice %arg12[%add3A_24] : memref<163840xf32, #tpu.memory_space<vmem_shared>> -> memref<640xf32, #tpu.memory_space<vmem_shared>>
      %dma_start3A_86 = arith.constant 1280 : i32
      %dma_start3A_87 = tpu.memref_slice %arg10[%dma_start3A_86] : memref<10240xf32, #tpu.memory_space<vmem>> -> memref<640xf32, #tpu.memory_space<vmem>>
      %dma_start3A_88 = tpu.memref_slice %arg12[%add3A_24] : memref<163840xf32, #tpu.memory_space<vmem_shared>> -> memref<640xf32, #tpu.memory_space<vmem_shared>>
      tpu.enqueue_dma source(%dma_start3A_88 : memref<640xf32, #tpu.memory_space<vmem_shared>>) target(%dma_start3A_87 : memref<640xf32, #tpu.memory_space<vmem>>) target_semaphore(%run_scoped3A : memref<!tpu.dma_semaphore, #tpu.memory_space<semaphore_mem>>)
      %dma_wait3A = arith.constant 1280 : i32
      %dma_wait3A_89 = tpu.memref_slice %arg10[%dma_wait3A] : memref<10240xf32, #tpu.memory_space<vmem>> -> memref<640xf32, #tpu.memory_space<vmem>>
      %dma_wait3A_90 = tpu.memref_slice %arg12[%add3A_24] : memref<163840xf32, #tpu.memory_space<vmem_shared>> -> memref<640xf32, #tpu.memory_space<vmem_shared>>
      %dma_wait3A_91 = arith.constant 1280 : i32
      %dma_wait3A_92 = tpu.memref_slice %arg10[%dma_wait3A_91] : memref<10240xf32, #tpu.memory_space<vmem>> -> memref<640xf32, #tpu.memory_space<vmem>>
      %dma_wait3A_93 = tpu.memref_slice %arg12[%add3A_24] : memref<163840xf32, #tpu.memory_space<vmem_shared>> -> memref<640xf32, #tpu.memory_space<vmem_shared>>
      tpu.wait_dma2 semaphore(%run_scoped3A : memref<!tpu.dma_semaphore, #tpu.memory_space<semaphore_mem>>) src(%dma_wait3A_93 : memref<640xf32, #tpu.memory_space<vmem_shared>>) dst(%dma_wait3A_92 : memref<640xf32, #tpu.memory_space<vmem>>)
      tpu.yield
    }) : () -> ()
    %mul3A_25 = arith.constant 640 : i32
    %mul3A_26 = arith.muli %arg1, %mul3A_25 : i32
    %add3A_27 = arith.constant 30720 : i32
    %add3A_28 = arith.addi %add3A_27, %mul3A_26 : i32
    "tpu.region"() ({
      %run_scoped3A = tpu.sem_alloc : memref<!tpu.dma_semaphore, #tpu.memory_space<semaphore_mem>>
      %dma_start3A = arith.constant 1920 : i32
      %dma_start3A_84 = tpu.memref_slice %arg10[%dma_start3A] : memref<10240xf32, #tpu.memory_space<vmem>> -> memref<640xf32, #tpu.memory_space<vmem>>
      %dma_start3A_85 = tpu.memref_slice %arg12[%add3A_28] : memref<163840xf32, #tpu.memory_space<vmem_shared>> -> memref<640xf32, #tpu.memory_space<vmem_shared>>
      %dma_start3A_86 = arith.constant 1920 : i32
      %dma_start3A_87 = tpu.memref_slice %arg10[%dma_start3A_86] : memref<10240xf32, #tpu.memory_space<vmem>> -> memref<640xf32, #tpu.memory_space<vmem>>
      %dma_start3A_88 = tpu.memref_slice %arg12[%add3A_28] : memref<163840xf32, #tpu.memory_space<vmem_shared>> -> memref<640xf32, #tpu.memory_space<vmem_shared>>
      tpu.enqueue_dma source(%dma_start3A_88 : memref<640xf32, #tpu.memory_space<vmem_shared>>) target(%dma_start3A_87 : memref<640xf32, #tpu.memory_space<vmem>>) target_semaphore(%run_scoped3A : memref<!tpu.dma_semaphore, #tpu.memory_space<semaphore_mem>>)
      %dma_wait3A = arith.constant 1920 : i32
      %dma_wait3A_89 = tpu.memref_slice %arg10[%dma_wait3A] : memref<10240xf32, #tpu.memory_space<vmem>> -> memref<640xf32, #tpu.memory_space<vmem>>
      %dma_wait3A_90 = tpu.memref_slice %arg12[%add3A_28] : memref<163840xf32, #tpu.memory_space<vmem_shared>> -> memref<640xf32, #tpu.memory_space<vmem_shared>>
      %dma_wait3A_91 = arith.constant 1920 : i32
      %dma_wait3A_92 = tpu.memref_slice %arg10[%dma_wait3A_91] : memref<10240xf32, #tpu.memory_space<vmem>> -> memref<640xf32, #tpu.memory_space<vmem>>
      %dma_wait3A_93 = tpu.memref_slice %arg12[%add3A_28] : memref<163840xf32, #tpu.memory_space<vmem_shared>> -> memref<640xf32, #tpu.memory_space<vmem_shared>>
      tpu.wait_dma2 semaphore(%run_scoped3A : memref<!tpu.dma_semaphore, #tpu.memory_space<semaphore_mem>>) src(%dma_wait3A_93 : memref<640xf32, #tpu.memory_space<vmem_shared>>) dst(%dma_wait3A_92 : memref<640xf32, #tpu.memory_space<vmem>>)
      tpu.yield
    }) : () -> ()
    %mul3A_29 = arith.constant 640 : i32
    %mul3A_30 = arith.muli %arg1, %mul3A_29 : i32
    %add3A_31 = arith.constant 40960 : i32
    %add3A_32 = arith.addi %add3A_31, %mul3A_30 : i32
    "tpu.region"() ({
      %run_scoped3A = tpu.sem_alloc : memref<!tpu.dma_semaphore, #tpu.memory_space<semaphore_mem>>
      %dma_start3A = arith.constant 2560 : i32
      %dma_start3A_84 = tpu.memref_slice %arg10[%dma_start3A] : memref<10240xf32, #tpu.memory_space<vmem>> -> memref<640xf32, #tpu.memory_space<vmem>>
      %dma_start3A_85 = tpu.memref_slice %arg12[%add3A_32] : memref<163840xf32, #tpu.memory_space<vmem_shared>> -> memref<640xf32, #tpu.memory_space<vmem_shared>>
      %dma_start3A_86 = arith.constant 2560 : i32
      %dma_start3A_87 = tpu.memref_slice %arg10[%dma_start3A_86] : memref<10240xf32, #tpu.memory_space<vmem>> -> memref<640xf32, #tpu.memory_space<vmem>>
      %dma_start3A_88 = tpu.memref_slice %arg12[%add3A_32] : memref<163840xf32, #tpu.memory_space<vmem_shared>> -> memref<640xf32, #tpu.memory_space<vmem_shared>>
      tpu.enqueue_dma source(%dma_start3A_88 : memref<640xf32, #tpu.memory_space<vmem_shared>>) target(%dma_start3A_87 : memref<640xf32, #tpu.memory_space<vmem>>) target_semaphore(%run_scoped3A : memref<!tpu.dma_semaphore, #tpu.memory_space<semaphore_mem>>)
      %dma_wait3A = arith.constant 2560 : i32
      %dma_wait3A_89 = tpu.memref_slice %arg10[%dma_wait3A] : memref<10240xf32, #tpu.memory_space<vmem>> -> memref<640xf32, #tpu.memory_space<vmem>>
      %dma_wait3A_90 = tpu.memref_slice %arg12[%add3A_32] : memref<163840xf32, #tpu.memory_space<vmem_shared>> -> memref<640xf32, #tpu.memory_space<vmem_shared>>
      %dma_wait3A_91 = arith.constant 2560 : i32
      %dma_wait3A_92 = tpu.memref_slice %arg10[%dma_wait3A_91] : memref<10240xf32, #tpu.memory_space<vmem>> -> memref<640xf32, #tpu.memory_space<vmem>>
      %dma_wait3A_93 = tpu.memref_slice %arg12[%add3A_32] : memref<163840xf32, #tpu.memory_space<vmem_shared>> -> memref<640xf32, #tpu.memory_space<vmem_shared>>
      tpu.wait_dma2 semaphore(%run_scoped3A : memref<!tpu.dma_semaphore, #tpu.memory_space<semaphore_mem>>) src(%dma_wait3A_93 : memref<640xf32, #tpu.memory_space<vmem_shared>>) dst(%dma_wait3A_92 : memref<640xf32, #tpu.memory_space<vmem>>)
      tpu.yield
    }) : () -> ()
    %mul3A_33 = arith.constant 640 : i32
    %mul3A_34 = arith.muli %arg1, %mul3A_33 : i32
    %add3A_35 = arith.constant 51200 : i32
    %add3A_36 = arith.addi %add3A_35, %mul3A_34 : i32
    "tpu.region"() ({
      %run_scoped3A = tpu.sem_alloc : memref<!tpu.dma_semaphore, #tpu.memory_space<semaphore_mem>>
      %dma_start3A = arith.constant 3200 : i32
      %dma_start3A_84 = tpu.memref_slice %arg10[%dma_start3A] : memref<10240xf32, #tpu.memory_space<vmem>> -> memref<640xf32, #tpu.memory_space<vmem>>
      %dma_start3A_85 = tpu.memref_slice %arg12[%add3A_36] : memref<163840xf32, #tpu.memory_space<vmem_shared>> -> memref<640xf32, #tpu.memory_space<vmem_shared>>
      %dma_start3A_86 = arith.constant 3200 : i32
      %dma_start3A_87 = tpu.memref_slice %arg10[%dma_start3A_86] : memref<10240xf32, #tpu.memory_space<vmem>> -> memref<640xf32, #tpu.memory_space<vmem>>
      %dma_start3A_88 = tpu.memref_slice %arg12[%add3A_36] : memref<163840xf32, #tpu.memory_space<vmem_shared>> -> memref<640xf32, #tpu.memory_space<vmem_shared>>
      tpu.enqueue_dma source(%dma_start3A_88 : memref<640xf32, #tpu.memory_space<vmem_shared>>) target(%dma_start3A_87 : memref<640xf32, #tpu.memory_space<vmem>>) target_semaphore(%run_scoped3A : memref<!tpu.dma_semaphore, #tpu.memory_space<semaphore_mem>>)
      %dma_wait3A = arith.constant 3200 : i32
      %dma_wait3A_89 = tpu.memref_slice %arg10[%dma_wait3A] : memref<10240xf32, #tpu.memory_space<vmem>> -> memref<640xf32, #tpu.memory_space<vmem>>
      %dma_wait3A_90 = tpu.memref_slice %arg12[%add3A_36] : memref<163840xf32, #tpu.memory_space<vmem_shared>> -> memref<640xf32, #tpu.memory_space<vmem_shared>>
      %dma_wait3A_91 = arith.constant 3200 : i32
      %dma_wait3A_92 = tpu.memref_slice %arg10[%dma_wait3A_91] : memref<10240xf32, #tpu.memory_space<vmem>> -> memref<640xf32, #tpu.memory_space<vmem>>
      %dma_wait3A_93 = tpu.memref_slice %arg12[%add3A_36] : memref<163840xf32, #tpu.memory_space<vmem_shared>> -> memref<640xf32, #tpu.memory_space<vmem_shared>>
      tpu.wait_dma2 semaphore(%run_scoped3A : memref<!tpu.dma_semaphore, #tpu.memory_space<semaphore_mem>>) src(%dma_wait3A_93 : memref<640xf32, #tpu.memory_space<vmem_shared>>) dst(%dma_wait3A_92 : memref<640xf32, #tpu.memory_space<vmem>>)
      tpu.yield
    }) : () -> ()
    %mul3A_37 = arith.constant 640 : i32
    %mul3A_38 = arith.muli %arg1, %mul3A_37 : i32
    %add3A_39 = arith.constant 61440 : i32
    %add3A_40 = arith.addi %add3A_39, %mul3A_38 : i32
    "tpu.region"() ({
      %run_scoped3A = tpu.sem_alloc : memref<!tpu.dma_semaphore, #tpu.memory_space<semaphore_mem>>
      %dma_start3A = arith.constant 3840 : i32
      %dma_start3A_84 = tpu.memref_slice %arg10[%dma_start3A] : memref<10240xf32, #tpu.memory_space<vmem>> -> memref<640xf32, #tpu.memory_space<vmem>>
      %dma_start3A_85 = tpu.memref_slice %arg12[%add3A_40] : memref<163840xf32, #tpu.memory_space<vmem_shared>> -> memref<640xf32, #tpu.memory_space<vmem_shared>>
      %dma_start3A_86 = arith.constant 3840 : i32
      %dma_start3A_87 = tpu.memref_slice %arg10[%dma_start3A_86] : memref<10240xf32, #tpu.memory_space<vmem>> -> memref<640xf32, #tpu.memory_space<vmem>>
      %dma_start3A_88 = tpu.memref_slice %arg12[%add3A_40] : memref<163840xf32, #tpu.memory_space<vmem_shared>> -> memref<640xf32, #tpu.memory_space<vmem_shared>>
      tpu.enqueue_dma source(%dma_start3A_88 : memref<640xf32, #tpu.memory_space<vmem_shared>>) target(%dma_start3A_87 : memref<640xf32, #tpu.memory_space<vmem>>) target_semaphore(%run_scoped3A : memref<!tpu.dma_semaphore, #tpu.memory_space<semaphore_mem>>)
      %dma_wait3A = arith.constant 3840 : i32
      %dma_wait3A_89 = tpu.memref_slice %arg10[%dma_wait3A] : memref<10240xf32, #tpu.memory_space<vmem>> -> memref<640xf32, #tpu.memory_space<vmem>>
      %dma_wait3A_90 = tpu.memref_slice %arg12[%add3A_40] : memref<163840xf32, #tpu.memory_space<vmem_shared>> -> memref<640xf32, #tpu.memory_space<vmem_shared>>
      %dma_wait3A_91 = arith.constant 3840 : i32
      %dma_wait3A_92 = tpu.memref_slice %arg10[%dma_wait3A_91] : memref<10240xf32, #tpu.memory_space<vmem>> -> memref<640xf32, #tpu.memory_space<vmem>>
      %dma_wait3A_93 = tpu.memref_slice %arg12[%add3A_40] : memref<163840xf32, #tpu.memory_space<vmem_shared>> -> memref<640xf32, #tpu.memory_space<vmem_shared>>
      tpu.wait_dma2 semaphore(%run_scoped3A : memref<!tpu.dma_semaphore, #tpu.memory_space<semaphore_mem>>) src(%dma_wait3A_93 : memref<640xf32, #tpu.memory_space<vmem_shared>>) dst(%dma_wait3A_92 : memref<640xf32, #tpu.memory_space<vmem>>)
      tpu.yield
    }) : () -> ()
    %mul3A_41 = arith.constant 640 : i32
    %mul3A_42 = arith.muli %arg1, %mul3A_41 : i32
    %add3A_43 = arith.constant 71680 : i32
    %add3A_44 = arith.addi %add3A_43, %mul3A_42 : i32
    "tpu.region"() ({
      %run_scoped3A = tpu.sem_alloc : memref<!tpu.dma_semaphore, #tpu.memory_space<semaphore_mem>>
      %dma_start3A = arith.constant 4480 : i32
      %dma_start3A_84 = tpu.memref_slice %arg10[%dma_start3A] : memref<10240xf32, #tpu.memory_space<vmem>> -> memref<640xf32, #tpu.memory_space<vmem>>
      %dma_start3A_85 = tpu.memref_slice %arg12[%add3A_44] : memref<163840xf32, #tpu.memory_space<vmem_shared>> -> memref<640xf32, #tpu.memory_space<vmem_shared>>
      %dma_start3A_86 = arith.constant 4480 : i32
      %dma_start3A_87 = tpu.memref_slice %arg10[%dma_start3A_86] : memref<10240xf32, #tpu.memory_space<vmem>> -> memref<640xf32, #tpu.memory_space<vmem>>
      %dma_start3A_88 = tpu.memref_slice %arg12[%add3A_44] : memref<163840xf32, #tpu.memory_space<vmem_shared>> -> memref<640xf32, #tpu.memory_space<vmem_shared>>
      tpu.enqueue_dma source(%dma_start3A_88 : memref<640xf32, #tpu.memory_space<vmem_shared>>) target(%dma_start3A_87 : memref<640xf32, #tpu.memory_space<vmem>>) target_semaphore(%run_scoped3A : memref<!tpu.dma_semaphore, #tpu.memory_space<semaphore_mem>>)
      %dma_wait3A = arith.constant 4480 : i32
      %dma_wait3A_89 = tpu.memref_slice %arg10[%dma_wait3A] : memref<10240xf32, #tpu.memory_space<vmem>> -> memref<640xf32, #tpu.memory_space<vmem>>
      %dma_wait3A_90 = tpu.memref_slice %arg12[%add3A_44] : memref<163840xf32, #tpu.memory_space<vmem_shared>> -> memref<640xf32, #tpu.memory_space<vmem_shared>>
      %dma_wait3A_91 = arith.constant 4480 : i32
      %dma_wait3A_92 = tpu.memref_slice %arg10[%dma_wait3A_91] : memref<10240xf32, #tpu.memory_space<vmem>> -> memref<640xf32, #tpu.memory_space<vmem>>
      %dma_wait3A_93 = tpu.memref_slice %arg12[%add3A_44] : memref<163840xf32, #tpu.memory_space<vmem_shared>> -> memref<640xf32, #tpu.memory_space<vmem_shared>>
      tpu.wait_dma2 semaphore(%run_scoped3A : memref<!tpu.dma_semaphore, #tpu.memory_space<semaphore_mem>>) src(%dma_wait3A_93 : memref<640xf32, #tpu.memory_space<vmem_shared>>) dst(%dma_wait3A_92 : memref<640xf32, #tpu.memory_space<vmem>>)
      tpu.yield
    }) : () -> ()
    %mul3A_45 = arith.constant 640 : i32
    %mul3A_46 = arith.muli %arg1, %mul3A_45 : i32
    %add3A_47 = arith.constant 81920 : i32
    %add3A_48 = arith.addi %add3A_47, %mul3A_46 : i32
    "tpu.region"() ({
      %run_scoped3A = tpu.sem_alloc : memref<!tpu.dma_semaphore, #tpu.memory_space<semaphore_mem>>
      %dma_start3A = arith.constant 5120 : i32
      %dma_start3A_84 = tpu.memref_slice %arg10[%dma_start3A] : memref<10240xf32, #tpu.memory_space<vmem>> -> memref<640xf32, #tpu.memory_space<vmem>>
      %dma_start3A_85 = tpu.memref_slice %arg12[%add3A_48] : memref<163840xf32, #tpu.memory_space<vmem_shared>> -> memref<640xf32, #tpu.memory_space<vmem_shared>>
      %dma_start3A_86 = arith.constant 5120 : i32
      %dma_start3A_87 = tpu.memref_slice %arg10[%dma_start3A_86] : memref<10240xf32, #tpu.memory_space<vmem>> -> memref<640xf32, #tpu.memory_space<vmem>>
      %dma_start3A_88 = tpu.memref_slice %arg12[%add3A_48] : memref<163840xf32, #tpu.memory_space<vmem_shared>> -> memref<640xf32, #tpu.memory_space<vmem_shared>>
      tpu.enqueue_dma source(%dma_start3A_88 : memref<640xf32, #tpu.memory_space<vmem_shared>>) target(%dma_start3A_87 : memref<640xf32, #tpu.memory_space<vmem>>) target_semaphore(%run_scoped3A : memref<!tpu.dma_semaphore, #tpu.memory_space<semaphore_mem>>)
      %dma_wait3A = arith.constant 5120 : i32
      %dma_wait3A_89 = tpu.memref_slice %arg10[%dma_wait3A] : memref<10240xf32, #tpu.memory_space<vmem>> -> memref<640xf32, #tpu.memory_space<vmem>>
      %dma_wait3A_90 = tpu.memref_slice %arg12[%add3A_48] : memref<163840xf32, #tpu.memory_space<vmem_shared>> -> memref<640xf32, #tpu.memory_space<vmem_shared>>
      %dma_wait3A_91 = arith.constant 5120 : i32
      %dma_wait3A_92 = tpu.memref_slice %arg10[%dma_wait3A_91] : memref<10240xf32, #tpu.memory_space<vmem>> -> memref<640xf32, #tpu.memory_space<vmem>>
      %dma_wait3A_93 = tpu.memref_slice %arg12[%add3A_48] : memref<163840xf32, #tpu.memory_space<vmem_shared>> -> memref<640xf32, #tpu.memory_space<vmem_shared>>
      tpu.wait_dma2 semaphore(%run_scoped3A : memref<!tpu.dma_semaphore, #tpu.memory_space<semaphore_mem>>) src(%dma_wait3A_93 : memref<640xf32, #tpu.memory_space<vmem_shared>>) dst(%dma_wait3A_92 : memref<640xf32, #tpu.memory_space<vmem>>)
      tpu.yield
    }) : () -> ()
    %mul3A_49 = arith.constant 640 : i32
    %mul3A_50 = arith.muli %arg1, %mul3A_49 : i32
    %add3A_51 = arith.constant 92160 : i32
    %add3A_52 = arith.addi %add3A_51, %mul3A_50 : i32
    "tpu.region"() ({
      %run_scoped3A = tpu.sem_alloc : memref<!tpu.dma_semaphore, #tpu.memory_space<semaphore_mem>>
      %dma_start3A = arith.constant 5760 : i32
      %dma_start3A_84 = tpu.memref_slice %arg10[%dma_start3A] : memref<10240xf32, #tpu.memory_space<vmem>> -> memref<640xf32, #tpu.memory_space<vmem>>
      %dma_start3A_85 = tpu.memref_slice %arg12[%add3A_52] : memref<163840xf32, #tpu.memory_space<vmem_shared>> -> memref<640xf32, #tpu.memory_space<vmem_shared>>
      %dma_start3A_86 = arith.constant 5760 : i32
      %dma_start3A_87 = tpu.memref_slice %arg10[%dma_start3A_86] : memref<10240xf32, #tpu.memory_space<vmem>> -> memref<640xf32, #tpu.memory_space<vmem>>
      %dma_start3A_88 = tpu.memref_slice %arg12[%add3A_52] : memref<163840xf32, #tpu.memory_space<vmem_shared>> -> memref<640xf32, #tpu.memory_space<vmem_shared>>
      tpu.enqueue_dma source(%dma_start3A_88 : memref<640xf32, #tpu.memory_space<vmem_shared>>) target(%dma_start3A_87 : memref<640xf32, #tpu.memory_space<vmem>>) target_semaphore(%run_scoped3A : memref<!tpu.dma_semaphore, #tpu.memory_space<semaphore_mem>>)
      %dma_wait3A = arith.constant 5760 : i32
      %dma_wait3A_89 = tpu.memref_slice %arg10[%dma_wait3A] : memref<10240xf32, #tpu.memory_space<vmem>> -> memref<640xf32, #tpu.memory_space<vmem>>
      %dma_wait3A_90 = tpu.memref_slice %arg12[%add3A_52] : memref<163840xf32, #tpu.memory_space<vmem_shared>> -> memref<640xf32, #tpu.memory_space<vmem_shared>>
      %dma_wait3A_91 = arith.constant 5760 : i32
      %dma_wait3A_92 = tpu.memref_slice %arg10[%dma_wait3A_91] : memref<10240xf32, #tpu.memory_space<vmem>> -> memref<640xf32, #tpu.memory_space<vmem>>
      %dma_wait3A_93 = tpu.memref_slice %arg12[%add3A_52] : memref<163840xf32, #tpu.memory_space<vmem_shared>> -> memref<640xf32, #tpu.memory_space<vmem_shared>>
      tpu.wait_dma2 semaphore(%run_scoped3A : memref<!tpu.dma_semaphore, #tpu.memory_space<semaphore_mem>>) src(%dma_wait3A_93 : memref<640xf32, #tpu.memory_space<vmem_shared>>) dst(%dma_wait3A_92 : memref<640xf32, #tpu.memory_space<vmem>>)
      tpu.yield
    }) : () -> ()
    %mul3A_53 = arith.constant 640 : i32
    %mul3A_54 = arith.muli %arg1, %mul3A_53 : i32
    %add3A_55 = arith.constant 102400 : i32
    %add3A_56 = arith.addi %add3A_55, %mul3A_54 : i32
    "tpu.region"() ({
      %run_scoped3A = tpu.sem_alloc : memref<!tpu.dma_semaphore, #tpu.memory_space<semaphore_mem>>
      %dma_start3A = arith.constant 6400 : i32
      %dma_start3A_84 = tpu.memref_slice %arg10[%dma_start3A] : memref<10240xf32, #tpu.memory_space<vmem>> -> memref<640xf32, #tpu.memory_space<vmem>>
      %dma_start3A_85 = tpu.memref_slice %arg12[%add3A_56] : memref<163840xf32, #tpu.memory_space<vmem_shared>> -> memref<640xf32, #tpu.memory_space<vmem_shared>>
      %dma_start3A_86 = arith.constant 6400 : i32
      %dma_start3A_87 = tpu.memref_slice %arg10[%dma_start3A_86] : memref<10240xf32, #tpu.memory_space<vmem>> -> memref<640xf32, #tpu.memory_space<vmem>>
      %dma_start3A_88 = tpu.memref_slice %arg12[%add3A_56] : memref<163840xf32, #tpu.memory_space<vmem_shared>> -> memref<640xf32, #tpu.memory_space<vmem_shared>>
      tpu.enqueue_dma source(%dma_start3A_88 : memref<640xf32, #tpu.memory_space<vmem_shared>>) target(%dma_start3A_87 : memref<640xf32, #tpu.memory_space<vmem>>) target_semaphore(%run_scoped3A : memref<!tpu.dma_semaphore, #tpu.memory_space<semaphore_mem>>)
      %dma_wait3A = arith.constant 6400 : i32
      %dma_wait3A_89 = tpu.memref_slice %arg10[%dma_wait3A] : memref<10240xf32, #tpu.memory_space<vmem>> -> memref<640xf32, #tpu.memory_space<vmem>>
      %dma_wait3A_90 = tpu.memref_slice %arg12[%add3A_56] : memref<163840xf32, #tpu.memory_space<vmem_shared>> -> memref<640xf32, #tpu.memory_space<vmem_shared>>
      %dma_wait3A_91 = arith.constant 6400 : i32
      %dma_wait3A_92 = tpu.memref_slice %arg10[%dma_wait3A_91] : memref<10240xf32, #tpu.memory_space<vmem>> -> memref<640xf32, #tpu.memory_space<vmem>>
      %dma_wait3A_93 = tpu.memref_slice %arg12[%add3A_56] : memref<163840xf32, #tpu.memory_space<vmem_shared>> -> memref<640xf32, #tpu.memory_space<vmem_shared>>
      tpu.wait_dma2 semaphore(%run_scoped3A : memref<!tpu.dma_semaphore, #tpu.memory_space<semaphore_mem>>) src(%dma_wait3A_93 : memref<640xf32, #tpu.memory_space<vmem_shared>>) dst(%dma_wait3A_92 : memref<640xf32, #tpu.memory_space<vmem>>)
      tpu.yield
    }) : () -> ()
    %mul3A_57 = arith.constant 640 : i32
    %mul3A_58 = arith.muli %arg1, %mul3A_57 : i32
    %add3A_59 = arith.constant 112640 : i32
    %add3A_60 = arith.addi %add3A_59, %mul3A_58 : i32
    "tpu.region"() ({
      %run_scoped3A = tpu.sem_alloc : memref<!tpu.dma_semaphore, #tpu.memory_space<semaphore_mem>>
      %dma_start3A = arith.constant 7040 : i32
      %dma_start3A_84 = tpu.memref_slice %arg10[%dma_start3A] : memref<10240xf32, #tpu.memory_space<vmem>> -> memref<640xf32, #tpu.memory_space<vmem>>
      %dma_start3A_85 = tpu.memref_slice %arg12[%add3A_60] : memref<163840xf32, #tpu.memory_space<vmem_shared>> -> memref<640xf32, #tpu.memory_space<vmem_shared>>
      %dma_start3A_86 = arith.constant 7040 : i32
      %dma_start3A_87 = tpu.memref_slice %arg10[%dma_start3A_86] : memref<10240xf32, #tpu.memory_space<vmem>> -> memref<640xf32, #tpu.memory_space<vmem>>
      %dma_start3A_88 = tpu.memref_slice %arg12[%add3A_60] : memref<163840xf32, #tpu.memory_space<vmem_shared>> -> memref<640xf32, #tpu.memory_space<vmem_shared>>
      tpu.enqueue_dma source(%dma_start3A_88 : memref<640xf32, #tpu.memory_space<vmem_shared>>) target(%dma_start3A_87 : memref<640xf32, #tpu.memory_space<vmem>>) target_semaphore(%run_scoped3A : memref<!tpu.dma_semaphore, #tpu.memory_space<semaphore_mem>>)
      %dma_wait3A = arith.constant 7040 : i32
      %dma_wait3A_89 = tpu.memref_slice %arg10[%dma_wait3A] : memref<10240xf32, #tpu.memory_space<vmem>> -> memref<640xf32, #tpu.memory_space<vmem>>
      %dma_wait3A_90 = tpu.memref_slice %arg12[%add3A_60] : memref<163840xf32, #tpu.memory_space<vmem_shared>> -> memref<640xf32, #tpu.memory_space<vmem_shared>>
      %dma_wait3A_91 = arith.constant 7040 : i32
      %dma_wait3A_92 = tpu.memref_slice %arg10[%dma_wait3A_91] : memref<10240xf32, #tpu.memory_space<vmem>> -> memref<640xf32, #tpu.memory_space<vmem>>
      %dma_wait3A_93 = tpu.memref_slice %arg12[%add3A_60] : memref<163840xf32, #tpu.memory_space<vmem_shared>> -> memref<640xf32, #tpu.memory_space<vmem_shared>>
      tpu.wait_dma2 semaphore(%run_scoped3A : memref<!tpu.dma_semaphore, #tpu.memory_space<semaphore_mem>>) src(%dma_wait3A_93 : memref<640xf32, #tpu.memory_space<vmem_shared>>) dst(%dma_wait3A_92 : memref<640xf32, #tpu.memory_space<vmem>>)
      tpu.yield
    }) : () -> ()
    %mul3A_61 = arith.constant 640 : i32
    %mul3A_62 = arith.muli %arg1, %mul3A_61 : i32
    %add3A_63 = arith.constant 122880 : i32
    %add3A_64 = arith.addi %add3A_63, %mul3A_62 : i32
    "tpu.region"() ({
      %run_scoped3A = tpu.sem_alloc : memref<!tpu.dma_semaphore, #tpu.memory_space<semaphore_mem>>
      %dma_start3A = arith.constant 7680 : i32
      %dma_start3A_84 = tpu.memref_slice %arg10[%dma_start3A] : memref<10240xf32, #tpu.memory_space<vmem>> -> memref<640xf32, #tpu.memory_space<vmem>>
      %dma_start3A_85 = tpu.memref_slice %arg12[%add3A_64] : memref<163840xf32, #tpu.memory_space<vmem_shared>> -> memref<640xf32, #tpu.memory_space<vmem_shared>>
      %dma_start3A_86 = arith.constant 7680 : i32
      %dma_start3A_87 = tpu.memref_slice %arg10[%dma_start3A_86] : memref<10240xf32, #tpu.memory_space<vmem>> -> memref<640xf32, #tpu.memory_space<vmem>>
      %dma_start3A_88 = tpu.memref_slice %arg12[%add3A_64] : memref<163840xf32, #tpu.memory_space<vmem_shared>> -> memref<640xf32, #tpu.memory_space<vmem_shared>>
      tpu.enqueue_dma source(%dma_start3A_88 : memref<640xf32, #tpu.memory_space<vmem_shared>>) target(%dma_start3A_87 : memref<640xf32, #tpu.memory_space<vmem>>) target_semaphore(%run_scoped3A : memref<!tpu.dma_semaphore, #tpu.memory_space<semaphore_mem>>)
      %dma_wait3A = arith.constant 7680 : i32
      %dma_wait3A_89 = tpu.memref_slice %arg10[%dma_wait3A] : memref<10240xf32, #tpu.memory_space<vmem>> -> memref<640xf32, #tpu.memory_space<vmem>>
      %dma_wait3A_90 = tpu.memref_slice %arg12[%add3A_64] : memref<163840xf32, #tpu.memory_space<vmem_shared>> -> memref<640xf32, #tpu.memory_space<vmem_shared>>
      %dma_wait3A_91 = arith.constant 7680 : i32
      %dma_wait3A_92 = tpu.memref_slice %arg10[%dma_wait3A_91] : memref<10240xf32, #tpu.memory_space<vmem>> -> memref<640xf32, #tpu.memory_space<vmem>>
      %dma_wait3A_93 = tpu.memref_slice %arg12[%add3A_64] : memref<163840xf32, #tpu.memory_space<vmem_shared>> -> memref<640xf32, #tpu.memory_space<vmem_shared>>
      tpu.wait_dma2 semaphore(%run_scoped3A : memref<!tpu.dma_semaphore, #tpu.memory_space<semaphore_mem>>) src(%dma_wait3A_93 : memref<640xf32, #tpu.memory_space<vmem_shared>>) dst(%dma_wait3A_92 : memref<640xf32, #tpu.memory_space<vmem>>)
      tpu.yield
    }) : () -> ()
    %mul3A_65 = arith.constant 640 : i32
    %mul3A_66 = arith.muli %arg1, %mul3A_65 : i32
    %add3A_67 = arith.constant 133120 : i32
    %add3A_68 = arith.addi %add3A_67, %mul3A_66 : i32
    "tpu.region"() ({
      %run_scoped3A = tpu.sem_alloc : memref<!tpu.dma_semaphore, #tpu.memory_space<semaphore_mem>>
      %dma_start3A = arith.constant 8320 : i32
      %dma_start3A_84 = tpu.memref_slice %arg10[%dma_start3A] : memref<10240xf32, #tpu.memory_space<vmem>> -> memref<640xf32, #tpu.memory_space<vmem>>
      %dma_start3A_85 = tpu.memref_slice %arg12[%add3A_68] : memref<163840xf32, #tpu.memory_space<vmem_shared>> -> memref<640xf32, #tpu.memory_space<vmem_shared>>
      %dma_start3A_86 = arith.constant 8320 : i32
      %dma_start3A_87 = tpu.memref_slice %arg10[%dma_start3A_86] : memref<10240xf32, #tpu.memory_space<vmem>> -> memref<640xf32, #tpu.memory_space<vmem>>
      %dma_start3A_88 = tpu.memref_slice %arg12[%add3A_68] : memref<163840xf32, #tpu.memory_space<vmem_shared>> -> memref<640xf32, #tpu.memory_space<vmem_shared>>
      tpu.enqueue_dma source(%dma_start3A_88 : memref<640xf32, #tpu.memory_space<vmem_shared>>) target(%dma_start3A_87 : memref<640xf32, #tpu.memory_space<vmem>>) target_semaphore(%run_scoped3A : memref<!tpu.dma_semaphore, #tpu.memory_space<semaphore_mem>>)
      %dma_wait3A = arith.constant 8320 : i32
      %dma_wait3A_89 = tpu.memref_slice %arg10[%dma_wait3A] : memref<10240xf32, #tpu.memory_space<vmem>> -> memref<640xf32, #tpu.memory_space<vmem>>
      %dma_wait3A_90 = tpu.memref_slice %arg12[%add3A_68] : memref<163840xf32, #tpu.memory_space<vmem_shared>> -> memref<640xf32, #tpu.memory_space<vmem_shared>>
      %dma_wait3A_91 = arith.constant 8320 : i32
      %dma_wait3A_92 = tpu.memref_slice %arg10[%dma_wait3A_91] : memref<10240xf32, #tpu.memory_space<vmem>> -> memref<640xf32, #tpu.memory_space<vmem>>
      %dma_wait3A_93 = tpu.memref_slice %arg12[%add3A_68] : memref<163840xf32, #tpu.memory_space<vmem_shared>> -> memref<640xf32, #tpu.memory_space<vmem_shared>>
      tpu.wait_dma2 semaphore(%run_scoped3A : memref<!tpu.dma_semaphore, #tpu.memory_space<semaphore_mem>>) src(%dma_wait3A_93 : memref<640xf32, #tpu.memory_space<vmem_shared>>) dst(%dma_wait3A_92 : memref<640xf32, #tpu.memory_space<vmem>>)
      tpu.yield
    }) : () -> ()
    %mul3A_69 = arith.constant 640 : i32
    %mul3A_70 = arith.muli %arg1, %mul3A_69 : i32
    %add3A_71 = arith.constant 143360 : i32
    %add3A_72 = arith.addi %add3A_71, %mul3A_70 : i32
    "tpu.region"() ({
      %run_scoped3A = tpu.sem_alloc : memref<!tpu.dma_semaphore, #tpu.memory_space<semaphore_mem>>
      %dma_start3A = arith.constant 8960 : i32
      %dma_start3A_84 = tpu.memref_slice %arg10[%dma_start3A] : memref<10240xf32, #tpu.memory_space<vmem>> -> memref<640xf32, #tpu.memory_space<vmem>>
      %dma_start3A_85 = tpu.memref_slice %arg12[%add3A_72] : memref<163840xf32, #tpu.memory_space<vmem_shared>> -> memref<640xf32, #tpu.memory_space<vmem_shared>>
      %dma_start3A_86 = arith.constant 8960 : i32
      %dma_start3A_87 = tpu.memref_slice %arg10[%dma_start3A_86] : memref<10240xf32, #tpu.memory_space<vmem>> -> memref<640xf32, #tpu.memory_space<vmem>>
      %dma_start3A_88 = tpu.memref_slice %arg12[%add3A_72] : memref<163840xf32, #tpu.memory_space<vmem_shared>> -> memref<640xf32, #tpu.memory_space<vmem_shared>>
      tpu.enqueue_dma source(%dma_start3A_88 : memref<640xf32, #tpu.memory_space<vmem_shared>>) target(%dma_start3A_87 : memref<640xf32, #tpu.memory_space<vmem>>) target_semaphore(%run_scoped3A : memref<!tpu.dma_semaphore, #tpu.memory_space<semaphore_mem>>)
      %dma_wait3A = arith.constant 8960 : i32
      %dma_wait3A_89 = tpu.memref_slice %arg10[%dma_wait3A] : memref<10240xf32, #tpu.memory_space<vmem>> -> memref<640xf32, #tpu.memory_space<vmem>>
      %dma_wait3A_90 = tpu.memref_slice %arg12[%add3A_72] : memref<163840xf32, #tpu.memory_space<vmem_shared>> -> memref<640xf32, #tpu.memory_space<vmem_shared>>
      %dma_wait3A_91 = arith.constant 8960 : i32
      %dma_wait3A_92 = tpu.memref_slice %arg10[%dma_wait3A_91] : memref<10240xf32, #tpu.memory_space<vmem>> -> memref<640xf32, #tpu.memory_space<vmem>>
      %dma_wait3A_93 = tpu.memref_slice %arg12[%add3A_72] : memref<163840xf32, #tpu.memory_space<vmem_shared>> -> memref<640xf32, #tpu.memory_space<vmem_shared>>
      tpu.wait_dma2 semaphore(%run_scoped3A : memref<!tpu.dma_semaphore, #tpu.memory_space<semaphore_mem>>) src(%dma_wait3A_93 : memref<640xf32, #tpu.memory_space<vmem_shared>>) dst(%dma_wait3A_92 : memref<640xf32, #tpu.memory_space<vmem>>)
      tpu.yield
    }) : () -> ()
    %mul3A_73 = arith.constant 640 : i32
    %mul3A_74 = arith.muli %arg1, %mul3A_73 : i32
    %add3A_75 = arith.constant 153600 : i32
    %add3A_76 = arith.addi %add3A_75, %mul3A_74 : i32
    "tpu.region"() ({
      %run_scoped3A = tpu.sem_alloc : memref<!tpu.dma_semaphore, #tpu.memory_space<semaphore_mem>>
      %dma_start3A = arith.constant 9600 : i32
      %dma_start3A_84 = tpu.memref_slice %arg10[%dma_start3A] : memref<10240xf32, #tpu.memory_space<vmem>> -> memref<640xf32, #tpu.memory_space<vmem>>
      %dma_start3A_85 = tpu.memref_slice %arg12[%add3A_76] : memref<163840xf32, #tpu.memory_space<vmem_shared>> -> memref<640xf32, #tpu.memory_space<vmem_shared>>
      %dma_start3A_86 = arith.constant 9600 : i32
      %dma_start3A_87 = tpu.memref_slice %arg10[%dma_start3A_86] : memref<10240xf32, #tpu.memory_space<vmem>> -> memref<640xf32, #tpu.memory_space<vmem>>
      %dma_start3A_88 = tpu.memref_slice %arg12[%add3A_76] : memref<163840xf32, #tpu.memory_space<vmem_shared>> -> memref<640xf32, #tpu.memory_space<vmem_shared>>
      tpu.enqueue_dma source(%dma_start3A_88 : memref<640xf32, #tpu.memory_space<vmem_shared>>) target(%dma_start3A_87 : memref<640xf32, #tpu.memory_space<vmem>>) target_semaphore(%run_scoped3A : memref<!tpu.dma_semaphore, #tpu.memory_space<semaphore_mem>>)
      %dma_wait3A = arith.constant 9600 : i32
      %dma_wait3A_89 = tpu.memref_slice %arg10[%dma_wait3A] : memref<10240xf32, #tpu.memory_space<vmem>> -> memref<640xf32, #tpu.memory_space<vmem>>
      %dma_wait3A_90 = tpu.memref_slice %arg12[%add3A_76] : memref<163840xf32, #tpu.memory_space<vmem_shared>> -> memref<640xf32, #tpu.memory_space<vmem_shared>>
      %dma_wait3A_91 = arith.constant 9600 : i32
      %dma_wait3A_92 = tpu.memref_slice %arg10[%dma_wait3A_91] : memref<10240xf32, #tpu.memory_space<vmem>> -> memref<640xf32, #tpu.memory_space<vmem>>
      %dma_wait3A_93 = tpu.memref_slice %arg12[%add3A_76] : memref<163840xf32, #tpu.memory_space<vmem_shared>> -> memref<640xf32, #tpu.memory_space<vmem_shared>>
      tpu.wait_dma2 semaphore(%run_scoped3A : memref<!tpu.dma_semaphore, #tpu.memory_space<semaphore_mem>>) src(%dma_wait3A_93 : memref<640xf32, #tpu.memory_space<vmem_shared>>) dst(%dma_wait3A_92 : memref<640xf32, #tpu.memory_space<vmem>>)
      tpu.yield
    }) : () -> ()
    %scan3A_77 = arith.constant 0 : i32
    %scan3A_78 = arith.constant 40 : i32
    %scan3A_79 = arith.addi %scan3A_77, %scan3A_78 : i32
    %scan3A_80 = arith.constant 1 : i32
    scf.for %scan3A_84 = %scan3A_77 to %scan3A_79 step %scan3A_80  : i32 {
      %mul3A_85 = arith.constant 1 : i32
      %mul3A_86 = arith.muli %scan3A_84, %mul3A_85 : i32
      %add3A_87 = arith.constant 0 : i32
      %add3A_88 = arith.addi %add3A_87, %mul3A_86 : i32
      %mul3A_89 = arith.constant 16 : i32
      %mul3A_90 = arith.muli %add3A_88, %mul3A_89 : i32
      %get3A = arith.index_cast %mul3A_90 : i32 to index
      %get3A_91 = tpu.vector_load %arg10[%get3A] {strides = array<i32>} : memref<10240xf32, #tpu.memory_space<vmem>>, vector<16xf32>,
      %mul3A_92 = arith.constant 16 : i32
      %mul3A_93 = arith.muli %add3A_88, %mul3A_92 : i32
      %add3A_94 = arith.constant 640 : i32
      %add3A_95 = arith.addi %add3A_94, %mul3A_93 : i32
      %get3A_96 = arith.index_cast %add3A_95 : i32 to index
      %get3A_97 = tpu.vector_load %arg10[%get3A_96] {strides = array<i32>} : memref<10240xf32, #tpu.memory_space<vmem>>, vector<16xf32>,
      %add3A_98 = arith.addf %get3A_91, %get3A_97 : vector<16xf32>
      %mul3A_99 = arith.constant 16 : i32
      %mul3A_100 = arith.muli %add3A_88, %mul3A_99 : i32
      %add3A_101 = arith.constant 1280 : i32
      %add3A_102 = arith.addi %add3A_101, %mul3A_100 : i32
      %get3A_103 = arith.index_cast %add3A_102 : i32 to index
      %get3A_104 = tpu.vector_load %arg10[%get3A_103] {strides = array<i32>} : memref<10240xf32, #tpu.memory_space<vmem>>, vector<16xf32>,
      %add3A_105 = arith.addf %add3A_98, %get3A_104 : vector<16xf32>
      %mul3A_106 = arith.constant 16 : i32
      %mul3A_107 = arith.muli %add3A_88, %mul3A_106 : i32
      %add3A_108 = arith.constant 1920 : i32
      %add3A_109 = arith.addi %add3A_108, %mul3A_107 : i32
      %get3A_110 = arith.index_cast %add3A_109 : i32 to index
      %get3A_111 = tpu.vector_load %arg10[%get3A_110] {strides = array<i32>} : memref<10240xf32, #tpu.memory_space<vmem>>, vector<16xf32>,
      %add3A_112 = arith.addf %add3A_105, %get3A_111 : vector<16xf32>
      %mul3A_113 = arith.constant 16 : i32
      %mul3A_114 = arith.muli %add3A_88, %mul3A_113 : i32
      %add3A_115 = arith.constant 2560 : i32
      %add3A_116 = arith.addi %add3A_115, %mul3A_114 : i32
      %get3A_117 = arith.index_cast %add3A_116 : i32 to index
      %get3A_118 = tpu.vector_load %arg10[%get3A_117] {strides = array<i32>} : memref<10240xf32, #tpu.memory_space<vmem>>, vector<16xf32>,
      %add3A_119 = arith.addf %add3A_112, %get3A_118 : vector<16xf32>
      %mul3A_120 = arith.constant 16 : i32
      %mul3A_121 = arith.muli %add3A_88, %mul3A_120 : i32
      %add3A_122 = arith.constant 3200 : i32
      %add3A_123 = arith.addi %add3A_122, %mul3A_121 : i32
      %get3A_124 = arith.index_cast %add3A_123 : i32 to index
      %get3A_125 = tpu.vector_load %arg10[%get3A_124] {strides = array<i32>} : memref<10240xf32, #tpu.memory_space<vmem>>, vector<16xf32>,
      %add3A_126 = arith.addf %add3A_119, %get3A_125 : vector<16xf32>
      %mul3A_127 = arith.constant 16 : i32
      %mul3A_128 = arith.muli %add3A_88, %mul3A_127 : i32
      %add3A_129 = arith.constant 3840 : i32
      %add3A_130 = arith.addi %add3A_129, %mul3A_128 : i32
      %get3A_131 = arith.index_cast %add3A_130 : i32 to index
      %get3A_132 = tpu.vector_load %arg10[%get3A_131] {strides = array<i32>} : memref<10240xf32, #tpu.memory_space<vmem>>, vector<16xf32>,
      %add3A_133 = arith.addf %add3A_126, %get3A_132 : vector<16xf32>
      %mul3A_134 = arith.constant 16 : i32
      %mul3A_135 = arith.muli %add3A_88, %mul3A_134 : i32
      %add3A_136 = arith.constant 4480 : i32
      %add3A_137 = arith.addi %add3A_136, %mul3A_135 : i32
      %get3A_138 = arith.index_cast %add3A_137 : i32 to index
      %get3A_139 = tpu.vector_load %arg10[%get3A_138] {strides = array<i32>} : memref<10240xf32, #tpu.memory_space<vmem>>, vector<16xf32>,
      %add3A_140 = arith.addf %add3A_133, %get3A_139 : vector<16xf32>
      %mul3A_141 = arith.constant 16 : i32
      %mul3A_142 = arith.muli %add3A_88, %mul3A_141 : i32
      %add3A_143 = arith.constant 5120 : i32
      %add3A_144 = arith.addi %add3A_143, %mul3A_142 : i32
      %get3A_145 = arith.index_cast %add3A_144 : i32 to index
      %get3A_146 = tpu.vector_load %arg10[%get3A_145] {strides = array<i32>} : memref<10240xf32, #tpu.memory_space<vmem>>, vector<16xf32>,
      %add3A_147 = arith.addf %add3A_140, %get3A_146 : vector<16xf32>
      %mul3A_148 = arith.constant 16 : i32
      %mul3A_149 = arith.muli %add3A_88, %mul3A_148 : i32
      %add3A_150 = arith.constant 5760 : i32
      %add3A_151 = arith.addi %add3A_150, %mul3A_149 : i32
      %get3A_152 = arith.index_cast %add3A_151 : i32 to index
      %get3A_153 = tpu.vector_load %arg10[%get3A_152] {strides = array<i32>} : memref<10240xf32, #tpu.memory_space<vmem>>, vector<16xf32>,
      %add3A_154 = arith.addf %add3A_147, %get3A_153 : vector<16xf32>
      %mul3A_155 = arith.constant 16 : i32
      %mul3A_156 = arith.muli %add3A_88, %mul3A_155 : i32
      %add3A_157 = arith.constant 6400 : i32
      %add3A_158 = arith.addi %add3A_157, %mul3A_156 : i32
      %get3A_159 = arith.index_cast %add3A_158 : i32 to index
      %get3A_160 = tpu.vector_load %arg10[%get3A_159] {strides = array<i32>} : memref<10240xf32, #tpu.memory_space<vmem>>, vector<16xf32>,
      %add3A_161 = arith.addf %add3A_154, %get3A_160 : vector<16xf32>
      %mul3A_162 = arith.constant 16 : i32
      %mul3A_163 = arith.muli %add3A_88, %mul3A_162 : i32
      %add3A_164 = arith.constant 7040 : i32
      %add3A_165 = arith.addi %add3A_164, %mul3A_163 : i32
      %get3A_166 = arith.index_cast %add3A_165 : i32 to index
      %get3A_167 = tpu.vector_load %arg10[%get3A_166] {strides = array<i32>} : memref<10240xf32, #tpu.memory_space<vmem>>, vector<16xf32>,
      %add3A_168 = arith.addf %add3A_161, %get3A_167 : vector<16xf32>
      %mul3A_169 = arith.constant 16 : i32
      %mul3A_170 = arith.muli %add3A_88, %mul3A_169 : i32
      %add3A_171 = arith.constant 7680 : i32
      %add3A_172 = arith.addi %add3A_171, %mul3A_170 : i32
      %get3A_173 = arith.index_cast %add3A_172 : i32 to index
      %get3A_174 = tpu.vector_load %arg10[%get3A_173] {strides = array<i32>} : memref<10240xf32, #tpu.memory_space<vmem>>, vector<16xf32>,
      %add3A_175 = arith.addf %add3A_168, %get3A_174 : vector<16xf32>
      %mul3A_176 = arith.constant 16 : i32
      %mul3A_177 = arith.muli %add3A_88, %mul3A_176 : i32
      %add3A_178 = arith.constant 8320 : i32
      %add3A_179 = arith.addi %add3A_178, %mul3A_177 : i32
      %get3A_180 = arith.index_cast %add3A_179 : i32 to index
      %get3A_181 = tpu.vector_load %arg10[%get3A_180] {strides = array<i32>} : memref<10240xf32, #tpu.memory_space<vmem>>, vector<16xf32>,
      %add3A_182 = arith.addf %add3A_175, %get3A_181 : vector<16xf32>
      %mul3A_183 = arith.constant 16 : i32
      %mul3A_184 = arith.muli %add3A_88, %mul3A_183 : i32
      %add3A_185 = arith.constant 8960 : i32
      %add3A_186 = arith.addi %add3A_185, %mul3A_184 : i32
      %get3A_187 = arith.index_cast %add3A_186 : i32 to index
      %get3A_188 = tpu.vector_load %arg10[%get3A_187] {strides = array<i32>} : memref<10240xf32, #tpu.memory_space<vmem>>, vector<16xf32>,
      %add3A_189 = arith.addf %add3A_182, %get3A_188 : vector<16xf32>
      %mul3A_190 = arith.constant 16 : i32
      %mul3A_191 = arith.muli %add3A_88, %mul3A_190 : i32
      %add3A_192 = arith.constant 9600 : i32
      %add3A_193 = arith.addi %add3A_192, %mul3A_191 : i32
      %get3A_194 = arith.index_cast %add3A_193 : i32 to index
      %get3A_195 = tpu.vector_load %arg10[%get3A_194] {strides = array<i32>} : memref<10240xf32, #tpu.memory_space<vmem>>, vector<16xf32>,
      %add3A_196 = arith.addf %add3A_189, %get3A_195 : vector<16xf32>
      %mul3A_197 = arith.constant 16 : i32
      %mul3A_198 = arith.muli %add3A_88, %mul3A_197 : i32
      %swap3A = arith.index_cast %mul3A_198 : i32 to index
      %swap3A_199 = tpu.vector_load %arg11[%swap3A] {strides = array<i32>} : memref<640xf32, #tpu.memory_space<vmem>>, vector<16xf32>,
      tpu.vector_store %arg11[%swap3A], %add3A_196 {strides = array<i32>} : memref<640xf32, #tpu.memory_space<vmem>>, vector<16xf32>,
    }
    %scan3A_81 = arith.constant 40 : i32
    %mul3A_82 = arith.constant 640 : i32
    %mul3A_83 = arith.muli %arg1, %mul3A_82 : i32
    "tpu.region"() ({
      %run_scoped3A = tpu.sem_alloc : memref<!tpu.dma_semaphore, #tpu.memory_space<semaphore_mem>>
      %dma_start3A = tpu.memref_slice %arg5[%arg0, %mul3A_83] : memref<2x10240xf32, #tpu.memory_space<hbm>> -> memref<1x640xf32, #tpu.memory_space<hbm>>
      %dma_start3A_84 = tpu.memref_squeeze %dma_start3A : memref<1x640xf32, #tpu.memory_space<hbm>> -> memref<640xf32, #tpu.memory_space<hbm>>
      %dma_start3A_85 = tpu.memref_slice %arg5[%arg0, %mul3A_83] : memref<2x10240xf32, #tpu.memory_space<hbm>> -> memref<1x640xf32, #tpu.memory_space<hbm>>
      %dma_start3A_86 = tpu.memref_squeeze %dma_start3A_85 : memref<1x640xf32, #tpu.memory_space<hbm>> -> memref<640xf32, #tpu.memory_space<hbm>>
      tpu.enqueue_dma source(%arg11 : memref<640xf32, #tpu.memory_space<vmem>>) target(%dma_start3A_86 : memref<640xf32, #tpu.memory_space<hbm>>) target_semaphore(%run_scoped3A : memref<!tpu.dma_semaphore, #tpu.memory_space<semaphore_mem>>)
      %dma_wait3A = tpu.memref_slice %arg5[%arg0, %mul3A_83] : memref<2x10240xf32, #tpu.memory_space<hbm>> -> memref<1x640xf32, #tpu.memory_space<hbm>>
      %dma_wait3A_87 = tpu.memref_squeeze %dma_wait3A : memref<1x640xf32, #tpu.memory_space<hbm>> -> memref<640xf32, #tpu.memory_space<hbm>>
      %dma_wait3A_88 = tpu.memref_slice %arg5[%arg0, %mul3A_83] : memref<2x10240xf32, #tpu.memory_space<hbm>> -> memref<1x640xf32, #tpu.memory_space<hbm>>
      %dma_wait3A_89 = tpu.memref_squeeze %dma_wait3A_88 : memref<1x640xf32, #tpu.memory_space<hbm>> -> memref<640xf32, #tpu.memory_space<hbm>>
      tpu.wait_dma2 semaphore(%run_scoped3A : memref<!tpu.dma_semaphore, #tpu.memory_space<semaphore_mem>>) src(%arg11 : memref<640xf32, #tpu.memory_space<vmem>>) dst(%dma_wait3A_89 : memref<640xf32, #tpu.memory_space<hbm>>)
      tpu.yield
    }) : () -> ()
    return
  }
}

module attributes {stable_mosaic.version = 14 : i64} {
  func.func @_mm1_body(%arg0: memref<10000x128xf32, #tpu.memory_space<vmem>>, %arg1: memref<128x128xf32, #tpu.memory_space<vmem>>, %arg2: memref<10000x1xf32, #tpu.memory_space<vmem>>, %arg3: memref<10000x1xf32, #tpu.memory_space<vmem>>, %arg4: memref<10000x128xf32, #tpu.memory_space<vmem>>, %arg5: memref<10000x1xf32, #tpu.memory_space<vmem>>) attributes {dimension_semantics = [], scalar_prefetch = 0 : i64, scratch_operands = 0 : i64, tpu.core_type = #tpu.core_type<tc>} {
    %get3A = arith.constant 0 : index
    %get3A_0 = arith.constant 0 : index
    %get3A_1 = vector.load %arg2[%get3A, %get3A_0] : memref<10000x1xf32, #tpu.memory_space<vmem>>, vector<10000x1xf32>
    %get3A_2 = arith.constant 0 : index
    %get3A_3 = arith.constant 0 : index
    %get3A_4 = vector.load %arg3[%get3A_2, %get3A_3] : memref<10000x1xf32, #tpu.memory_space<vmem>>, vector<10000x1xf32>
    %add3A = arith.addf %get3A_1, %get3A_4 : vector<10000x1xf32>
    %add3A_5 = arith.constant 1.000000e+00 : f32
    %add3A_6 = vector.broadcast %add3A_5 : f32 to vector<10000x1xf32>
    %add3A_7 = arith.addf %add3A, %add3A_6 : vector<10000x1xf32>
    %max3A = arith.constant 1.000000e+00 : f32
    %max3A_8 = vector.broadcast %max3A : f32 to vector<10000x1xf32>
    %max3A_9 = arith.maximumf %add3A_7, %max3A_8 : vector<10000x1xf32>
    %rsqrt3A = math.rsqrt %max3A_9 : vector<10000x1xf32>
    %swap3A = arith.constant 0 : index
    %swap3A_10 = arith.constant 0 : index
    %swap3A_11 = vector.load %arg5[%swap3A, %swap3A_10] : memref<10000x1xf32, #tpu.memory_space<vmem>>, vector<10000x1xf32>
    tpu.vector_store %arg5[%swap3A, %swap3A_10], %rsqrt3A {strides = array<i32>} : memref<10000x1xf32, #tpu.memory_space<vmem>>, vector<10000x1xf32>,
    %get3A_12 = arith.constant 0 : index
    %get3A_13 = arith.constant 0 : index
    %get3A_14 = vector.load %arg0[%get3A_12, %get3A_13] : memref<10000x128xf32, #tpu.memory_space<vmem>>, vector<10000x128xf32>
    %mul3A = vector.broadcast %rsqrt3A : vector<10000x1xf32> to vector<10000x128xf32>
    %mul3A_15 = arith.mulf %get3A_14, %mul3A : vector<10000x128xf32>
    %get3A_16 = arith.constant 0 : index
    %get3A_17 = arith.constant 0 : index
    %get3A_18 = vector.load %arg1[%get3A_16, %get3A_17] : memref<128x128xf32, #tpu.memory_space<vmem>>, vector<128x128xf32>
    %dot_general3A = arith.constant dense<0.000000e+00> : vector<10000x128xf32>
    %dot_general3A_19 = tpu.matmul %mul3A_15, %get3A_18, %dot_general3A {dimension_numbers = #tpu.dot_dimension_numbers<[1], [0], [0], [1], [0, 0, 1, 1], [], []>, precision = #tpu.contract_precision<fp32>, transpose_lhs_hint = false} : vector<10000x128xf32>, vector<128x128xf32>, vector<10000x128xf32> -> vector<10000x128xf32>
    %swap3A_20 = arith.constant 0 : index
    %swap3A_21 = arith.constant 0 : index
    %swap3A_22 = vector.load %arg4[%swap3A_20, %swap3A_21] : memref<10000x128xf32, #tpu.memory_space<vmem>>, vector<10000x128xf32>
    tpu.vector_store %arg4[%swap3A_20, %swap3A_21], %dot_general3A_19 {strides = array<i32>} : memref<10000x128xf32, #tpu.memory_space<vmem>>, vector<10000x128xf32>,
    return
  }
}

module attributes {stable_mosaic.version = 14 : i64} {
  func.func @_mm2_body(%arg0: memref<10000x128xf32, #tpu.memory_space<vmem>>, %arg1: memref<10000x128xf32, #tpu.memory_space<vmem>>, %arg2: memref<10000x128xf32, #tpu.memory_space<vmem>>, %arg3: memref<10000x1xf32, #tpu.memory_space<vmem>>, %arg4: memref<1x128xf32, #tpu.memory_space<vmem>>, %arg5: memref<128x1xf32, #tpu.memory_space<vmem>>, %arg6: memref<10000x1xf32, #tpu.memory_space<vmem>>) attributes {dimension_semantics = [], scalar_prefetch = 0 : i64, scratch_operands = 0 : i64, tpu.core_type = #tpu.core_type<tc>} {
    %get3A = arith.constant 0 : index
    %get3A_0 = arith.constant 0 : index
    %get3A_1 = vector.load %arg0[%get3A, %get3A_0] : memref<10000x128xf32, #tpu.memory_space<vmem>>, vector<10000x128xf32>
    %get3A_2 = arith.constant 0 : index
    %get3A_3 = arith.constant 0 : index
    %get3A_4 = vector.load %arg1[%get3A_2, %get3A_3] : memref<10000x128xf32, #tpu.memory_space<vmem>>, vector<10000x128xf32>
    %add3A = arith.addf %get3A_1, %get3A_4 : vector<10000x128xf32>
    %get3A_5 = arith.constant 0 : index
    %get3A_6 = arith.constant 0 : index
    %get3A_7 = vector.load %arg2[%get3A_5, %get3A_6] : memref<10000x128xf32, #tpu.memory_space<vmem>>, vector<10000x128xf32>
    %add3A_8 = arith.addf %add3A, %get3A_7 : vector<10000x128xf32>
    %get3A_9 = arith.constant 0 : index
    %get3A_10 = arith.constant 0 : index
    %get3A_11 = vector.load %arg3[%get3A_9, %get3A_10] : memref<10000x1xf32, #tpu.memory_space<vmem>>, vector<10000x1xf32>
    %mul3A = vector.broadcast %get3A_11 : vector<10000x1xf32> to vector<10000x128xf32>
    %mul3A_12 = arith.mulf %add3A_8, %mul3A : vector<10000x128xf32>
    %get3A_13 = arith.constant 0 : index
    %get3A_14 = arith.constant 0 : index
    %get3A_15 = vector.load %arg4[%get3A_13, %get3A_14] : memref<1x128xf32, #tpu.memory_space<vmem>>, vector<1x128xf32>
    %add3A_16 = vector.broadcast %get3A_15 : vector<1x128xf32> to vector<10000x128xf32>
    %add3A_17 = arith.addf %mul3A_12, %add3A_16 : vector<10000x128xf32>
    %max3A = arith.constant 0.000000e+00 : f32
    %max3A_18 = vector.broadcast %max3A : f32 to vector<10000x128xf32>
    %max3A_19 = arith.maximumf %add3A_17, %max3A_18 : vector<10000x128xf32>
    %get3A_20 = arith.constant 0 : index
    %get3A_21 = arith.constant 0 : index
    %get3A_22 = vector.load %arg5[%get3A_20, %get3A_21] : memref<128x1xf32, #tpu.memory_space<vmem>>, vector<128x1xf32>
    %dot_general3A = arith.constant dense<0.000000e+00> : vector<10000x1xf32>
    %dot_general3A_23 = tpu.matmul %max3A_19, %get3A_22, %dot_general3A {dimension_numbers = #tpu.dot_dimension_numbers<[1], [0], [0], [1], [0, 0, 1, 1], [], []>, precision = #tpu.contract_precision<fp32>, transpose_lhs_hint = false} : vector<10000x128xf32>, vector<128x1xf32>, vector<10000x1xf32> -> vector<10000x1xf32>
    %get3A_24 = arith.constant 0 : index
    %get3A_25 = arith.constant 0 : index
    %get3A_26 = vector.load %arg3[%get3A_24, %get3A_25] : memref<10000x1xf32, #tpu.memory_space<vmem>>, vector<10000x1xf32>
    %mul3A_27 = arith.mulf %dot_general3A_23, %get3A_26 : vector<10000x1xf32>
    %swap3A = arith.constant 0 : index
    %swap3A_28 = arith.constant 0 : index
    %swap3A_29 = vector.load %arg6[%swap3A, %swap3A_28] : memref<10000x1xf32, #tpu.memory_space<vmem>>, vector<10000x1xf32>
    tpu.vector_store %arg6[%swap3A, %swap3A_28], %mul3A_27 {strides = array<i32>} : memref<10000x1xf32, #tpu.memory_space<vmem>>, vector<10000x1xf32>,
    return
  }
}

module attributes {stable_mosaic.version = 14 : i64} {
  func.func @_fin_body(%arg0: memref<10000x1xf32, #tpu.memory_space<vmem>>, %arg1: memref<10000x1xf32, #tpu.memory_space<vmem>>, %arg2: memref<10000x1xf32, #tpu.memory_space<vmem>>, %arg3: memref<10000x1xf32, #tpu.memory_space<vmem>>, %arg4: memref<1x1xf32, #tpu.memory_space<vmem>>, %arg5: memref<10000x1xf32, #tpu.memory_space<vmem>>) attributes {dimension_semantics = [], scalar_prefetch = 0 : i64, scratch_operands = 0 : i64, tpu.core_type = #tpu.core_type<tc>} {
    %get3A = arith.constant 0 : index
    %get3A_0 = arith.constant 0 : index
    %get3A_1 = vector.load %arg0[%get3A, %get3A_0] : memref<10000x1xf32, #tpu.memory_space<vmem>>, vector<10000x1xf32>
    %get3A_2 = arith.constant 0 : index
    %get3A_3 = arith.constant 0 : index
    %get3A_4 = vector.load %arg1[%get3A_2, %get3A_3] : memref<10000x1xf32, #tpu.memory_space<vmem>>, vector<10000x1xf32>
    %add3A = arith.addf %get3A_1, %get3A_4 : vector<10000x1xf32>
    %get3A_5 = arith.constant 0 : index
    %get3A_6 = arith.constant 0 : index
    %get3A_7 = vector.load %arg2[%get3A_5, %get3A_6] : memref<10000x1xf32, #tpu.memory_space<vmem>>, vector<10000x1xf32>
    %add3A_8 = arith.addf %add3A, %get3A_7 : vector<10000x1xf32>
    %get3A_9 = arith.constant 0 : index
    %get3A_10 = arith.constant 0 : index
    %get3A_11 = vector.load %arg3[%get3A_9, %get3A_10] : memref<10000x1xf32, #tpu.memory_space<vmem>>, vector<10000x1xf32>
    %mul3A = arith.mulf %add3A_8, %get3A_11 : vector<10000x1xf32>
    %get3A_12 = arith.constant 0 : index
    %get3A_13 = arith.constant 0 : index
    %get3A_14 = vector.load %arg4[%get3A_12, %get3A_13] : memref<1x1xf32, #tpu.memory_space<vmem>>, vector<1x1xf32>
    %add3A_15 = vector.broadcast %get3A_14 : vector<1x1xf32> to vector<10000x1xf32>
    %add3A_16 = arith.addf %mul3A, %add3A_15 : vector<10000x1xf32>
    %swap3A = arith.constant 0 : index
    %swap3A_17 = arith.constant 0 : index
    %swap3A_18 = vector.load %arg5[%swap3A, %swap3A_17] : memref<10000x1xf32, #tpu.memory_space<vmem>>, vector<10000x1xf32>
    tpu.vector_store %arg5[%swap3A, %swap3A_17], %add3A_16 {strides = array<i32>} : memref<10000x1xf32, #tpu.memory_space<vmem>>, vector<10000x1xf32>,
    return
  }
}

</mosaic_0001>

<sc_bundles>
// kernel: kernel.11.cloned.1.call-start
scs
__scs_entry_jumppad:
0x0: {  	(pc) =	sbr.rel $0x88, $3  }
0x1: {  	(tag) =	ssettag $0x0;
	lr =	simm.s32 $0x1  }
0x2: {  	[smem:$0x3F9B] =	sst lr;
	_ =	strace $0xD0000000  }
0x3: {  	_ = 	snop  }
0x4: {  	_ = 	snop  }
0x5: {  	_ = 	snop  }
0x6: {  	_ = 	snop  }
0x7: {  	_ = 	snop  }
__scs_overlays_trampoline_lowered:
0x8: {  	[smem:$0x3FAA] =	sst s0  }
0x9: {  	[smem:$0x3FAB] =	sst s1  }
0xa: {  	[smem:$0x3FAC] =	sst s2  }
0xb: {  	[smem:$0x3FAD] =	sst s3  }
0xc: {  	[smem:$0x3FAE] =	sst s4  }
0xd: {  	[smem:$0x3FAF] =	sst s5  }
0xe: {  	[smem:$0x3FB0] =	sst s6  }
0xf: {  	[smem:$0x3FB1] =	sst s7  }
0x10: {  	[smem:$0x3FB2] =	sst s8  }
0x11: {  	[smem:$0x3FB3] =	sst s9;
	s0 =	simm.s32 @!p0 $0x0  }
0x12: {  	s1 =	sld [smem:$0x3F99];
	s0 =	simm.s32 @p0 $0x1  }
0x13: {  	[smem:$0x3FB4] =	sst s0;
	s0 =	simm.s32 @!p1 $0x0  }
0x14: {  	s2 =	sld [smem:$0x3F98];
	s0 =	simm.s32 @p1 $0x1  }
0x15: {  	[smem:$0x3FB5] =	sst s0;
	s0 =	simm.s32 @!p2 $0x0  }
0x16: {  	s3 =	sld [smem:$0x3FDB];
	s0 =	simm.s32 @p2 $0x1  }
0x17: {  	s4 =	simm.s32 $0x1BF5;
	[smem:$0x3FB7] =	sst s0  }
0x18: {  	s0 =	sld [smem:$0x3F9A];
	_ =	swait.ge [sflag:s4], $0x0  }
0x19: {  	s7 =	sld [smem:$0x3F9B]  }
0x1a: {  	s8 =	sadd.s32 $0xFFFFE003, lr  }
0x1b: {  	s9 =	sadd.s32 $0xFFFFFEF7, lr;
	s5 =	simm.s32 $0xFFFFFFFF;
	p2 =	slt.u32 s8, $0xFFFFF086  }
0x1c: {  	p1 =	slt.u32 s9, $0xF7A;
	s5 =	simm.s32 @!p2 $0x0  }
0x1d: {  	s5 =	simm.s32 @p1 $0x1;
	p0 =	seq.s32 s7, s2  }
0x1e: {  	s7 =	smul.u32 @!p0 $0xF7A, s2;
	p2 =	seq.s32 @!p0 s5, $0x0  }
0x1f: {  	s9 =	smul.u32 $0xF7A, s1;
	s8 =	simm.s32 @!p0 $0x1BF5;
	p2 =	por !p2, p0  }
0x20: {  	[sflag:s8] =	ssyncset.s32 @!p0 $0xFFFFF086;
	s6 =	sadd.s32 @!p0 s3, s7;
	s7 =	simm.s32 @!p0 $0x108  }
0x21: {  	s3 =	sadd.s32 s3, s9;
	s6 =	sadd.s32 @!p0 $0x88, s6;
	s7 =	simm.s32 @p2 $0x1082  }
0x22: {  	[simem:s7], [sflag:s8] =	dma.local @!p0 [hbm:s6], $0xF7A  }
0x23: {  	s9 =	sor.u32 $0xD0000000, s2;
	s6 =	simm.s32 $0x108;
	_ =	swait.ge @!p0 [sflag:s8], $0x0  }
0x24: {  	s3 =	sadd.s32 $0x88, s3;
	s6 =	simm.s32 @!p1 $0x1082;
	[sflag:s4] =	ssyncset.s32 $0xFFFFF086  }
0x25: {  	[simem:s6], [sflag:s4] =	dma.local [hbm:s3], $0xF7A  }
0x26: {  	[smem:$0x3F9B] =	sst s1;
	(tag) =	ssettag s2;
	_ =	strace s9  }
0x27: {  	s1 =	sld [smem:$0x3FAB]  }
0x28: {  	s2 =	sld [smem:$0x3FAC]  }
0x29: {  	s4 =	sld [smem:$0x3FAE]  }
0x2a: {  	p0 =	seq.s32 s5, $0x0;
	s5 =	sld [smem:$0x3FAF]  }
0x2b: {  	s6 =	sld [smem:$0x3FB0]  }
0x2c: {  	s7 =	sld [smem:$0x3FB1]  }
0x2d: {  	s3 =	simm.s32 $0x108;
	s8 =	sld [smem:$0x3FB2]  }
0x2e: {  	s3 =	simm.s32 @!p0 $0x1082;
	s9 =	sld [smem:$0x3FB3]  }
0x2f: {  	lr =	sadd.s32 s0, s3;
	s0 =	sld [smem:$0x3FAA]  }
0x30: {  	s3 =	sld [smem:$0x3FAD]  }
0x31: {  	[smem:$0x3FB6] =	sst s10  }
0x32: {  	s10 =	sld [smem:$0x3FB4];
	_ =	sdelay $0x3  }
0x33: {  	p0 =	seq.s32 s10, $0x1;
	s10 =	sld [smem:$0x3FB6];
	_ =	sdelay $0x3  }
0x34: {  	[smem:$0x3FB6] =	sst s10  }
0x35: {  	s10 =	sld [smem:$0x3FB5];
	_ =	sdelay $0x3  }
0x36: {  	p1 =	seq.s32 s10, $0x1;
	s10 =	sld [smem:$0x3FB6];
	_ =	sdelay $0x3  }
0x37: {  	[smem:$0x3FB6] =	sst s10  }
0x38: {  	s10 =	sld [smem:$0x3FB7]  }
0x39: {  	_ = 	snop;
	(pc) =	sbr.ind lr, $3  }
0x3a: {  	_ = 	snop  }
0x3b: {  	_ = 	snop  }
0x3c: {  	p2 =	seq.s32 s10, $0x1;
	s10 =	sld [smem:$0x3FB6]  }
0x3d: {  	_ =	shalt  }
0x3e: {  	_ =	shalt  }
0x3f: {  	_ =	shalt  }
0x40: {  	_ =	shalt  }
0x41: {  	_ =	shalt  }
0x42: {  	_ =	shalt  }
0x43: {  	_ =	shalt  }
0x44: {  	_ =	shalt  }
0x45: {  	_ =	shalt  }
0x46: {  	_ =	shalt  }
0x47: {  	_ =	shalt  }
0x48: {  	_ =	shalt  }
0x49: {  	_ =	shalt  }
0x4a: {  	_ =	shalt  }
0x4b: {  	_ =	shalt  }
0x4c: {  	_ =	shalt  }
0x4d: {  	_ =	shalt  }
0x4e: {  	_ =	shalt  }
0x4f: {  	_ =	shalt  }
0x50: {  	_ =	shalt  }
0x51: {  	_ =	shalt  }
0x52: {  	_ =	shalt  }
0x53: {  	_ =	shalt  }
0x54: {  	_ =	shalt  }
0x55: {  	_ =	shalt  }
0x56: {  	_ =	shalt  }
0x57: {  	_ =	shalt  }
0x58: {  	_ =	shalt  }
0x59: {  	_ =	shalt  }
0x5a: {  	_ =	shalt  }
0x5b: {  	_ =	shalt  }
0x5c: {  	_ =	shalt  }
0x5d: {  	_ =	shalt  }
0x5e: {  	_ =	shalt  }
0x5f: {  	_ =	shalt  }
0x60: {  	_ =	shalt  }
0x61: {  	_ =	shalt  }
0x62: {  	_ =	shalt  }
0x63: {  	_ =	shalt  }
0x64: {  	_ =	shalt  }
0x65: {  	_ =	shalt  }
0x66: {  	_ =	shalt  }
0x67: {  	_ =	shalt  }
0x68: {  	_ =	shalt  }
0x69: {  	_ =	shalt  }
0x6a: {  	_ =	shalt  }
0x6b: {  	_ =	shalt  }
0x6c: {  	_ =	shalt  }
0x6d: {  	_ =	shalt  }
0x6e: {  	_ =	shalt  }
0x6f: {  	_ =	shalt  }
0x70: {  	_ =	shalt  }
0x71: {  	_ =	shalt  }
0x72: {  	_ =	shalt  }
0x73: {  	_ =	shalt  }
0x74: {  	_ =	shalt  }
0x75: {  	_ =	shalt  }
0x76: {  	_ =	shalt  }
0x77: {  	_ =	shalt  }
0x78: {  	_ =	shalt  }
0x79: {  	_ =	shalt  }
0x7a: {  	_ =	shalt  }
0x7b: {  	_ =	shalt  }
0x7c: {  	_ =	shalt  }
0x7d: {  	_ =	shalt  }
0x7e: {  	_ =	shalt  }
0x7f: {  	_ =	shalt  }
0x80: {  	_ =	shalt  }
0x81: {  	_ =	shalt  }
0x82: {  	_ =	shalt  }
0x83: {  	_ =	shalt  }
0x84: {  	_ =	shalt  }
0x85: {  	_ =	shalt  }
0x86: {  	_ =	shalt  }
0x87: {  	_ =	shalt  }
.Lfunc_end0:
.L_simem_size_0:
called_computation.1_lowered:
.L_overlay_start_0:
0x88: {  	s2 =	sld [smem:$0x3FD9]  }
0x89: {  	s3 =	sld [smem:$0x3FFE];
	_ =	sdelay $0x1  }
0x8a: {  	s1 =	srdreg.scid  }
0x8b: {  	s0 =	sand.u32 $0x1, s1  }
0x8c: {  	s16 =	sshll.u32 s0, $0xA;
	s2 =	sadd.s32 s3, s2  }
0x8d: {  	s2 =	sadd.s32 s2, s16  }
0x8e: {  	[smem:$0x3FC2] =	sst s2  }
0x8f: {  	_ = 	snop  }
0x90: {  	(tm) =	ssettm $0x1  }
0x91: {  	s17 =	sld [smem:$0x3FFB];
	_ =	sdelay $0x3  }
0x92: {  	_ =	strace s17  }
0x93: {  	s2 =	sld [smem:$0x3FFC];
	_ =	sdelay $0x3  }
0x94: {  	_ =	strace s2  }
0x95: {  	s2 =	sld [smem:$0x3FFD];
	_ =	sdelay $0x3  }
0x96: {  	_ =	strace s2  }
0x97: {  	_ =	strace $0x8FFFFFFF  }
0x98: {  	s18 =	sld [smem:$0x3FDB];
	_ =	sdelay $0x1  }
0x99: {  	s19 =	simm.s32 $_scs_section_size  }
0x9a: {  	s4 =	simm.s32 $_size__tile_overlayer_lowered;
	s5 =	simm.s32 $_tile_overlayer_lowered  }
0x9b: {  	s22 =	simm.s32 $0x1BFF;
	s21 =	sshll.u32 s5, $0x1;
	s2 =	sadd.s32 s19, s18  }
0x9c: {  	s6 =	simm.s32 $0x0;
	s20 =	sshll.u32 s4, $0x1;
	s4 =	sadd.s32 s21, s2  }
0x9d: {  	[timem:s6], [sflag:s22] =	dma.local [hbm:s4], s20  }
0x9e: {  	_ =	swait.ge [sflag:s22], s20  }
0x9f: {  	s3 =	ssub.s32 $0x0, s20;
	[sflag:s22] =	ssyncset.done $0x0  }
0xa0: {  	[sflag:s22] =	ssyncadd.s32 s3;
	_ =	sdelay $0x1  }
0xa1: {  	s23 =	simm.s32 $0x1B8B  }
0xa2: {  	_ =	swait.ge [sflag:s23], $0x1  }
0xa3: {  	[sflag:s23] =	ssyncset.done $0x0  }
0xa4: {  	s25 =	simm.s32 $0x1B8E;
	s24 =	sld [smem:$0x3FFE];
	[sflag:s23] =	ssyncadd.s32 $0xFFFFFFFF  }
0xa5: {  	s26 =	simm.s32 $execute0_lowered;
	[smem:$0x3FD2] =	sst s25  }
0xa6: {  	s4 =	sshll.u32 s26, $0x1;
	_ =	strace $0x80000049;
	[dreg:$0x1] =	wrdreg $0xFFFFFFFF  }
0xa7: {  	s28 =	simm.s32 $_size_execute0_lowered;
	s2 =	sadd.s32 s2, s4;
	[dreg:$0x0] =	wrdreg $0x0  }
0xa8: {  	s4 =	sshll.u32 s28, $0x1;
	[dreg:$0x2] =	wrdreg s2  }
0xa9: {  	[dreg:$0x3] =	wrdreg s4  }
0xaa: {  	[dreg:$0x4] =	wrdreg $0xC0  }
0xab: {  	_ =	task [dreg:s6], $0x5FFFF  }
0xac: {  	[dreg:$0x1] =	wrdreg $0xFFFFFFFF  }
0xad: {  	[dreg:$0x0] =	wrdreg $0x60  }
0xae: {  	[dreg:$0x2] =	wrdreg s24  }
0xaf: {  	[dreg:$0x3] =	wrdreg $0xB7800  }
0xb0: {  	[dreg:$0x4] =	wrdreg $0x9  }
0xb1: {  	_ =	task.clear_ibuf [dreg:s6], $0x5FFFF;
	_ =	strace $0x90000049  }
0xb2: {  	s29 =	simm.s32 $0x9;
	_ =	strace $0x8000004B  }
0xb3: {  	_ =	swait.ge [sflag:s29], $0x1  }
0xb4: {  	[sflag:s29] =	ssyncadd.s32 $0xFFFFFFFF  }
0xb5: {  	_ =	strace $0x9000004B  }
0xb6: {  	_ =	sfence  }
0xb7: {  	s30 =	sld [smem:$0x0];
	_ =	sdelay $0x2  }
0xb8: {  	s31 =	sshll.u32 s1, $0xD;
	s1 =	sshrl.u32 s1, $0x2  }
0xb9: {  	s3 =	sand.u32 $0x4000, s31;
	s1 =	sadd.s32 s1, s30  }
0xba: {  	s0 =	sor.u32 s3, s0;
	s1 =	sshll.u32 s1, $0x11  }
0xbb: {  	s0 =	sor.u32 s1, s0  }
0xbc: {  	s0 =	sadd.s32 $0x8F2B, s0  }
0xbd: {  	[sflag:s0] =	ssyncadd.remote.s32 $0x1  }
0xbe: {  	_ =	sfence.sel $0xFFFF  }
0xbf: {  	[dreg:$0x0] =	wrdreg $0xFFFFFFFF;
	(pc) =	sbr.abs _section_cstart, $3  }
0xc0: {  	[dreg:$0x1] =	wrdreg $0xFFFFFFFF  }
0xc1: {  	_ =	task.clear_ibuf [dreg:s6], $0x2FFFF;
	_ =	strace $0x9FFFFFFF  }
0xc2: {  	(tm) =	ssettm $0x7FFFFFFF  }
0xc3: {  	_ =	shalt  }
tec
execute0_lowered:
.L_overlay_start_1:
0x0: {  	(tag) =	ssettag $0x1  }
0x1: {  	s0 =	srdreg.scid  }
0x2: {  	s9 =	stileid.u32;
	s3 =	rddreg [dreg:$0x0];
	s6 =	simm.s32 $0x0  }
0x3: {  	s29 =	simm.s32 $0x6780;
	s30 =	simm.s32 $0x50;
	s31 =	simm.s32 $0x8F80  }
0x4: {  	s0 =	sand.u32 $0x1, s0;
	s5 =	sshll.u32 s9, $0x7;
	s7 =	smul.u32 $0x50000, s9  }
0x5: {  	[smem:$0x7FF] =	sst s6;
	s14 =	smul.u32 $0x14000, s9;
	s1 =	sshll.u32 s0, $0x4  }
0x6: {  	s5 =	sand.u32 $0x380, s5;
	s15 =	ssub.s32 $0x2, s0;
	s0 =	smul.u32 $0x140000, s0  }
0x7: {  	s1 =	sor.u32 s9, s1;
	s8 =	sshrl.u32 s15, $0x1;
	s7 =	sshrl.u32 s7, $0x2  }
0x8: {  	s16 =	sor.u32 $0x2800, s14;
	s17 =	sadd.s32 $0x5000, s14;
	s18 =	sadd.s32 $0x7800, s14  }
0x9: {  	s19 =	sadd.s32 $0xA000, s14;
	s20 =	sadd.s32 $0xC800, s14;
	s21 =	sadd.s32 $0xF000, s14  }
0xa: {  	s22 =	sadd.s32 $0x11800, s14;
	s2 =	sshrl.u32 s1, $0x3;
	s1 =	sshll.u32 s1, $0xB  }
0xb: {  	s23 =	ssub.s32 s15, s8;
	s15 =	sadd.s32 s14, s0;
	s24 =	sadd.s32 s0, s19  }
0xc: {  	s26 =	sadd.s32 s0, s20;
	s28 =	sadd.s32 s0, s21;
	s4 =	smul.u32 $0x13C00, s2  }
0xd: {  	s2 =	rddreg [dreg:$0x1];
	_ =	strace $0x8000004A;
	s1 =	sadd.s32 s1, s3  }
0xe: {  	s15 =	sshrl.u32 s15, $0x3;
	s24 =	sshrl.u32 s24, $0x3;
	s23 =	smax.u32 s23, $0x1  }
0xf: {  	s1 =	sadd.s32 $0x16C00, s1;
	s7 =	sadd.s32 s7, s2;
	s8 =	sadd.s32 s16, s2  }
0x10: {  	s9 =	sadd.s32 s17, s2;
	s10 =	sadd.s32 s18, s2;
	s11 =	sadd.s32 s19, s2  }
0x11: {  	s12 =	sadd.s32 s20, s2;
	s14 =	sadd.s32 s22, s2;
	s17 =	sadd.s32 s0, s17  }
0x12: {  	s18 =	sadd.s32 s0, s18;
	s4 =	sor.u32 s5, s4;
	[dreg:$0x4] =	wrdreg s1  }
0x13: {  	s1 =	sadd.s32 s0, s16;
	s25 =	sshrl.u32 s18, $0x3;
	s0 =	sadd.s32 s0, s22  }
0x14: {  	s4 =	sshrl.u32 s4, $0x3;
	s1 =	sshrl.u32 s1, $0x3;
	s0 =	sshrl.u32 s0, $0x3  }
0x15: {  	s13 =	sadd.s32 s4, s3;
	s4 =	sadd.s32 $0x26C00, s3;
	s3 =	sadd.s32 $0x75000, s3  }
0x16: {  	s5 =	sadd.s32 $0xCE00, s13;
	s13 =	sadd.s32 s21, s2;
	s15 =	sadd.s32 s3, s15  }
0x17: {  	s16 =	sadd.s32 s3, s1;
	s1 =	sshrl.u32 s17, $0x3;
	s18 =	sadd.s32 s3, s25  }
0x18: {  	s19 =	sadd.s32 s3, s24;
	s21 =	sshrl.u32 s28, $0x3;
	s22 =	sadd.s32 s3, s0  }
0x19: {  	s0 =	simm.s32 $0x2;
	s25 =	simm.s32 $0x0;
	[dreg:$0x3] =	wrdreg s5  }
0x1a: {  	s17 =	sadd.s32 s3, s1;
	s1 =	sshrl.u32 s26, $0x3;
	s21 =	sadd.s32 s3, s21  }
0x1b: {  	v0 =	vimm.f32 $0.0e+00;
	s26 =	simm.s32 $0x3;
	s20 =	sadd.s32 s3, s1;
	s1 =	simm.s32 $0x1  }
.LBB2_1:
0x1c: {  	s3 =	simm.s32 $0x0  }
0x1d: {  	s5 =	rddreg [dreg:$0x3];
	s6 =	simm.s32 $0x80;
	s24 =	simm.s32 $0x400  }
0x1e: {  	[tilespmem:s3], [sflag:$0x3] =	stream.strided.gather [hbm4b:s5+s6], $0x2780, s24, s6, $0x38;
	[tilespmem:$0x1F780] =	vst v63  }
0x1f: {  	_ =	swait.ge [sflag:s26], $0x2780  }
0x20: {  	[sflag:s26] =	ssyncset.done $0x0  }
0x21: {  	s28 =	simm.s32 $0x2780;
	s24 =	rddreg [dreg:$0x4];
	[sflag:s26] =	ssyncadd.s32 $0xFFFFD880  }
0x22: {  	[tilespmem:s28], [sflag:$0x3] =	stream.linear.gather [hbm4b:s24+s3], $0x3E80, $0x38;
	[tilespmem:$0x1F780] =	vst v63  }
0x23: {  	_ =	swait.ge [sflag:s26], $0x3E80  }
0x24: {  	[sflag:s26] =	ssyncset.done $0x0  }
0x25: {  	s3 =	simm.s32 $0x0;
	s24 =	simm.s32 $0x200;
	[sflag:s26] =	ssyncadd.s32 $0xFFFFC180  }
.LBB2_2:
0x26: {  	p0 =	sne.s32 s24, $0x9E00;
	[tilespmem:s3+$0x67F0] =	vst v0  }
0x27: {  	[tilespmem:s3+$0x6780] =	vst v0  }
0x28: {  	[tilespmem:s3+$0x6790] =	vst v0  }
.Ltmp0:
0x29: {  	[tilespmem:s3+$0x67A0] =	vst v0;
	(pc) =	sbr.rel @p0 .LBB2_2-.Ltmp0, $4  }
0x2a: {  	[tilespmem:s3+$0x67B0] =	vst v0  }
0x2b: {  	[tilespmem:s3+$0x67C0] =	vst v0  }
0x2c: {  	[tilespmem:s3+$0x67D0] =	vst v0  }
0x2d: {  	[tilespmem:s3+$0x67E0] =	vst v0;
	s3 =	sshra.s32 s24, $0x2;
	s24 =	sadd.s32 $0x200, s24  }
0x2e: {  	[tilespmem:s3+$0x67F0] =	vst v0  }
0x2f: {  	[tilespmem:s3+$0x6780] =	vst v0  }
0x30: {  	[tilespmem:s3+$0x6790] =	vst v0  }
0x31: {  	[tilespmem:s3+$0x67A0] =	vst v0  }
0x32: {  	[tilespmem:s3+$0x67B0] =	vst v0  }
0x33: {  	[tilespmem:s3+$0x67C0] =	vst v0  }
0x34: {  	[tilespmem:s3+$0x67D0] =	vst v0  }
0x35: {  	[tilespmem:s3+$0x67E0] =	vst v0  }
0x36: {  	[spmem:s7] =	stream.linear.scatter [tilespmem:s29], [sflag:$0x3], $0x2800, $0x38;
	[tilespmem:$0x1F780] =	vst v63  }
0x37: {  	_ =	swait.ge [sflag:s26], $0x2800  }
0x38: {  	[sflag:s26] =	ssyncset.done $0x0  }
0x39: {  	[sflag:s26] =	ssyncadd.s32 $0xFFFFD800  }
0x3a: {  	[spmem:s8] =	stream.linear.scatter [tilespmem:s29], [sflag:$0x3], $0x2800, $0x38;
	[tilespmem:$0x1F780] =	vst v63  }
0x3b: {  	_ =	swait.ge [sflag:s26], $0x2800  }
0x3c: {  	[sflag:s26] =	ssyncset.done $0x0  }
0x3d: {  	[sflag:s26] =	ssyncadd.s32 $0xFFFFD800  }
0x3e: {  	[spmem:s9] =	stream.linear.scatter [tilespmem:s29], [sflag:$0x3], $0x2800, $0x38;
	[tilespmem:$0x1F780] =	vst v63  }
0x3f: {  	_ =	swait.ge [sflag:s26], $0x2800  }
0x40: {  	[sflag:s26] =	ssyncset.done $0x0  }
0x41: {  	[sflag:s26] =	ssyncadd.s32 $0xFFFFD800  }
0x42: {  	[spmem:s10] =	stream.linear.scatter [tilespmem:s29], [sflag:$0x3], $0x2800, $0x38;
	[tilespmem:$0x1F780] =	vst v63  }
0x43: {  	_ =	swait.ge [sflag:s26], $0x2800  }
0x44: {  	[sflag:s26] =	ssyncset.done $0x0  }
0x45: {  	[sflag:s26] =	ssyncadd.s32 $0xFFFFD800  }
0x46: {  	[spmem:s11] =	stream.linear.scatter [tilespmem:s29], [sflag:$0x3], $0x2800, $0x38;
	[tilespmem:$0x1F780] =	vst v63  }
0x47: {  	_ =	swait.ge [sflag:s26], $0x2800  }
0x48: {  	[sflag:s26] =	ssyncset.done $0x0  }
0x49: {  	[sflag:s26] =	ssyncadd.s32 $0xFFFFD800  }
0x4a: {  	[spmem:s12] =	stream.linear.scatter [tilespmem:s29], [sflag:$0x3], $0x2800, $0x38;
	[tilespmem:$0x1F780] =	vst v63  }
0x4b: {  	_ =	swait.ge [sflag:s26], $0x2800  }
0x4c: {  	[sflag:s26] =	ssyncset.done $0x0  }
0x4d: {  	[sflag:s26] =	ssyncadd.s32 $0xFFFFD800  }
0x4e: {  	[spmem:s13] =	stream.linear.scatter [tilespmem:s29], [sflag:$0x3], $0x2800, $0x38;
	[tilespmem:$0x1F780] =	vst v63  }
0x4f: {  	_ =	swait.ge [sflag:s26], $0x2800  }
0x50: {  	[sflag:s26] =	ssyncset.done $0x0  }
0x51: {  	[sflag:s26] =	ssyncadd.s32 $0xFFFFD800  }
0x52: {  	[spmem:s14] =	stream.linear.scatter [tilespmem:s29], [sflag:$0x3], $0x2800, $0x38;
	[tilespmem:$0x1F780] =	vst v63  }
0x53: {  	_ =	swait.ge [sflag:s26], $0x2800  }
0x54: {  	[sflag:s26] =	ssyncset.done $0x0  }
0x55: {  	[sflag:s26] =	ssyncadd.s32 $0xFFFFD800  }
0x56: {  	s6 =	simm.s32 $0x0;
	[bflag:$0x0] =	sbarrier.arrive $0xFFFF  }
0x57: {  	[tilespmem:s29], [sflag:$0x1] =	stream.indirect.gather [hbm4b:s4+s30], $0x80, s6, s30, $0xb8;
	[tilespmem:$0x1F780] =	vst v63  }
0x58: {  	s24 =	simm.s32 $0x50  }
0x59: {  	[tilespmem:s31], [sflag:$0x2] =	stream.indirect.gather [hbm4b:s4+s30], $0x80, s24, s30, $0xb8;
	[tilespmem:$0x1F780] =	vst v63  }
0x5a: {  	_ =	swait.ge [sflag:s1], $0x2800  }
0x5b: {  	[sflag:s1] =	ssyncset.done $0x0  }
0x5c: {  	s5 =	simm.s32 $0x2780;
	[sflag:s1] =	ssyncadd.s32 $0xFFFFD800  }
0x5d: {  	[spmem:s2] =	stream.indirect.scatter.add.f32 [tilespmem:s29], [sflag:$0x3], $0x80, s5, s30, $0xb8;
	[tilespmem:$0x1F780] =	vst v63  }
0x5e: {  	_ =	swait.ge [sflag:s26], $0x2800  }
0x5f: {  	[sflag:s26] =	ssyncset.done $0x0  }
0x60: {  	s6 =	simm.s32 $0xA0;
	[sflag:s26] =	ssyncadd.s32 $0xFFFFD800  }
0x61: {  	[tilespmem:s29], [sflag:$0x1] =	stream.indirect.gather [hbm4b:s4+s30], $0x80, s6, s30, $0xb8;
	[tilespmem:$0x1F780] =	vst v63  }
0x62: {  	_ =	swait.ge [sflag:s0], $0x2800  }
0x63: {  	[sflag:s0] =	ssyncset.done $0x0  }
0x64: {  	s24 =	simm.s32 $0x2800;
	[sflag:s0] =	ssyncadd.s32 $0xFFFFD800  }
0x65: {  	[spmem:s2] =	stream.indirect.scatter.add.f32 [tilespmem:s31], [sflag:$0x3], $0x80, s24, s30, $0xb8;
	[tilespmem:$0x1F780] =	vst v63  }
0x66: {  	s3 =	simm.s32 $0x800;
	_ =	swait.ge [sflag:s26], $0x2800  }
0x67: {  	s28 =	simm.s32 $0x140;
	s24 =	simm.s32 $0x400;
	[sflag:s26] =	ssyncset.done $0x0  }
.LBB2_4:
0x68: {  	p0 =	sne.s32 s3, $0xF400;
	s5 =	sadd.s32 $0xFFFFFFB0, s28;
	[sflag:s26] =	ssyncadd.s32 $0xFFFFD800  }
0x69: {  	[tilespmem:s31], [sflag:$0x2] =	stream.indirect.gather [hbm4b:s4+s30], $0x80, s5, s30, $0xb8;
	[tilespmem:$0x1F780] =	vst v63  }
0x6a: {  	s5 =	smov.u32 s3;
	s3 =	sadd.s32 $0x400, s3;
	_ =	swait.ge [sflag:s1], $0x2800  }
0x6b: {  	s6 =	sshra.s32 s24, $0x2;
	s24 =	smov.u32 s5;
	[sflag:s1] =	ssyncset.done $0x0  }
0x6c: {  	s5 =	sadd.s32 $0x2780, s6;
	[sflag:s1] =	ssyncadd.s32 $0xFFFFD800  }
0x6d: {  	[spmem:s2] =	stream.indirect.scatter.add.f32 [tilespmem:s29], [sflag:$0x3], $0x80, s5, s30, $0xb8;
	[tilespmem:$0x1F780] =	vst v63  }
0x6e: {  	_ =	swait.ge [sflag:s26], $0x2800  }
0x6f: {  	[sflag:s26] =	ssyncset.done $0x0  }
0x70: {  	[sflag:s26] =	ssyncadd.s32 $0xFFFFD800  }
0x71: {  	[tilespmem:s29], [sflag:$0x1] =	stream.indirect.gather [hbm4b:s4+s30], $0x80, s28, s30, $0xb8;
	[tilespmem:$0x1F780] =	vst v63  }
0x72: {  	_ =	swait.ge [sflag:s0], $0x2800  }
.Ltmp1:
0x73: {  	[sflag:s0] =	ssyncset.done $0x0;
	(pc) =	sbr.rel @p0 .LBB2_4-.Ltmp1, $4  }
0x74: {  	s5 =	sadd.s32 $0x2800, s6;
	[sflag:s0] =	ssyncadd.s32 $0xFFFFD800  }
0x75: {  	[spmem:s2] =	stream.indirect.scatter.add.f32 [tilespmem:s31], [sflag:$0x3], $0x80, s5, s30, $0xb8;
	[tilespmem:$0x1F780] =	vst v63  }
0x76: {  	_ =	swait.ge [sflag:s26], $0x2800  }
0x77: {  	s28 =	sadd.s32 $0xA0, s28;
	[sflag:s26] =	ssyncset.done $0x0  }
0x78: {  	s3 =	sadd.s32 $0xFFFFFFB0, s28;
	[sflag:s26] =	ssyncadd.s32 $0xFFFFD800  }
0x79: {  	[tilespmem:s31], [sflag:$0x2] =	stream.indirect.gather [hbm4b:s4+s30], $0x80, s3, s30, $0xb8;
	[tilespmem:$0x1F780] =	vst v63  }
0x7a: {  	_ =	swait.ge [sflag:s1], $0x2800  }
0x7b: {  	s24 =	sshra.s32 s24, $0x2;
	[sflag:s1] =	ssyncset.done $0x0  }
0x7c: {  	s5 =	sadd.s32 $0x2780, s24;
	[sflag:s1] =	ssyncadd.s32 $0xFFFFD800  }
0x7d: {  	[spmem:s2] =	stream.indirect.scatter.add.f32 [tilespmem:s29], [sflag:$0x3], $0x80, s5, s30, $0xb8;
	[tilespmem:$0x1F780] =	vst v63  }
0x7e: {  	_ =	swait.ge [sflag:s26], $0x2800  }
0x7f: {  	[sflag:s26] =	ssyncset.done $0x0  }
0x80: {  	[sflag:s26] =	ssyncadd.s32 $0xFFFFD800  }
0x81: {  	[tilespmem:s29], [sflag:$0x1] =	stream.indirect.gather [hbm4b:s4+s30], $0x80, s28, s30, $0xb8;
	[tilespmem:$0x1F780] =	vst v63  }
0x82: {  	_ =	swait.ge [sflag:s0], $0x2800  }
0x83: {  	[sflag:s0] =	ssyncset.done $0x0  }
0x84: {  	s3 =	sadd.s32 $0x2800, s24;
	[sflag:s0] =	ssyncadd.s32 $0xFFFFD800  }
0x85: {  	[spmem:s2] =	stream.indirect.scatter.add.f32 [tilespmem:s31], [sflag:$0x3], $0x80, s3, s30, $0xb8;
	[tilespmem:$0x1F780] =	vst v63  }
0x86: {  	_ =	swait.ge [sflag:s26], $0x2800  }
0x87: {  	[sflag:s26] =	ssyncset.done $0x0  }
0x88: {  	[sflag:s26] =	ssyncadd.s32 $0xFFFFD800  }
0x89: {  	_ =	swait.ge [sflag:s1], $0x2800  }
0x8a: {  	[sflag:s1] =	ssyncset.done $0x0  }
0x8b: {  	s5 =	simm.s32 $0x6580;
	[sflag:s1] =	ssyncadd.s32 $0xFFFFD800  }
0x8c: {  	[spmem:s2] =	stream.indirect.scatter.add.f32 [tilespmem:s29], [sflag:$0x3], $0x80, s5, s30, $0xb8;
	[tilespmem:$0x1F780] =	vst v63  }
0x8d: {  	_ =	swait.ge [sflag:s26], $0x2800  }
0x8e: {  	s6 =	stileid.u32;
	[sflag:s26] =	ssyncset.done $0x0  }
0x8f: {  	s3 =	sshll.u32 s6, $0x6;
	[sflag:s26] =	ssyncadd.s32 $0xFFFFD800  }
0x90: {  	s24 =	sshrl.u32 s7, $0x3;
	s3 =	sor.u32 $0x1C03, s3;
	[bflag:$0x0] =	sbarrier.arrive $0xFFFF  }
0x91: {  	[hbm:s15], [sflag:s3] =	dma.local [spmem:s24], $0x500  }
0x92: {  	_ =	swait.ge [sflag:s26], $0x500  }
0x93: {  	[sflag:s26] =	ssyncset.done $0x0  }
0x94: {  	s28 =	sshrl.u32 s8, $0x3;
	[sflag:s26] =	ssyncadd.s32 $0xFFFFFB00  }
0x95: {  	[hbm:s16], [sflag:s3] =	dma.local [spmem:s28], $0x500  }
0x96: {  	_ =	swait.ge [sflag:s26], $0x500  }
0x97: {  	[sflag:s26] =	ssyncset.done $0x0  }
0x98: {  	s6 =	sshrl.u32 s9, $0x3;
	[sflag:s26] =	ssyncadd.s32 $0xFFFFFB00  }
0x99: {  	[hbm:s17], [sflag:s3] =	dma.local [spmem:s6], $0x500  }
0x9a: {  	_ =	swait.ge [sflag:s26], $0x500  }
0x9b: {  	[sflag:s26] =	ssyncset.done $0x0  }
0x9c: {  	s24 =	sshrl.u32 s10, $0x3;
	[sflag:s26] =	ssyncadd.s32 $0xFFFFFB00  }
0x9d: {  	[hbm:s18], [sflag:s3] =	dma.local [spmem:s24], $0x500  }
0x9e: {  	_ =	swait.ge [sflag:s26], $0x500  }
0x9f: {  	[sflag:s26] =	ssyncset.done $0x0  }
0xa0: {  	s28 =	sshrl.u32 s11, $0x3;
	[sflag:s26] =	ssyncadd.s32 $0xFFFFFB00  }
0xa1: {  	[hbm:s19], [sflag:s3] =	dma.local [spmem:s28], $0x500  }
0xa2: {  	_ =	swait.ge [sflag:s26], $0x500  }
0xa3: {  	[sflag:s26] =	ssyncset.done $0x0  }
0xa4: {  	s6 =	sshrl.u32 s12, $0x3;
	[sflag:s26] =	ssyncadd.s32 $0xFFFFFB00  }
0xa5: {  	[hbm:s20], [sflag:s3] =	dma.local [spmem:s6], $0x500  }
0xa6: {  	_ =	swait.ge [sflag:s26], $0x500  }
0xa7: {  	[sflag:s26] =	ssyncset.done $0x0  }
0xa8: {  	s24 =	sshrl.u32 s13, $0x3;
	[sflag:s26] =	ssyncadd.s32 $0xFFFFFB00  }
0xa9: {  	[hbm:s21], [sflag:s3] =	dma.local [spmem:s24], $0x500  }
0xaa: {  	s25 =	sadd.s32 $0x1, s25;
	_ =	swait.ge [sflag:s26], $0x500  }
0xab: {  	p0 =	sne.s32 s25, s23;
	[sflag:s26] =	ssyncset.done $0x0  }
.Ltmp2:
0xac: {  	s28 =	sshrl.u32 s14, $0x3;
	[sflag:s26] =	ssyncadd.s32 $0xFFFFFB00;
	(pc) =	sbr.rel @p0 .LBB2_1-.Ltmp2, $4  }
0xad: {  	[hbm:s22], [sflag:s3] =	dma.local [spmem:s28], $0x500  }
0xae: {  	_ =	swait.ge [sflag:s26], $0x500  }
0xaf: {  	[sflag:s26] =	ssyncset.done $0x0  }
0xb0: {  	[sflag:s26] =	ssyncadd.s32 $0xFFFFFB00  }
0xb1: {  	_ =	sfence.sel $0x180000  }
0xb2: {  	[bflag:$0x0] =	sbarrier.arrive $0xFFFF  }
0xb3: {  	_ =	strace $0x9000004A  }
0xb4: {  	s0 =	stileid.u32;
	[bflag:$0x2] =	sbarrier.arrive $0xFFFF  }
0xb5: {  	p0 =	sne.s32 s0, $0x0;
	s0 =	rddreg [dreg:$0x2]  }
0xb6: {  	s0 =	sadd.s32 @!p0 $0x100000, s0  }
0xb7: {  	[sflag:s0] =	ssyncadd.tile.s32 @!p0 $0x1;
	_ =	shalt  }
.Lfunc_end2:
_tile_overlayer_lowered:
.L_overlay_start_2:
0xb8: {  	(tag) =	ssettag $0x2  }
0xb9: {  	s0 =	rddreg [dreg:$0x0];
	s2 =	stileid.u32  }
0xba: {  	s1 =	rddreg [dreg:$0x1];
	p0 =	sne.s32 s2, $0x0  }
0xbb: {  	s3 =	rddreg [dreg:$0x2];
	[bflag:$0x3] =	sbarrier.arrive $0xFFFF;
	s2 =	simm.s32 @!p0 $0x1C03  }
0xbc: {  	[timem:s3], [sflag:s2] =	dma.local @!p0 [hbm:s0], s1  }
0xbd: {  	s0 =	simm.s32 @!p0 $0x3  }
0xbe: {  	_ =	swait.ge @!p0 [sflag:s0], s1  }
0xbf: {  	s1 =	ssub.s32 @!p0 $0x0, s1;
	[sflag:s0] =	ssyncset.done @!p0 $0x0  }
0xc0: {  	[sflag:s0] =	ssyncadd.s32 @!p0 s1  }
0xc1: {  	[bflag:$0x3] =	sbarrier.arrive $0xFFFF  }
0xc2: {  	_ =	shalt  }

// kernel: kernel.14.cloned.1.call-start
scs
__scs_entry_jumppad:
0x0: {  	(pc) =	sbr.rel $0x88, $3  }
0x1: {  	(tag) =	ssettag $0x0;
	lr =	simm.s32 $0x1  }
0x2: {  	[smem:$0x3F9B] =	sst lr;
	_ =	strace $0xD0000000  }
0x3: {  	_ = 	snop  }
0x4: {  	_ = 	snop  }
0x5: {  	_ = 	snop  }
0x6: {  	_ = 	snop  }
0x7: {  	_ = 	snop  }
__scs_overlays_trampoline_lowered:
0x8: {  	[smem:$0x3FAA] =	sst s0  }
0x9: {  	[smem:$0x3FAB] =	sst s1  }
0xa: {  	[smem:$0x3FAC] =	sst s2  }
0xb: {  	[smem:$0x3FAD] =	sst s3  }
0xc: {  	[smem:$0x3FAE] =	sst s4  }
0xd: {  	[smem:$0x3FAF] =	sst s5  }
0xe: {  	[smem:$0x3FB0] =	sst s6  }
0xf: {  	[smem:$0x3FB1] =	sst s7  }
0x10: {  	[smem:$0x3FB2] =	sst s8  }
0x11: {  	[smem:$0x3FB3] =	sst s9;
	s0 =	simm.s32 @!p0 $0x0  }
0x12: {  	s1 =	sld [smem:$0x3F99];
	s0 =	simm.s32 @p0 $0x1  }
0x13: {  	[smem:$0x3FB4] =	sst s0;
	s0 =	simm.s32 @!p1 $0x0  }
0x14: {  	s2 =	sld [smem:$0x3F98];
	s0 =	simm.s32 @p1 $0x1  }
0x15: {  	[smem:$0x3FB5] =	sst s0;
	s0 =	simm.s32 @!p2 $0x0  }
0x16: {  	s3 =	sld [smem:$0x3FDB];
	s0 =	simm.s32 @p2 $0x1  }
0x17: {  	s4 =	simm.s32 $0x1BF5;
	[smem:$0x3FB7] =	sst s0  }
0x18: {  	s0 =	sld [smem:$0x3F9A];
	_ =	swait.ge [sflag:s4], $0x0  }
0x19: {  	s7 =	sld [smem:$0x3F9B]  }
0x1a: {  	s8 =	sadd.s32 $0xFFFFE003, lr  }
0x1b: {  	s9 =	sadd.s32 $0xFFFFFEF7, lr;
	s5 =	simm.s32 $0xFFFFFFFF;
	p2 =	slt.u32 s8, $0xFFFFF086  }
0x1c: {  	p1 =	slt.u32 s9, $0xF7A;
	s5 =	simm.s32 @!p2 $0x0  }
0x1d: {  	s5 =	simm.s32 @p1 $0x1;
	p0 =	seq.s32 s7, s2  }
0x1e: {  	s7 =	smul.u32 @!p0 $0xF7A, s2;
	p2 =	seq.s32 @!p0 s5, $0x0  }
0x1f: {  	s9 =	smul.u32 $0xF7A, s1;
	s8 =	simm.s32 @!p0 $0x1BF5;
	p2 =	por !p2, p0  }
0x20: {  	[sflag:s8] =	ssyncset.s32 @!p0 $0xFFFFF086;
	s6 =	sadd.s32 @!p0 s3, s7;
	s7 =	simm.s32 @!p0 $0x108  }
0x21: {  	s3 =	sadd.s32 s3, s9;
	s6 =	sadd.s32 @!p0 $0x88, s6;
	s7 =	simm.s32 @p2 $0x1082  }
0x22: {  	[simem:s7], [sflag:s8] =	dma.local @!p0 [hbm:s6], $0xF7A  }
0x23: {  	s9 =	sor.u32 $0xD0000000, s2;
	s6 =	simm.s32 $0x108;
	_ =	swait.ge @!p0 [sflag:s8], $0x0  }
0x24: {  	s3 =	sadd.s32 $0x88, s3;
	s6 =	simm.s32 @!p1 $0x1082;
	[sflag:s4] =	ssyncset.s32 $0xFFFFF086  }
0x25: {  	[simem:s6], [sflag:s4] =	dma.local [hbm:s3], $0xF7A  }
0x26: {  	[smem:$0x3F9B] =	sst s1;
	(tag) =	ssettag s2;
	_ =	strace s9  }
0x27: {  	s1 =	sld [smem:$0x3FAB]  }
0x28: {  	s2 =	sld [smem:$0x3FAC]  }
0x29: {  	s4 =	sld [smem:$0x3FAE]  }
0x2a: {  	p0 =	seq.s32 s5, $0x0;
	s5 =	sld [smem:$0x3FAF]  }
0x2b: {  	s6 =	sld [smem:$0x3FB0]  }
0x2c: {  	s7 =	sld [smem:$0x3FB1]  }
0x2d: {  	s3 =	simm.s32 $0x108;
	s8 =	sld [smem:$0x3FB2]  }
0x2e: {  	s3 =	simm.s32 @!p0 $0x1082;
	s9 =	sld [smem:$0x3FB3]  }
0x2f: {  	lr =	sadd.s32 s0, s3;
	s0 =	sld [smem:$0x3FAA]  }
0x30: {  	s3 =	sld [smem:$0x3FAD]  }
0x31: {  	[smem:$0x3FB6] =	sst s10  }
0x32: {  	s10 =	sld [smem:$0x3FB4];
	_ =	sdelay $0x3  }
0x33: {  	p0 =	seq.s32 s10, $0x1;
	s10 =	sld [smem:$0x3FB6];
	_ =	sdelay $0x3  }
0x34: {  	[smem:$0x3FB6] =	sst s10  }
0x35: {  	s10 =	sld [smem:$0x3FB5];
	_ =	sdelay $0x3  }
0x36: {  	p1 =	seq.s32 s10, $0x1;
	s10 =	sld [smem:$0x3FB6];
	_ =	sdelay $0x3  }
0x37: {  	[smem:$0x3FB6] =	sst s10  }
0x38: {  	s10 =	sld [smem:$0x3FB7]  }
0x39: {  	_ = 	snop;
	(pc) =	sbr.ind lr, $3  }
0x3a: {  	_ = 	snop  }
0x3b: {  	_ = 	snop  }
0x3c: {  	p2 =	seq.s32 s10, $0x1;
	s10 =	sld [smem:$0x3FB6]  }
0x3d: {  	_ =	shalt  }
0x3e: {  	_ =	shalt  }
0x3f: {  	_ =	shalt  }
0x40: {  	_ =	shalt  }
0x41: {  	_ =	shalt  }
0x42: {  	_ =	shalt  }
0x43: {  	_ =	shalt  }
0x44: {  	_ =	shalt  }
0x45: {  	_ =	shalt  }
0x46: {  	_ =	shalt  }
0x47: {  	_ =	shalt  }
0x48: {  	_ =	shalt  }
0x49: {  	_ =	shalt  }
0x4a: {  	_ =	shalt  }
0x4b: {  	_ =	shalt  }
0x4c: {  	_ =	shalt  }
0x4d: {  	_ =	shalt  }
0x4e: {  	_ =	shalt  }
0x4f: {  	_ =	shalt  }
0x50: {  	_ =	shalt  }
0x51: {  	_ =	shalt  }
0x52: {  	_ =	shalt  }
0x53: {  	_ =	shalt  }
0x54: {  	_ =	shalt  }
0x55: {  	_ =	shalt  }
0x56: {  	_ =	shalt  }
0x57: {  	_ =	shalt  }
0x58: {  	_ =	shalt  }
0x59: {  	_ =	shalt  }
0x5a: {  	_ =	shalt  }
0x5b: {  	_ =	shalt  }
0x5c: {  	_ =	shalt  }
0x5d: {  	_ =	shalt  }
0x5e: {  	_ =	shalt  }
0x5f: {  	_ =	shalt  }
0x60: {  	_ =	shalt  }
0x61: {  	_ =	shalt  }
0x62: {  	_ =	shalt  }
0x63: {  	_ =	shalt  }
0x64: {  	_ =	shalt  }
0x65: {  	_ =	shalt  }
0x66: {  	_ =	shalt  }
0x67: {  	_ =	shalt  }
0x68: {  	_ =	shalt  }
0x69: {  	_ =	shalt  }
0x6a: {  	_ =	shalt  }
0x6b: {  	_ =	shalt  }
0x6c: {  	_ =	shalt  }
0x6d: {  	_ =	shalt  }
0x6e: {  	_ =	shalt  }
0x6f: {  	_ =	shalt  }
0x70: {  	_ =	shalt  }
0x71: {  	_ =	shalt  }
0x72: {  	_ =	shalt  }
0x73: {  	_ =	shalt  }
0x74: {  	_ =	shalt  }
0x75: {  	_ =	shalt  }
0x76: {  	_ =	shalt  }
0x77: {  	_ =	shalt  }
0x78: {  	_ =	shalt  }
0x79: {  	_ =	shalt  }
0x7a: {  	_ =	shalt  }
0x7b: {  	_ =	shalt  }
0x7c: {  	_ =	shalt  }
0x7d: {  	_ =	shalt  }
0x7e: {  	_ =	shalt  }
0x7f: {  	_ =	shalt  }
0x80: {  	_ =	shalt  }
0x81: {  	_ =	shalt  }
0x82: {  	_ =	shalt  }
0x83: {  	_ =	shalt  }
0x84: {  	_ =	shalt  }
0x85: {  	_ =	shalt  }
0x86: {  	_ =	shalt  }
0x87: {  	_ =	shalt  }
.Lfunc_end0:
.L_simem_size_0:
called_computation.2_lowered:
.L_overlay_start_0:
0x88: {  	s2 =	sld [smem:$0x3FD9]  }
0x89: {  	s3 =	sld [smem:$0x3FFE];
	_ =	sdelay $0x1  }
0x8a: {  	s1 =	srdreg.scid  }
0x8b: {  	s0 =	sand.u32 $0x1, s1  }
0x8c: {  	s16 =	sshll.u32 s0, $0xA;
	s2 =	sadd.s32 s3, s2  }
0x8d: {  	s2 =	sadd.s32 s2, s16  }
0x8e: {  	[smem:$0x3FC2] =	sst s2  }
0x8f: {  	_ = 	snop  }
0x90: {  	(tm) =	ssettm $0x1  }
0x91: {  	s17 =	sld [smem:$0x3FFB];
	_ =	sdelay $0x3  }
0x92: {  	_ =	strace s17  }
0x93: {  	s2 =	sld [smem:$0x3FFC];
	_ =	sdelay $0x3  }
0x94: {  	_ =	strace s2  }
0x95: {  	s2 =	sld [smem:$0x3FFD];
	_ =	sdelay $0x3  }
0x96: {  	_ =	strace s2  }
0x97: {  	_ =	strace $0x8FFFFFFF  }
0x98: {  	s18 =	sld [smem:$0x3FDB];
	_ =	sdelay $0x1  }
0x99: {  	s19 =	simm.s32 $_scs_section_size  }
0x9a: {  	s4 =	simm.s32 $_size__tile_overlayer_lowered;
	s5 =	simm.s32 $_tile_overlayer_lowered  }
0x9b: {  	s22 =	simm.s32 $0x1BFF;
	s21 =	sshll.u32 s5, $0x1;
	s2 =	sadd.s32 s19, s18  }
0x9c: {  	s6 =	simm.s32 $0x0;
	s20 =	sshll.u32 s4, $0x1;
	s4 =	sadd.s32 s21, s2  }
0x9d: {  	[timem:s6], [sflag:s22] =	dma.local [hbm:s4], s20  }
0x9e: {  	_ =	swait.ge [sflag:s22], s20  }
0x9f: {  	s3 =	ssub.s32 $0x0, s20;
	[sflag:s22] =	ssyncset.done $0x0  }
0xa0: {  	[sflag:s22] =	ssyncadd.s32 s3;
	_ =	sdelay $0x1  }
0xa1: {  	s23 =	simm.s32 $0x1B8B  }
0xa2: {  	_ =	swait.ge [sflag:s23], $0x1  }
0xa3: {  	[sflag:s23] =	ssyncset.done $0x0  }
0xa4: {  	s25 =	simm.s32 $0x1B8E;
	s24 =	sld [smem:$0x3FFE];
	[sflag:s23] =	ssyncadd.s32 $0xFFFFFFFF  }
0xa5: {  	s26 =	simm.s32 $execute0_lowered;
	[smem:$0x3FD2] =	sst s25  }
0xa6: {  	s4 =	sshll.u32 s26, $0x1;
	_ =	strace $0x8000004C;
	[dreg:$0x1] =	wrdreg $0xFFFFFFFF  }
0xa7: {  	s28 =	simm.s32 $_size_execute0_lowered;
	s2 =	sadd.s32 s2, s4;
	[dreg:$0x0] =	wrdreg $0x0  }
0xa8: {  	s4 =	sshll.u32 s28, $0x1;
	[dreg:$0x2] =	wrdreg s2  }
0xa9: {  	[dreg:$0x3] =	wrdreg s4  }
0xaa: {  	[dreg:$0x4] =	wrdreg $0xC0  }
0xab: {  	_ =	task [dreg:s6], $0x5FFFF  }
0xac: {  	[dreg:$0x1] =	wrdreg $0xFFFFFFFF  }
0xad: {  	[dreg:$0x0] =	wrdreg $0x60  }
0xae: {  	[dreg:$0x2] =	wrdreg s24  }
0xaf: {  	[dreg:$0x3] =	wrdreg $0xC9000  }
0xb0: {  	[dreg:$0x4] =	wrdreg $0x9  }
0xb1: {  	_ =	task.clear_ibuf [dreg:s6], $0x5FFFF;
	_ =	strace $0x9000004C  }
0xb2: {  	s29 =	simm.s32 $0x9;
	_ =	strace $0x8000004E  }
0xb3: {  	_ =	swait.ge [sflag:s29], $0x1  }
0xb4: {  	[sflag:s29] =	ssyncadd.s32 $0xFFFFFFFF  }
0xb5: {  	_ =	strace $0x9000004E  }
0xb6: {  	_ =	sfence  }
0xb7: {  	s30 =	sld [smem:$0x0];
	_ =	sdelay $0x2  }
0xb8: {  	s31 =	sshll.u32 s1, $0xD;
	s1 =	sshrl.u32 s1, $0x2  }
0xb9: {  	s3 =	sand.u32 $0x4000, s31;
	s1 =	sadd.s32 s1, s30  }
0xba: {  	s0 =	sor.u32 s3, s0;
	s1 =	sshll.u32 s1, $0x11  }
0xbb: {  	s0 =	sor.u32 s1, s0  }
0xbc: {  	s0 =	sadd.s32 $0x8F2B, s0  }
0xbd: {  	[sflag:s0] =	ssyncadd.remote.s32 $0x1  }
0xbe: {  	_ =	sfence.sel $0xFFFF  }
0xbf: {  	[dreg:$0x0] =	wrdreg $0xFFFFFFFF;
	(pc) =	sbr.abs _section_cstart, $3  }
0xc0: {  	[dreg:$0x1] =	wrdreg $0xFFFFFFFF  }
0xc1: {  	_ =	task.clear_ibuf [dreg:s6], $0x2FFFF;
	_ =	strace $0x9FFFFFFF  }
0xc2: {  	(tm) =	ssettm $0x7FFFFFFF  }
0xc3: {  	_ =	shalt  }
tec
execute0_lowered:
.L_overlay_start_1:
0x0: {  	(tag) =	ssettag $0x1  }
0x1: {  	s0 =	srdreg.scid;
	s2 =	rddreg [dreg:$0x0]  }
0x2: {  	s6 =	stileid.u32;
	s3 =	rddreg [dreg:$0x1]  }
0x3: {  	s5 =	simm.s32 $0x0;
	s28 =	simm.s32 $0x1;
	s30 =	simm.s32 $0x4F00  }
0x4: {  	s31 =	simm.s32 $0x7680;
	s29 =	simm.s32 $0x0;
	s0 =	sand.u32 $0x1, s0  }
0x5: {  	s4 =	sshll.u32 s6, $0x7;
	[smem:$0x7FF] =	sst s5;
	s21 =	smul.u32 $0x500, s6  }
0x6: {  	s7 =	sadd.s32 $0xC400, s2;
	s23 =	smul.u32 $0xA00, s6;
	s1 =	sshll.u32 s0, $0x4  }
0x7: {  	s4 =	sand.u32 $0x380, s4;
	_ =	strace $0x8000004D;
	s22 =	sshll.u32 s0, $0x7  }
0x8: {  	[dreg:$0x3] =	wrdreg s7;
	s0 =	ssub.s32 $0x2, s0;
	s1 =	sor.u32 s6, s1  }
0x9: {  	s24 =	sshrl.u32 s0, $0x1;
	s6 =	smul.u32 $0xA000, s6;
	s1 =	sshrl.u32 s1, $0x3  }
0xa: {  	s25 =	sshrl.u32 s23, $0x2;
	s0 =	ssub.s32 s0, s24;
	s1 =	smul.u32 $0x13C00, s1  }
0xb: {  	s26 =	sshrl.u32 s6, $0x2;
	s6 =	sadd.s32 s25, s3;
	s24 =	smax.u32 s0, $0x1  }
0xc: {  	s25 =	simm.s32 $0x80;
	s7 =	sadd.s32 s26, s3;
	s8 =	sadd.s32 $0x2800, s6  }
0xd: {  	s9 =	sadd.s32 $0x5000, s6;
	s10 =	sadd.s32 $0x7800, s6;
	s11 =	sadd.s32 $0xA000, s6  }
0xe: {  	s12 =	sadd.s32 $0xC800, s6;
	s13 =	sadd.s32 $0xF000, s6;
	s14 =	sadd.s32 $0x11800, s6  }
0xf: {  	s15 =	sadd.s32 $0x14000, s6;
	s16 =	sadd.s32 $0x16800, s6;
	s17 =	sadd.s32 $0x19000, s6  }
0x10: {  	s18 =	sadd.s32 $0x1B800, s6;
	s19 =	sadd.s32 $0x1E000, s6;
	s20 =	sadd.s32 $0x20800, s6  }
0x11: {  	s26 =	simm.s32 $0x400;
	s1 =	sor.u32 s4, s1;
	s4 =	sor.u32 s22, s21  }
0x12: {  	s21 =	sadd.s32 $0x23000, s6;
	s1 =	sshrl.u32 s1, $0x3;
	s4 =	sshrl.u32 s4, $0x3  }
0x13: {  	s22 =	sadd.s32 $0x25800, s6;
	s1 =	sadd.s32 s1, s2;
	s2 =	sadd.s32 s4, s2  }
0x14: {  	v0 =	vimm.f32 $0.0e+00;
	s4 =	sadd.s32 $0xCE00, s1;
	s5 =	sadd.s32 $0x2600, s1;
	s23 =	sadd.s32 $0x16C00, s2  }
.LBB2_1:
0x15: {  	s0 =	simm.s32 $0x0  }
0x16: {  	[tilespmem:s0], [sflag:$0x1] =	stream.strided.gather [hbm4b:s4+s25], $0x2780, s26, s25, $0x38;
	[tilespmem:$0xF100] =	vst v63  }
0x17: {  	_ =	swait.ge [sflag:s28], $0x2780  }
0x18: {  	[sflag:s28] =	ssyncset.done $0x0  }
0x19: {  	s1 =	simm.s32 $0x2780;
	[sflag:s28] =	ssyncadd.s32 $0xFFFFD880  }
0x1a: {  	[tilespmem:s1], [sflag:$0x1] =	stream.strided.gather [hbm4b:s5+s25], $0x2780, s26, s25, $0x38;
	[tilespmem:$0xF100] =	vst v63  }
0x1b: {  	_ =	swait.ge [sflag:s28], $0x2780  }
0x1c: {  	[sflag:s28] =	ssyncset.done $0x0  }
0x1d: {  	s3 =	rddreg [dreg:$0x3];
	[sflag:s28] =	ssyncadd.s32 $0xFFFFD880  }
0x1e: {  	[tilespmem:s30], [sflag:$0x1] =	stream.linear.gather [hbm4b:s3+s0], $0x2780, $0x38;
	[tilespmem:$0xF100] =	vst v63  }
0x1f: {  	_ =	swait.ge [sflag:s28], $0x2780  }
0x20: {  	[sflag:s28] =	ssyncset.done $0x0  }
0x21: {  	s0 =	simm.s32 $0x0;
	[sflag:s28] =	ssyncadd.s32 $0xFFFFD880  }
.LBB2_2:
0x22: {  	p0 =	sne.s32 s0, $0x9FC0  }
.Ltmp0:
0x23: {  	_ = 	snop;
	(pc) =	sbr.rel @p0 .LBB2_2-.Ltmp0, $3  }
0x24: {  	_ =	sdelay $0x1  }
0x25: {  	s1 =	sshra.s32 s0, $0x2  }
0x26: {  	s0 =	sadd.s32 $0x40, s0;
	[tilespmem:s1+$0x7680] =	vst v0  }
0x27: {  	s1 =	simm.s32 $0x0;
	s0 =	simm.s32 $0x40  }
.LBB2_4:
0x28: {  	p0 =	sne.s32 s0, $0x9C00;
	v1 =	vld [tilespmem:s1+$0x0];
	_ =	sdelay $0x5  }
0x29: {  	v2 =	vld [tilespmem:s1+$0x2780];
	_ =	sdelay $0x1  }
0x2a: {  	v1 =	vld.idx.msk [tilespmem:v1+s30+$0x0], $0xffff;
	_ =	sdelay $0x1  }
.Ltmp1:
0x2b: {  	(pc) =	sbr.rel @p0 .LBB2_4-.Ltmp1, $2  }
0x2c: {  	_ =	sdelay $0x2  }
0x2d: {  	s1 =	sshra.s32 s0, $0x2;
	s0 =	sadd.s32 $0x40, s0;
	[tilespmem:v2+s31+$0x0] =	vst.idx.add.f32.msk $0xffff, v1  }
0x2e: {  	v1 =	vld [tilespmem:s1+$0x0];
	_ =	sdelay $0x4  }
0x2f: {  	v2 =	vld [tilespmem:s1+$0x2780];
	_ =	sdelay $0x2  }
0x30: {  	v1 =	vld.idx.msk [tilespmem:v1+s30+$0x0], $0xffff;
	_ =	sdelay $0x4  }
0x31: {  	[tilespmem:v2+s31+$0x0] =	vst.idx.add.f32.msk $0xffff, v1  }
0x32: {  	[spmem:s7] =	stream.linear.scatter [tilespmem:s31], [sflag:$0x1], $0x2800, $0x38;
	[tilespmem:$0xF100] =	vst v63  }
0x33: {  	_ =	swait.ge [sflag:s28], $0x2800  }
0x34: {  	[sflag:s28] =	ssyncset.done $0x0  }
0x35: {  	[sflag:s28] =	ssyncadd.s32 $0xFFFFD800  }
0x36: {  	s0 =	simm.s32 $0x9E80;
	[bflag:$0x0] =	sbarrier.arrive $0xFFFF  }
0x37: {  	[tilespmem:s0], [sflag:$0x1] =	stream.linear.gather [spmem:s6], $0x280, $0x38;
	[tilespmem:$0xF100] =	vst v63  }
0x38: {  	_ =	swait.ge [sflag:s28], $0x280  }
0x39: {  	[sflag:s28] =	ssyncset.done $0x0  }
0x3a: {  	s3 =	simm.s32 $0xA100;
	[sflag:s28] =	ssyncadd.s32 $0xFFFFFD80  }
0x3b: {  	[tilespmem:s3], [sflag:$0x1] =	stream.linear.gather [spmem:s8], $0x280, $0x38;
	[tilespmem:$0xF100] =	vst v63  }
0x3c: {  	_ =	swait.ge [sflag:s28], $0x280  }
0x3d: {  	[sflag:s28] =	ssyncset.done $0x0  }
0x3e: {  	s2 =	simm.s32 $0xA380;
	[sflag:s28] =	ssyncadd.s32 $0xFFFFFD80  }
0x3f: {  	[tilespmem:s2], [sflag:$0x1] =	stream.linear.gather [spmem:s9], $0x280, $0x38;
	[tilespmem:$0xF100] =	vst v63  }
0x40: {  	_ =	swait.ge [sflag:s28], $0x280  }
0x41: {  	[sflag:s28] =	ssyncset.done $0x0  }
0x42: {  	s3 =	simm.s32 $0xA600;
	[sflag:s28] =	ssyncadd.s32 $0xFFFFFD80  }
0x43: {  	[tilespmem:s3], [sflag:$0x1] =	stream.linear.gather [spmem:s10], $0x280, $0x38;
	[tilespmem:$0xF100] =	vst v63  }
0x44: {  	_ =	swait.ge [sflag:s28], $0x280  }
0x45: {  	[sflag:s28] =	ssyncset.done $0x0  }
0x46: {  	s2 =	simm.s32 $0xA880;
	[sflag:s28] =	ssyncadd.s32 $0xFFFFFD80  }
0x47: {  	[tilespmem:s2], [sflag:$0x1] =	stream.linear.gather [spmem:s11], $0x280, $0x38;
	[tilespmem:$0xF100] =	vst v63  }
0x48: {  	_ =	swait.ge [sflag:s28], $0x280  }
0x49: {  	[sflag:s28] =	ssyncset.done $0x0  }
0x4a: {  	s3 =	simm.s32 $0xAB00;
	[sflag:s28] =	ssyncadd.s32 $0xFFFFFD80  }
0x4b: {  	[tilespmem:s3], [sflag:$0x1] =	stream.linear.gather [spmem:s12], $0x280, $0x38;
	[tilespmem:$0xF100] =	vst v63  }
0x4c: {  	_ =	swait.ge [sflag:s28], $0x280  }
0x4d: {  	[sflag:s28] =	ssyncset.done $0x0  }
0x4e: {  	s2 =	simm.s32 $0xAD80;
	[sflag:s28] =	ssyncadd.s32 $0xFFFFFD80  }
0x4f: {  	[tilespmem:s2], [sflag:$0x1] =	stream.linear.gather [spmem:s13], $0x280, $0x38;
	[tilespmem:$0xF100] =	vst v63  }
0x50: {  	_ =	swait.ge [sflag:s28], $0x280  }
0x51: {  	[sflag:s28] =	ssyncset.done $0x0  }
0x52: {  	s3 =	simm.s32 $0xB000;
	[sflag:s28] =	ssyncadd.s32 $0xFFFFFD80  }
0x53: {  	[tilespmem:s3], [sflag:$0x1] =	stream.linear.gather [spmem:s14], $0x280, $0x38;
	[tilespmem:$0xF100] =	vst v63  }
0x54: {  	_ =	swait.ge [sflag:s28], $0x280  }
0x55: {  	[sflag:s28] =	ssyncset.done $0x0  }
0x56: {  	s2 =	simm.s32 $0xB280;
	[sflag:s28] =	ssyncadd.s32 $0xFFFFFD80  }
0x57: {  	[tilespmem:s2], [sflag:$0x1] =	stream.linear.gather [spmem:s15], $0x280, $0x38;
	[tilespmem:$0xF100] =	vst v63  }
0x58: {  	_ =	swait.ge [sflag:s28], $0x280  }
0x59: {  	[sflag:s28] =	ssyncset.done $0x0  }
0x5a: {  	s3 =	simm.s32 $0xB500;
	[sflag:s28] =	ssyncadd.s32 $0xFFFFFD80  }
0x5b: {  	[tilespmem:s3], [sflag:$0x1] =	stream.linear.gather [spmem:s16], $0x280, $0x38;
	[tilespmem:$0xF100] =	vst v63  }
0x5c: {  	_ =	swait.ge [sflag:s28], $0x280  }
0x5d: {  	[sflag:s28] =	ssyncset.done $0x0  }
0x5e: {  	s2 =	simm.s32 $0xB780;
	[sflag:s28] =	ssyncadd.s32 $0xFFFFFD80  }
0x5f: {  	[tilespmem:s2], [sflag:$0x1] =	stream.linear.gather [spmem:s17], $0x280, $0x38;
	[tilespmem:$0xF100] =	vst v63  }
0x60: {  	_ =	swait.ge [sflag:s28], $0x280  }
0x61: {  	[sflag:s28] =	ssyncset.done $0x0  }
0x62: {  	s3 =	simm.s32 $0xBA00;
	[sflag:s28] =	ssyncadd.s32 $0xFFFFFD80  }
0x63: {  	[tilespmem:s3], [sflag:$0x1] =	stream.linear.gather [spmem:s18], $0x280, $0x38;
	[tilespmem:$0xF100] =	vst v63  }
0x64: {  	_ =	swait.ge [sflag:s28], $0x280  }
0x65: {  	[sflag:s28] =	ssyncset.done $0x0  }
0x66: {  	s2 =	simm.s32 $0xBC80;
	[sflag:s28] =	ssyncadd.s32 $0xFFFFFD80  }
0x67: {  	[tilespmem:s2], [sflag:$0x1] =	stream.linear.gather [spmem:s19], $0x280, $0x38;
	[tilespmem:$0xF100] =	vst v63  }
0x68: {  	_ =	swait.ge [sflag:s28], $0x280  }
0x69: {  	[sflag:s28] =	ssyncset.done $0x0  }
0x6a: {  	s3 =	simm.s32 $0xBF00;
	[sflag:s28] =	ssyncadd.s32 $0xFFFFFD80  }
0x6b: {  	[tilespmem:s3], [sflag:$0x1] =	stream.linear.gather [spmem:s20], $0x280, $0x38;
	[tilespmem:$0xF100] =	vst v63  }
0x6c: {  	_ =	swait.ge [sflag:s28], $0x280  }
0x6d: {  	[sflag:s28] =	ssyncset.done $0x0  }
0x6e: {  	s2 =	simm.s32 $0xC180;
	[sflag:s28] =	ssyncadd.s32 $0xFFFFFD80  }
0x6f: {  	[tilespmem:s2], [sflag:$0x1] =	stream.linear.gather [spmem:s21], $0x280, $0x38;
	[tilespmem:$0xF100] =	vst v63  }
0x70: {  	_ =	swait.ge [sflag:s28], $0x280  }
0x71: {  	[sflag:s28] =	ssyncset.done $0x0  }
0x72: {  	s3 =	simm.s32 $0xC400;
	[sflag:s28] =	ssyncadd.s32 $0xFFFFFD80  }
0x73: {  	[tilespmem:s3], [sflag:$0x1] =	stream.linear.gather [spmem:s22], $0x280, $0x38;
	[tilespmem:$0xF100] =	vst v63  }
0x74: {  	_ =	swait.ge [sflag:s28], $0x280  }
0x75: {  	s2 =	simm.s32 $0x0;
	[sflag:s28] =	ssyncset.done $0x0  }
0x76: {  	s1 =	sand.u32 $0x3F0, s2;
	[sflag:s28] =	ssyncadd.s32 $0xFFFFFD80  }
0x77: {  	v1 =	vld [tilespmem:s1+$0xA100]  }
0x78: {  	v2 =	vld [tilespmem:s0+$0x0];
	_ =	sdelay $0x1  }
0x79: {  	v3 =	vld [tilespmem:s1+$0xA380];
	_ =	sdelay $0x1  }
0x7a: {  	v4 =	vld [tilespmem:s1+$0xA600]  }
0x7b: {  	v1 =	vadd.f32 v1, v2  }
0x7c: {  	v2 =	vld [tilespmem:s1+$0xA880]  }
0x7d: {  	v1 =	vadd.f32 v3, v1  }
0x7e: {  	v3 =	vld [tilespmem:s1+$0xAB00]  }
0x7f: {  	v1 =	vadd.f32 v4, v1  }
0x80: {  	v60 =	vld [tilespmem:s1+$0xAD80]  }
0x81: {  	v1 =	vadd.f32 v2, v1  }
0x82: {  	v2 =	vld [tilespmem:s1+$0xB000]  }
0x83: {  	v1 =	vadd.f32 v3, v1  }
0x84: {  	v3 =	vld [tilespmem:s1+$0xB280]  }
0x85: {  	v1 =	vadd.f32 v60, v1  }
0x86: {  	v61 =	vld [tilespmem:s1+$0xB500]  }
0x87: {  	v1 =	vadd.f32 v2, v1  }
0x88: {  	v2 =	vld [tilespmem:s1+$0xB780]  }
0x89: {  	v1 =	vadd.f32 v3, v1  }
0x8a: {  	v3 =	vld [tilespmem:s1+$0xBA00]  }
0x8b: {  	v1 =	vadd.f32 v61, v1  }
0x8c: {  	v62 =	vld [tilespmem:s1+$0xBC80]  }
0x8d: {  	v1 =	vadd.f32 v2, v1  }
0x8e: {  	v2 =	vld [tilespmem:s1+$0xBF00]  }
0x8f: {  	v1 =	vadd.f32 v3, v1  }
0x90: {  	v3 =	vld [tilespmem:s1+$0xC180]  }
0x91: {  	v1 =	vadd.f32 v62, v1  }
0x92: {  	v63 =	vld [tilespmem:s1+$0xC400]  }
0x93: {  	v1 =	vadd.f32 v2, v1;
	_ =	sdelay $0x1  }
0x94: {  	v1 =	vadd.f32 v3, v1;
	_ =	sdelay $0x1  }
0x95: {  	v1 =	vadd.f32 v63, v1  }
0x96: {  	s3 =	simm.s32 $0x10;
	s1 =	simm.s32 $0xC680  }
0x97: {  	s0 =	sand.u32 $0x3F0, s3;
	[tilespmem:s1+$0x0] =	vst v1  }
0x98: {  	s2 =	simm.s32 $0x9E90;
	s3 =	simm.s32 $0x20;
	v1 =	vld [tilespmem:s0+$0xA100]  }
.LBB2_6:
0x99: {  	p0 =	sne.s32 s3, $0x270;
	v2 =	vld [tilespmem:s2+$0x0];
	_ =	sdelay $0x1  }
0x9a: {  	v3 =	vld [tilespmem:s0+$0xA380];
	_ =	sdelay $0x1  }
0x9b: {  	v4 =	vld [tilespmem:s0+$0xA600]  }
0x9c: {  	v1 =	vadd.f32 v1, v2  }
0x9d: {  	v2 =	vld [tilespmem:s0+$0xA880]  }
0x9e: {  	v1 =	vadd.f32 v3, v1  }
0x9f: {  	v3 =	vld [tilespmem:s0+$0xAB00]  }
0xa0: {  	v1 =	vadd.f32 v4, v1  }
0xa1: {  	v4 =	vld [tilespmem:s0+$0xAD80]  }
0xa2: {  	v1 =	vadd.f32 v2, v1  }
0xa3: {  	v2 =	vld [tilespmem:s0+$0xB000]  }
0xa4: {  	v1 =	vadd.f32 v3, v1  }
0xa5: {  	v3 =	vld [tilespmem:s0+$0xB280]  }
0xa6: {  	v1 =	vadd.f32 v4, v1  }
0xa7: {  	v4 =	vld [tilespmem:s0+$0xB500]  }
0xa8: {  	v1 =	vadd.f32 v2, v1  }
0xa9: {  	v2 =	vld [tilespmem:s0+$0xB780]  }
0xaa: {  	v1 =	vadd.f32 v3, v1  }
0xab: {  	v3 =	vld [tilespmem:s0+$0xBA00]  }
0xac: {  	v1 =	vadd.f32 v4, v1  }
0xad: {  	v4 =	vld [tilespmem:s0+$0xBC80]  }
0xae: {  	v1 =	vadd.f32 v2, v1  }
0xaf: {  	v2 =	vld [tilespmem:s0+$0xBF00]  }
0xb0: {  	v1 =	vadd.f32 v3, v1  }
0xb1: {  	v3 =	vld [tilespmem:s0+$0xC180]  }
0xb2: {  	v1 =	vadd.f32 v4, v1  }
0xb3: {  	v4 =	vld [tilespmem:s0+$0xC400]  }
0xb4: {  	v1 =	vadd.f32 v2, v1;
	_ =	sdelay $0x1  }
0xb5: {  	v1 =	vadd.f32 v3, v1  }
.Ltmp2:
0xb6: {  	(pc) =	sbr.rel @p0 .LBB2_6-.Ltmp2, $4  }
0xb7: {  	v1 =	vadd.f32 v4, v1  }
0xb8: {  	s1 =	sadd.s32 $0x10, s1  }
0xb9: {  	s0 =	sand.u32 $0x3F0, s3;
	[tilespmem:s1+$0x0] =	vst v1  }
0xba: {  	s2 =	sadd.s32 $0x10, s2;
	s3 =	sadd.s32 $0x10, s3;
	v1 =	vld [tilespmem:s0+$0xA100]  }
0xbb: {  	v2 =	vld [tilespmem:s2+$0x0];
	_ =	sdelay $0x1  }
0xbc: {  	v3 =	vld [tilespmem:s0+$0xA380];
	_ =	sdelay $0x1  }
0xbd: {  	v4 =	vld [tilespmem:s0+$0xA600]  }
0xbe: {  	v1 =	vadd.f32 v1, v2  }
0xbf: {  	v2 =	vld [tilespmem:s0+$0xA880]  }
0xc0: {  	v1 =	vadd.f32 v3, v1  }
0xc1: {  	v3 =	vld [tilespmem:s0+$0xAB00]  }
0xc2: {  	v1 =	vadd.f32 v4, v1  }
0xc3: {  	v60 =	vld [tilespmem:s0+$0xAD80]  }
0xc4: {  	v1 =	vadd.f32 v2, v1  }
0xc5: {  	v2 =	vld [tilespmem:s0+$0xB000]  }
0xc6: {  	v1 =	vadd.f32 v3, v1  }
0xc7: {  	v3 =	vld [tilespmem:s0+$0xB280]  }
0xc8: {  	v1 =	vadd.f32 v60, v1  }
0xc9: {  	v61 =	vld [tilespmem:s0+$0xB500]  }
0xca: {  	v1 =	vadd.f32 v2, v1  }
0xcb: {  	v2 =	vld [tilespmem:s0+$0xB780]  }
0xcc: {  	v1 =	vadd.f32 v3, v1  }
0xcd: {  	v3 =	vld [tilespmem:s0+$0xBA00]  }
0xce: {  	v1 =	vadd.f32 v61, v1  }
0xcf: {  	v62 =	vld [tilespmem:s0+$0xBC80]  }
0xd0: {  	v1 =	vadd.f32 v2, v1  }
0xd1: {  	v2 =	vld [tilespmem:s0+$0xBF00]  }
0xd2: {  	v1 =	vadd.f32 v3, v1  }
0xd3: {  	v3 =	vld [tilespmem:s0+$0xC180]  }
0xd4: {  	v1 =	vadd.f32 v62, v1  }
0xd5: {  	v63 =	vld [tilespmem:s0+$0xC400]  }
0xd6: {  	v1 =	vadd.f32 v2, v1;
	_ =	sdelay $0x1  }
0xd7: {  	v1 =	vadd.f32 v3, v1;
	_ =	sdelay $0x1  }
0xd8: {  	s29 =	sadd.s32 $0x1, s29;
	v1 =	vadd.f32 v63, v1  }
0xd9: {  	s1 =	sadd.s32 $0x10, s1;
	p0 =	sne.s32 s29, s24  }
.Ltmp3:
0xda: {  	s2 =	simm.s32 $0x100;
	s3 =	simm.s32 $0xC680;
	[tilespmem:s1+$0x0] =	vst v1;
	(pc) =	sbr.rel @p0 .LBB2_1-.Ltmp3, $4  }
0xdb: {  	[hbm4b:s23+s25] =	stream.strided.scatter [tilespmem:s3], [sflag:$0x1], $0x280, s2, s25, $0x38;
	[tilespmem:$0xF100] =	vst v63  }
0xdc: {  	_ =	swait.ge [sflag:s28], $0x280  }
0xdd: {  	[sflag:s28] =	ssyncset.done $0x0  }
0xde: {  	[sflag:s28] =	ssyncadd.s32 $0xFFFFFD80  }
0xdf: {  	_ =	sfence.sel $0x180000  }
0xe0: {  	[bflag:$0x0] =	sbarrier.arrive $0xFFFF  }
0xe1: {  	_ =	strace $0x9000004D  }
0xe2: {  	s0 =	stileid.u32;
	[bflag:$0x2] =	sbarrier.arrive $0xFFFF  }
0xe3: {  	p0 =	sne.s32 s0, $0x0;
	s0 =	rddreg [dreg:$0x2]  }
0xe4: {  	s0 =	sadd.s32 @!p0 $0x100000, s0  }
0xe5: {  	[sflag:s0] =	ssyncadd.tile.s32 @!p0 $0x1;
	_ =	shalt  }
.Lfunc_end2:
_tile_overlayer_lowered:
.L_overlay_start_2:
0xe6: {  	(tag) =	ssettag $0x2  }
0xe7: {  	s0 =	rddreg [dreg:$0x0];
	s2 =	stileid.u32  }
0xe8: {  	s1 =	rddreg [dreg:$0x1];
	p0 =	sne.s32 s2, $0x0  }
0xe9: {  	s3 =	rddreg [dreg:$0x2];
	[bflag:$0x3] =	sbarrier.arrive $0xFFFF;
	s2 =	simm.s32 @!p0 $0x1C01  }
0xea: {  	[timem:s3], [sflag:s2] =	dma.local @!p0 [hbm:s0], s1  }
0xeb: {  	s0 =	simm.s32 @!p0 $0x1  }
0xec: {  	_ =	swait.ge @!p0 [sflag:s0], s1  }
0xed: {  	s1 =	ssub.s32 @!p0 $0x0, s1;
	[sflag:s0] =	ssyncset.done @!p0 $0x0  }
0xee: {  	[sflag:s0] =	ssyncadd.s32 @!p0 s1  }
0xef: {  	[bflag:$0x3] =	sbarrier.arrive $0xFFFF  }
0xf0: {  	_ =	shalt  }

// kernel: kernel.8.cloned.1.call-start
scs
__scs_entry_jumppad:
0x0: {  	(pc) =	sbr.rel $0x88, $3  }
0x1: {  	(tag) =	ssettag $0x0;
	lr =	simm.s32 $0x1  }
0x2: {  	[smem:$0x3F9B] =	sst lr;
	_ =	strace $0xD0000000  }
0x3: {  	_ = 	snop  }
0x4: {  	_ = 	snop  }
0x5: {  	_ = 	snop  }
0x6: {  	_ = 	snop  }
0x7: {  	_ = 	snop  }
__scs_overlays_trampoline_lowered:
0x8: {  	[smem:$0x3FAA] =	sst s0  }
0x9: {  	[smem:$0x3FAB] =	sst s1  }
0xa: {  	[smem:$0x3FAC] =	sst s2  }
0xb: {  	[smem:$0x3FAD] =	sst s3  }
0xc: {  	[smem:$0x3FAE] =	sst s4  }
0xd: {  	[smem:$0x3FAF] =	sst s5  }
0xe: {  	[smem:$0x3FB0] =	sst s6  }
0xf: {  	[smem:$0x3FB1] =	sst s7  }
0x10: {  	[smem:$0x3FB2] =	sst s8  }
0x11: {  	[smem:$0x3FB3] =	sst s9;
	s0 =	simm.s32 @!p0 $0x0  }
0x12: {  	s1 =	sld [smem:$0x3F99];
	s0 =	simm.s32 @p0 $0x1  }
0x13: {  	[smem:$0x3FB4] =	sst s0;
	s0 =	simm.s32 @!p1 $0x0  }
0x14: {  	s2 =	sld [smem:$0x3F98];
	s0 =	simm.s32 @p1 $0x1  }
0x15: {  	[smem:$0x3FB5] =	sst s0;
	s0 =	simm.s32 @!p2 $0x0  }
0x16: {  	s3 =	sld [smem:$0x3FDB];
	s0 =	simm.s32 @p2 $0x1  }
0x17: {  	s4 =	simm.s32 $0x1BF5;
	[smem:$0x3FB7] =	sst s0  }
0x18: {  	s0 =	sld [smem:$0x3F9A];
	_ =	swait.ge [sflag:s4], $0x0  }
0x19: {  	s7 =	sld [smem:$0x3F9B]  }
0x1a: {  	s8 =	sadd.s32 $0xFFFFE003, lr  }
0x1b: {  	s9 =	sadd.s32 $0xFFFFFEF7, lr;
	s5 =	simm.s32 $0xFFFFFFFF;
	p2 =	slt.u32 s8, $0xFFFFF086  }
0x1c: {  	p1 =	slt.u32 s9, $0xF7A;
	s5 =	simm.s32 @!p2 $0x0  }
0x1d: {  	s5 =	simm.s32 @p1 $0x1;
	p0 =	seq.s32 s7, s2  }
0x1e: {  	s7 =	smul.u32 @!p0 $0xF7A, s2;
	p2 =	seq.s32 @!p0 s5, $0x0  }
0x1f: {  	s9 =	smul.u32 $0xF7A, s1;
	s8 =	simm.s32 @!p0 $0x1BF5;
	p2 =	por !p2, p0  }
0x20: {  	[sflag:s8] =	ssyncset.s32 @!p0 $0xFFFFF086;
	s6 =	sadd.s32 @!p0 s3, s7;
	s7 =	simm.s32 @!p0 $0x108  }
0x21: {  	s3 =	sadd.s32 s3, s9;
	s6 =	sadd.s32 @!p0 $0x88, s6;
	s7 =	simm.s32 @p2 $0x1082  }
0x22: {  	[simem:s7], [sflag:s8] =	dma.local @!p0 [hbm:s6], $0xF7A  }
0x23: {  	s9 =	sor.u32 $0xD0000000, s2;
	s6 =	simm.s32 $0x108;
	_ =	swait.ge @!p0 [sflag:s8], $0x0  }
0x24: {  	s3 =	sadd.s32 $0x88, s3;
	s6 =	simm.s32 @!p1 $0x1082;
	[sflag:s4] =	ssyncset.s32 $0xFFFFF086  }
0x25: {  	[simem:s6], [sflag:s4] =	dma.local [hbm:s3], $0xF7A  }
0x26: {  	[smem:$0x3F9B] =	sst s1;
	(tag) =	ssettag s2;
	_ =	strace s9  }
0x27: {  	s1 =	sld [smem:$0x3FAB]  }
0x28: {  	s2 =	sld [smem:$0x3FAC]  }
0x29: {  	s4 =	sld [smem:$0x3FAE]  }
0x2a: {  	p0 =	seq.s32 s5, $0x0;
	s5 =	sld [smem:$0x3FAF]  }
0x2b: {  	s6 =	sld [smem:$0x3FB0]  }
0x2c: {  	s7 =	sld [smem:$0x3FB1]  }
0x2d: {  	s3 =	simm.s32 $0x108;
	s8 =	sld [smem:$0x3FB2]  }
0x2e: {  	s3 =	simm.s32 @!p0 $0x1082;
	s9 =	sld [smem:$0x3FB3]  }
0x2f: {  	lr =	sadd.s32 s0, s3;
	s0 =	sld [smem:$0x3FAA]  }
0x30: {  	s3 =	sld [smem:$0x3FAD]  }
0x31: {  	[smem:$0x3FB6] =	sst s10  }
0x32: {  	s10 =	sld [smem:$0x3FB4];
	_ =	sdelay $0x3  }
0x33: {  	p0 =	seq.s32 s10, $0x1;
	s10 =	sld [smem:$0x3FB6];
	_ =	sdelay $0x3  }
0x34: {  	[smem:$0x3FB6] =	sst s10  }
0x35: {  	s10 =	sld [smem:$0x3FB5];
	_ =	sdelay $0x3  }
0x36: {  	p1 =	seq.s32 s10, $0x1;
	s10 =	sld [smem:$0x3FB6];
	_ =	sdelay $0x3  }
0x37: {  	[smem:$0x3FB6] =	sst s10  }
0x38: {  	s10 =	sld [smem:$0x3FB7]  }
0x39: {  	_ = 	snop;
	(pc) =	sbr.ind lr, $3  }
0x3a: {  	_ = 	snop  }
0x3b: {  	_ = 	snop  }
0x3c: {  	p2 =	seq.s32 s10, $0x1;
	s10 =	sld [smem:$0x3FB6]  }
0x3d: {  	_ =	shalt  }
0x3e: {  	_ =	shalt  }
0x3f: {  	_ =	shalt  }
0x40: {  	_ =	shalt  }
0x41: {  	_ =	shalt  }
0x42: {  	_ =	shalt  }
0x43: {  	_ =	shalt  }
0x44: {  	_ =	shalt  }
0x45: {  	_ =	shalt  }
0x46: {  	_ =	shalt  }
0x47: {  	_ =	shalt  }
0x48: {  	_ =	shalt  }
0x49: {  	_ =	shalt  }
0x4a: {  	_ =	shalt  }
0x4b: {  	_ =	shalt  }
0x4c: {  	_ =	shalt  }
0x4d: {  	_ =	shalt  }
0x4e: {  	_ =	shalt  }
0x4f: {  	_ =	shalt  }
0x50: {  	_ =	shalt  }
0x51: {  	_ =	shalt  }
0x52: {  	_ =	shalt  }
0x53: {  	_ =	shalt  }
0x54: {  	_ =	shalt  }
0x55: {  	_ =	shalt  }
0x56: {  	_ =	shalt  }
0x57: {  	_ =	shalt  }
0x58: {  	_ =	shalt  }
0x59: {  	_ =	shalt  }
0x5a: {  	_ =	shalt  }
0x5b: {  	_ =	shalt  }
0x5c: {  	_ =	shalt  }
0x5d: {  	_ =	shalt  }
0x5e: {  	_ =	shalt  }
0x5f: {  	_ =	shalt  }
0x60: {  	_ =	shalt  }
0x61: {  	_ =	shalt  }
0x62: {  	_ =	shalt  }
0x63: {  	_ =	shalt  }
0x64: {  	_ =	shalt  }
0x65: {  	_ =	shalt  }
0x66: {  	_ =	shalt  }
0x67: {  	_ =	shalt  }
0x68: {  	_ =	shalt  }
0x69: {  	_ =	shalt  }
0x6a: {  	_ =	shalt  }
0x6b: {  	_ =	shalt  }
0x6c: {  	_ =	shalt  }
0x6d: {  	_ =	shalt  }
0x6e: {  	_ =	shalt  }
0x6f: {  	_ =	shalt  }
0x70: {  	_ =	shalt  }
0x71: {  	_ =	shalt  }
0x72: {  	_ =	shalt  }
0x73: {  	_ =	shalt  }
0x74: {  	_ =	shalt  }
0x75: {  	_ =	shalt  }
0x76: {  	_ =	shalt  }
0x77: {  	_ =	shalt  }
0x78: {  	_ =	shalt  }
0x79: {  	_ =	shalt  }
0x7a: {  	_ =	shalt  }
0x7b: {  	_ =	shalt  }
0x7c: {  	_ =	shalt  }
0x7d: {  	_ =	shalt  }
0x7e: {  	_ =	shalt  }
0x7f: {  	_ =	shalt  }
0x80: {  	_ =	shalt  }
0x81: {  	_ =	shalt  }
0x82: {  	_ =	shalt  }
0x83: {  	_ =	shalt  }
0x84: {  	_ =	shalt  }
0x85: {  	_ =	shalt  }
0x86: {  	_ =	shalt  }
0x87: {  	_ =	shalt  }
.Lfunc_end0:
.L_simem_size_0:
called_computation_lowered:
.L_overlay_start_0:
0x88: {  	s2 =	sld [smem:$0x3FD9]  }
0x89: {  	s3 =	sld [smem:$0x3FFE];
	_ =	sdelay $0x1  }
0x8a: {  	s1 =	srdreg.scid  }
0x8b: {  	s0 =	sand.u32 $0x1, s1  }
0x8c: {  	s16 =	sshll.u32 s0, $0xA;
	s2 =	sadd.s32 s3, s2  }
0x8d: {  	s2 =	sadd.s32 s2, s16  }
0x8e: {  	[smem:$0x3FC2] =	sst s2  }
0x8f: {  	_ = 	snop  }
0x90: {  	(tm) =	ssettm $0x1  }
0x91: {  	s17 =	sld [smem:$0x3FFB];
	_ =	sdelay $0x3  }
0x92: {  	_ =	strace s17  }
0x93: {  	s2 =	sld [smem:$0x3FFC];
	_ =	sdelay $0x3  }
0x94: {  	_ =	strace s2  }
0x95: {  	s2 =	sld [smem:$0x3FFD];
	_ =	sdelay $0x3  }
0x96: {  	_ =	strace s2  }
0x97: {  	_ =	strace $0x8FFFFFFF  }
0x98: {  	s18 =	sld [smem:$0x3FDB];
	_ =	sdelay $0x1  }
0x99: {  	s19 =	simm.s32 $_scs_section_size  }
0x9a: {  	s4 =	simm.s32 $_size__tile_overlayer_lowered;
	s5 =	simm.s32 $_tile_overlayer_lowered  }
0x9b: {  	s22 =	simm.s32 $0x1BFF;
	s21 =	sshll.u32 s5, $0x1;
	s2 =	sadd.s32 s19, s18  }
0x9c: {  	s6 =	simm.s32 $0x0;
	s20 =	sshll.u32 s4, $0x1;
	s4 =	sadd.s32 s21, s2  }
0x9d: {  	[timem:s6], [sflag:s22] =	dma.local [hbm:s4], s20  }
0x9e: {  	_ =	swait.ge [sflag:s22], s20  }
0x9f: {  	s3 =	ssub.s32 $0x0, s20;
	[sflag:s22] =	ssyncset.done $0x0  }
0xa0: {  	[sflag:s22] =	ssyncadd.s32 s3;
	_ =	sdelay $0x1  }
0xa1: {  	s23 =	simm.s32 $0x1B8B  }
0xa2: {  	_ =	swait.ge [sflag:s23], $0x1  }
0xa3: {  	[sflag:s23] =	ssyncset.done $0x0  }
0xa4: {  	s25 =	simm.s32 $0x1B8E;
	s24 =	sld [smem:$0x3FFE];
	[sflag:s23] =	ssyncadd.s32 $0xFFFFFFFF  }
0xa5: {  	s26 =	simm.s32 $execute0_lowered;
	[smem:$0x3FD2] =	sst s25  }
0xa6: {  	s4 =	sshll.u32 s26, $0x1;
	_ =	strace $0x80000046;
	[dreg:$0x1] =	wrdreg $0xFFFFFFFF  }
0xa7: {  	s28 =	simm.s32 $_size_execute0_lowered;
	s2 =	sadd.s32 s2, s4;
	[dreg:$0x0] =	wrdreg $0x0  }
0xa8: {  	s4 =	sshll.u32 s28, $0x1;
	[dreg:$0x2] =	wrdreg s2  }
0xa9: {  	[dreg:$0x3] =	wrdreg s4  }
0xaa: {  	[dreg:$0x4] =	wrdreg $0xC0  }
0xab: {  	_ =	task [dreg:s6], $0x5FFFF  }
0xac: {  	[dreg:$0x1] =	wrdreg $0xFFFFFFFF  }
0xad: {  	[dreg:$0x0] =	wrdreg $0x60  }
0xae: {  	[dreg:$0x2] =	wrdreg s24  }
0xaf: {  	[dreg:$0x3] =	wrdreg $0x7A000  }
0xb0: {  	[dreg:$0x4] =	wrdreg $0x9  }
0xb1: {  	_ =	task.clear_ibuf [dreg:s6], $0x5FFFF;
	_ =	strace $0x90000046  }
0xb2: {  	s29 =	simm.s32 $0x9;
	_ =	strace $0x80000048  }
0xb3: {  	_ =	swait.ge [sflag:s29], $0x1  }
0xb4: {  	[sflag:s29] =	ssyncadd.s32 $0xFFFFFFFF  }
0xb5: {  	_ =	strace $0x90000048  }
0xb6: {  	_ =	sfence  }
0xb7: {  	s30 =	sld [smem:$0x0];
	_ =	sdelay $0x2  }
0xb8: {  	s31 =	sshll.u32 s1, $0xD;
	s1 =	sshrl.u32 s1, $0x2  }
0xb9: {  	s3 =	sand.u32 $0x4000, s31;
	s1 =	sadd.s32 s1, s30  }
0xba: {  	s0 =	sor.u32 s3, s0;
	s1 =	sshll.u32 s1, $0x11  }
0xbb: {  	s0 =	sor.u32 s1, s0  }
0xbc: {  	s0 =	sadd.s32 $0x8F2B, s0  }
0xbd: {  	[sflag:s0] =	ssyncadd.remote.s32 $0x1  }
0xbe: {  	_ =	sfence.sel $0xFFFF  }
0xbf: {  	[dreg:$0x0] =	wrdreg $0xFFFFFFFF;
	(pc) =	sbr.abs _section_cstart, $3  }
0xc0: {  	[dreg:$0x1] =	wrdreg $0xFFFFFFFF  }
0xc1: {  	_ =	task.clear_ibuf [dreg:s6], $0x2FFFF;
	_ =	strace $0x9FFFFFFF  }
0xc2: {  	(tm) =	ssettm $0x7FFFFFFF  }
0xc3: {  	_ =	shalt  }
tec
execute0_lowered:
.L_overlay_start_1:
0x0: {  	(tag) =	ssettag $0x1  }
0x1: {  	s0 =	srdreg.scid;
	s1 =	rddreg [dreg:$0x0]  }
0x2: {  	s6 =	stileid.u32;
	s5 =	rddreg [dreg:$0x1];
	s4 =	simm.s32 $0x0  }
0x3: {  	s23 =	simm.s32 $0x80;
	s24 =	simm.s32 $0x100;
	s28 =	simm.s32 $0x7780  }
0x4: {  	s29 =	simm.s32 $0x0;
	s0 =	sand.u32 $0x1, s0;
	s25 =	smul.u32 $0x500, s6  }
0x5: {  	s3 =	sshll.u32 s6, $0x7;
	[smem:$0x7FF] =	sst s4;
	s30 =	smul.u32 $0xA000, s6  }
0x6: {  	s2 =	sshll.u32 s0, $0x4;
	s3 =	sand.u32 $0x380, s3;
	_ =	strace $0x80000047  }
0x7: {  	s26 =	sshll.u32 s0, $0x7;
	s0 =	ssub.s32 $0x2, s0;
	s2 =	sor.u32 s6, s2  }
0x8: {  	s6 =	smul.u32 $0xA00, s6;
	s31 =	sshrl.u32 s0, $0x1;
	s2 =	sshrl.u32 s2, $0x3  }
0x9: {  	s4 =	sshrl.u32 s30, $0x2;
	s0 =	ssub.s32 s0, s31;
	s2 =	smul.u32 $0x13C00, s2  }
0xa: {  	s4 =	sadd.s32 s4, s5;
	s6 =	sshrl.u32 s6, $0x2;
	s22 =	smax.u32 s0, $0x1  }
0xb: {  	s5 =	sadd.s32 s6, s5;
	s2 =	sor.u32 s3, s2;
	s3 =	sor.u32 s26, s25  }
0xc: {  	s6 =	sadd.s32 $0x2800, s5;
	s7 =	sadd.s32 $0x5000, s5;
	s8 =	sadd.s32 $0x7800, s5  }
0xd: {  	s9 =	sadd.s32 $0xA000, s5;
	s10 =	sadd.s32 $0xC800, s5;
	s11 =	sadd.s32 $0xF000, s5  }
0xe: {  	s12 =	sadd.s32 $0x11800, s5;
	s13 =	sadd.s32 $0x14000, s5;
	s14 =	sadd.s32 $0x16800, s5  }
0xf: {  	s15 =	sadd.s32 $0x19000, s5;
	s16 =	sadd.s32 $0x1B800, s5;
	s17 =	sadd.s32 $0x1E000, s5  }
0x10: {  	s18 =	sadd.s32 $0x20800, s5;
	s19 =	sadd.s32 $0x23000, s5;
	s20 =	sadd.s32 $0x25800, s5  }
0x11: {  	s25 =	simm.s32 $0x1;
	s2 =	sshrl.u32 s2, $0x3;
	s3 =	sshrl.u32 s3, $0x3  }
0x12: {  	s26 =	simm.s32 $0x2780;
	s2 =	sadd.s32 s2, s1;
	s1 =	sadd.s32 s3, s1  }
0x13: {  	v0 =	vimm.f32 $0.0e+00;
	v1 =	vimm.f32 $1.000000000e+00;
	s3 =	sadd.s32 $0x2600, s2;
	s21 =	sadd.s32 $0xC400, s1;
	s2 =	simm.s32 $0x7500  }
.LBB2_1:
0x14: {  	s0 =	simm.s32 $0x0;
	s1 =	simm.s32 $0x400  }
0x15: {  	[tilespmem:s0], [sflag:$0x1] =	stream.strided.gather [hbm4b:s3+s23], $0x2780, s1, s23, $0x38;
	[tilespmem:$0xA200] =	vst v63  }
0x16: {  	_ =	swait.ge [sflag:s25], $0x2780  }
0x17: {  	[sflag:s25] =	ssyncset.done $0x0  }
0x18: {  	s0 =	simm.s32 $0x0;
	[sflag:s25] =	ssyncadd.s32 $0xFFFFD880  }
.LBB2_2:
0x19: {  	p0 =	sne.s32 s0, $0x9FC0  }
.Ltmp0:
0x1a: {  	_ = 	snop;
	(pc) =	sbr.rel @p0 .LBB2_2-.Ltmp0, $3  }
0x1b: {  	_ =	sdelay $0x1  }
0x1c: {  	s1 =	sshra.s32 s0, $0x2  }
0x1d: {  	s0 =	sadd.s32 $0x40, s0;
	[tilespmem:s1+$0x2780] =	vst v0  }
0x1e: {  	s1 =	simm.s32 $0x0;
	s0 =	simm.s32 $0x40  }
.LBB2_4:
0x1f: {  	p0 =	sne.s32 s0, $0x9C00;
	v2 =	vld [tilespmem:s1+$0x0];
	_ =	sdelay $0x3  }
.Ltmp1:
0x20: {  	(pc) =	sbr.rel @p0 .LBB2_4-.Ltmp1, $2  }
0x21: {  	_ =	sdelay $0x2  }
0x22: {  	s1 =	sshra.s32 s0, $0x2;
	s0 =	sadd.s32 $0x40, s0;
	[tilespmem:v2+s26+$0x0] =	vst.idx.add.f32.msk $0xffff, v1  }
0x23: {  	v2 =	vld [tilespmem:s1+$0x0];
	_ =	sdelay $0x7  }
0x24: {  	[tilespmem:v2+s26+$0x0] =	vst.idx.add.f32.msk $0xffff, v1  }
0x25: {  	[spmem:s4] =	stream.linear.scatter [tilespmem:s26], [sflag:$0x1], $0x2800, $0x38;
	[tilespmem:$0xA200] =	vst v63  }
0x26: {  	_ =	swait.ge [sflag:s25], $0x2800  }
0x27: {  	[sflag:s25] =	ssyncset.done $0x0  }
0x28: {  	[sflag:s25] =	ssyncadd.s32 $0xFFFFD800  }
0x29: {  	s0 =	simm.s32 $0x4F80;
	[bflag:$0x0] =	sbarrier.arrive $0xFFFF  }
0x2a: {  	[tilespmem:s0], [sflag:$0x1] =	stream.linear.gather [spmem:s5], $0x280, $0x38;
	[tilespmem:$0xA200] =	vst v63  }
0x2b: {  	_ =	swait.ge [sflag:s25], $0x280  }
0x2c: {  	[sflag:s25] =	ssyncset.done $0x0  }
0x2d: {  	s1 =	simm.s32 $0x5200;
	[sflag:s25] =	ssyncadd.s32 $0xFFFFFD80  }
0x2e: {  	[tilespmem:s1], [sflag:$0x1] =	stream.linear.gather [spmem:s6], $0x280, $0x38;
	[tilespmem:$0xA200] =	vst v63  }
0x2f: {  	_ =	swait.ge [sflag:s25], $0x280  }
0x30: {  	[sflag:s25] =	ssyncset.done $0x0  }
0x31: {  	s1 =	simm.s32 $0x5480;
	[sflag:s25] =	ssyncadd.s32 $0xFFFFFD80  }
0x32: {  	[tilespmem:s1], [sflag:$0x1] =	stream.linear.gather [spmem:s7], $0x280, $0x38;
	[tilespmem:$0xA200] =	vst v63  }
0x33: {  	_ =	swait.ge [sflag:s25], $0x280  }
0x34: {  	[sflag:s25] =	ssyncset.done $0x0  }
0x35: {  	s1 =	simm.s32 $0x5700;
	[sflag:s25] =	ssyncadd.s32 $0xFFFFFD80  }
0x36: {  	[tilespmem:s1], [sflag:$0x1] =	stream.linear.gather [spmem:s8], $0x280, $0x38;
	[tilespmem:$0xA200] =	vst v63  }
0x37: {  	_ =	swait.ge [sflag:s25], $0x280  }
0x38: {  	[sflag:s25] =	ssyncset.done $0x0  }
0x39: {  	s1 =	simm.s32 $0x5980;
	[sflag:s25] =	ssyncadd.s32 $0xFFFFFD80  }
0x3a: {  	[tilespmem:s1], [sflag:$0x1] =	stream.linear.gather [spmem:s9], $0x280, $0x38;
	[tilespmem:$0xA200] =	vst v63  }
0x3b: {  	_ =	swait.ge [sflag:s25], $0x280  }
0x3c: {  	[sflag:s25] =	ssyncset.done $0x0  }
0x3d: {  	s1 =	simm.s32 $0x5C00;
	[sflag:s25] =	ssyncadd.s32 $0xFFFFFD80  }
0x3e: {  	[tilespmem:s1], [sflag:$0x1] =	stream.linear.gather [spmem:s10], $0x280, $0x38;
	[tilespmem:$0xA200] =	vst v63  }
0x3f: {  	_ =	swait.ge [sflag:s25], $0x280  }
0x40: {  	[sflag:s25] =	ssyncset.done $0x0  }
0x41: {  	s1 =	simm.s32 $0x5E80;
	[sflag:s25] =	ssyncadd.s32 $0xFFFFFD80  }
0x42: {  	[tilespmem:s1], [sflag:$0x1] =	stream.linear.gather [spmem:s11], $0x280, $0x38;
	[tilespmem:$0xA200] =	vst v63  }
0x43: {  	_ =	swait.ge [sflag:s25], $0x280  }
0x44: {  	[sflag:s25] =	ssyncset.done $0x0  }
0x45: {  	s1 =	simm.s32 $0x6100;
	[sflag:s25] =	ssyncadd.s32 $0xFFFFFD80  }
0x46: {  	[tilespmem:s1], [sflag:$0x1] =	stream.linear.gather [spmem:s12], $0x280, $0x38;
	[tilespmem:$0xA200] =	vst v63  }
0x47: {  	_ =	swait.ge [sflag:s25], $0x280  }
0x48: {  	[sflag:s25] =	ssyncset.done $0x0  }
0x49: {  	s1 =	simm.s32 $0x6380;
	[sflag:s25] =	ssyncadd.s32 $0xFFFFFD80  }
0x4a: {  	[tilespmem:s1], [sflag:$0x1] =	stream.linear.gather [spmem:s13], $0x280, $0x38;
	[tilespmem:$0xA200] =	vst v63  }
0x4b: {  	_ =	swait.ge [sflag:s25], $0x280  }
0x4c: {  	[sflag:s25] =	ssyncset.done $0x0  }
0x4d: {  	s1 =	simm.s32 $0x6600;
	[sflag:s25] =	ssyncadd.s32 $0xFFFFFD80  }
0x4e: {  	[tilespmem:s1], [sflag:$0x1] =	stream.linear.gather [spmem:s14], $0x280, $0x38;
	[tilespmem:$0xA200] =	vst v63  }
0x4f: {  	_ =	swait.ge [sflag:s25], $0x280  }
0x50: {  	[sflag:s25] =	ssyncset.done $0x0  }
0x51: {  	s1 =	simm.s32 $0x6880;
	[sflag:s25] =	ssyncadd.s32 $0xFFFFFD80  }
0x52: {  	[tilespmem:s1], [sflag:$0x1] =	stream.linear.gather [spmem:s15], $0x280, $0x38;
	[tilespmem:$0xA200] =	vst v63  }
0x53: {  	_ =	swait.ge [sflag:s25], $0x280  }
0x54: {  	[sflag:s25] =	ssyncset.done $0x0  }
0x55: {  	s1 =	simm.s32 $0x6B00;
	[sflag:s25] =	ssyncadd.s32 $0xFFFFFD80  }
0x56: {  	[tilespmem:s1], [sflag:$0x1] =	stream.linear.gather [spmem:s16], $0x280, $0x38;
	[tilespmem:$0xA200] =	vst v63  }
0x57: {  	_ =	swait.ge [sflag:s25], $0x280  }
0x58: {  	[sflag:s25] =	ssyncset.done $0x0  }
0x59: {  	s1 =	simm.s32 $0x6D80;
	[sflag:s25] =	ssyncadd.s32 $0xFFFFFD80  }
0x5a: {  	[tilespmem:s1], [sflag:$0x1] =	stream.linear.gather [spmem:s17], $0x280, $0x38;
	[tilespmem:$0xA200] =	vst v63  }
0x5b: {  	_ =	swait.ge [sflag:s25], $0x280  }
0x5c: {  	[sflag:s25] =	ssyncset.done $0x0  }
0x5d: {  	s1 =	simm.s32 $0x7000;
	[sflag:s25] =	ssyncadd.s32 $0xFFFFFD80  }
0x5e: {  	[tilespmem:s1], [sflag:$0x1] =	stream.linear.gather [spmem:s18], $0x280, $0x38;
	[tilespmem:$0xA200] =	vst v63  }
0x5f: {  	_ =	swait.ge [sflag:s25], $0x280  }
0x60: {  	[sflag:s25] =	ssyncset.done $0x0  }
0x61: {  	s1 =	simm.s32 $0x7280;
	[sflag:s25] =	ssyncadd.s32 $0xFFFFFD80  }
0x62: {  	[tilespmem:s1], [sflag:$0x1] =	stream.linear.gather [spmem:s19], $0x280, $0x38;
	[tilespmem:$0xA200] =	vst v63  }
0x63: {  	_ =	swait.ge [sflag:s25], $0x280  }
0x64: {  	[sflag:s25] =	ssyncset.done $0x0  }
0x65: {  	[sflag:s25] =	ssyncadd.s32 $0xFFFFFD80  }
0x66: {  	[tilespmem:s2], [sflag:$0x1] =	stream.linear.gather [spmem:s20], $0x280, $0x38;
	[tilespmem:$0xA200] =	vst v63  }
0x67: {  	_ =	swait.ge [sflag:s25], $0x280  }
0x68: {  	s1 =	simm.s32 $0x0;
	[sflag:s25] =	ssyncset.done $0x0  }
0x69: {  	s1 =	sand.u32 $0x3F0, s1;
	[sflag:s25] =	ssyncadd.s32 $0xFFFFFD80  }
0x6a: {  	v2 =	vld [tilespmem:s1+$0x5200]  }
0x6b: {  	v3 =	vld [tilespmem:s0+$0x0];
	_ =	sdelay $0x1  }
0x6c: {  	v4 =	vld [tilespmem:s1+$0x5480];
	_ =	sdelay $0x1  }
0x6d: {  	v5 =	vld [tilespmem:s1+$0x5700]  }
0x6e: {  	v2 =	vadd.f32 v2, v3  }
0x6f: {  	v3 =	vld [tilespmem:s1+$0x5980]  }
0x70: {  	v2 =	vadd.f32 v4, v2  }
0x71: {  	v56 =	vld [tilespmem:s1+$0x5C00]  }
0x72: {  	v2 =	vadd.f32 v5, v2  }
0x73: {  	v57 =	vld [tilespmem:s1+$0x5E80]  }
0x74: {  	v2 =	vadd.f32 v3, v2  }
0x75: {  	v3 =	vld [tilespmem:s1+$0x6100]  }
0x76: {  	v2 =	vadd.f32 v56, v2  }
0x77: {  	v58 =	vld [tilespmem:s1+$0x6380]  }
0x78: {  	v2 =	vadd.f32 v57, v2  }
0x79: {  	v59 =	vld [tilespmem:s1+$0x6600]  }
0x7a: {  	v2 =	vadd.f32 v3, v2  }
0x7b: {  	v3 =	vld [tilespmem:s1+$0x6880]  }
0x7c: {  	v2 =	vadd.f32 v58, v2  }
0x7d: {  	v60 =	vld [tilespmem:s1+$0x6B00]  }
0x7e: {  	v2 =	vadd.f32 v59, v2  }
0x7f: {  	v61 =	vld [tilespmem:s1+$0x6D80]  }
0x80: {  	v2 =	vadd.f32 v3, v2  }
0x81: {  	v3 =	vld [tilespmem:s1+$0x7000]  }
0x82: {  	v2 =	vadd.f32 v60, v2  }
0x83: {  	v62 =	vld [tilespmem:s1+$0x7280]  }
0x84: {  	v2 =	vadd.f32 v61, v2  }
0x85: {  	v63 =	vld [tilespmem:s1+$0x7500]  }
0x86: {  	v2 =	vadd.f32 v3, v2;
	_ =	sdelay $0x1  }
0x87: {  	v2 =	vadd.f32 v62, v2;
	_ =	sdelay $0x1  }
0x88: {  	v2 =	vadd.f32 v63, v2  }
0x89: {  	s30 =	simm.s32 $0x7780;
	s1 =	simm.s32 $0x10  }
0x8a: {  	s31 =	sand.u32 $0x3F0, s1;
	[tilespmem:s30+$0x0] =	vst v2  }
0x8b: {  	s0 =	simm.s32 $0x20;
	s1 =	simm.s32 $0x4F90;
	v2 =	vld [tilespmem:s31+$0x5200]  }
.LBB2_6:
0x8c: {  	p0 =	sne.s32 s0, $0x270;
	v3 =	vld [tilespmem:s1+$0x0];
	_ =	sdelay $0x1  }
0x8d: {  	v4 =	vld [tilespmem:s31+$0x5480];
	_ =	sdelay $0x1  }
0x8e: {  	v5 =	vld [tilespmem:s31+$0x5700]  }
0x8f: {  	v2 =	vadd.f32 v2, v3  }
0x90: {  	v3 =	vld [tilespmem:s31+$0x5980]  }
0x91: {  	v2 =	vadd.f32 v4, v2  }
0x92: {  	v4 =	vld [tilespmem:s31+$0x5C00]  }
0x93: {  	v2 =	vadd.f32 v5, v2  }
0x94: {  	v5 =	vld [tilespmem:s31+$0x5E80]  }
0x95: {  	v2 =	vadd.f32 v3, v2  }
0x96: {  	v3 =	vld [tilespmem:s31+$0x6100]  }
0x97: {  	v2 =	vadd.f32 v4, v2  }
0x98: {  	v4 =	vld [tilespmem:s31+$0x6380]  }
0x99: {  	v2 =	vadd.f32 v5, v2  }
0x9a: {  	v5 =	vld [tilespmem:s31+$0x6600]  }
0x9b: {  	v2 =	vadd.f32 v3, v2  }
0x9c: {  	v3 =	vld [tilespmem:s31+$0x6880]  }
0x9d: {  	v2 =	vadd.f32 v4, v2  }
0x9e: {  	v4 =	vld [tilespmem:s31+$0x6B00]  }
0x9f: {  	v2 =	vadd.f32 v5, v2  }
0xa0: {  	v5 =	vld [tilespmem:s31+$0x6D80]  }
0xa1: {  	v2 =	vadd.f32 v3, v2  }
0xa2: {  	v3 =	vld [tilespmem:s31+$0x7000]  }
0xa3: {  	v2 =	vadd.f32 v4, v2  }
0xa4: {  	v4 =	vld [tilespmem:s31+$0x7280]  }
0xa5: {  	v2 =	vadd.f32 v5, v2  }
0xa6: {  	v5 =	vld [tilespmem:s31+$0x7500]  }
0xa7: {  	v2 =	vadd.f32 v3, v2;
	_ =	sdelay $0x1  }
0xa8: {  	v2 =	vadd.f32 v4, v2  }
.Ltmp2:
0xa9: {  	(pc) =	sbr.rel @p0 .LBB2_6-.Ltmp2, $4  }
0xaa: {  	v2 =	vadd.f32 v5, v2  }
0xab: {  	s30 =	sadd.s32 $0x10, s30  }
0xac: {  	s31 =	sand.u32 $0x3F0, s0;
	[tilespmem:s30+$0x0] =	vst v2  }
0xad: {  	s1 =	sadd.s32 $0x10, s1;
	s0 =	sadd.s32 $0x10, s0;
	v2 =	vld [tilespmem:s31+$0x5200]  }
0xae: {  	v3 =	vld [tilespmem:s1+$0x0];
	_ =	sdelay $0x1  }
0xaf: {  	v4 =	vld [tilespmem:s31+$0x5480];
	_ =	sdelay $0x1  }
0xb0: {  	v5 =	vld [tilespmem:s31+$0x5700]  }
0xb1: {  	v2 =	vadd.f32 v2, v3  }
0xb2: {  	v3 =	vld [tilespmem:s31+$0x5980]  }
0xb3: {  	v2 =	vadd.f32 v4, v2  }
0xb4: {  	v56 =	vld [tilespmem:s31+$0x5C00]  }
0xb5: {  	v2 =	vadd.f32 v5, v2  }
0xb6: {  	v57 =	vld [tilespmem:s31+$0x5E80]  }
0xb7: {  	v2 =	vadd.f32 v3, v2  }
0xb8: {  	v3 =	vld [tilespmem:s31+$0x6100]  }
0xb9: {  	v2 =	vadd.f32 v56, v2  }
0xba: {  	v58 =	vld [tilespmem:s31+$0x6380]  }
0xbb: {  	v2 =	vadd.f32 v57, v2  }
0xbc: {  	v59 =	vld [tilespmem:s31+$0x6600]  }
0xbd: {  	v2 =	vadd.f32 v3, v2  }
0xbe: {  	v3 =	vld [tilespmem:s31+$0x6880]  }
0xbf: {  	v2 =	vadd.f32 v58, v2  }
0xc0: {  	v60 =	vld [tilespmem:s31+$0x6B00]  }
0xc1: {  	v2 =	vadd.f32 v59, v2  }
0xc2: {  	v61 =	vld [tilespmem:s31+$0x6D80]  }
0xc3: {  	v2 =	vadd.f32 v3, v2  }
0xc4: {  	v3 =	vld [tilespmem:s31+$0x7000]  }
0xc5: {  	v2 =	vadd.f32 v60, v2  }
0xc6: {  	v62 =	vld [tilespmem:s31+$0x7280]  }
0xc7: {  	v2 =	vadd.f32 v61, v2  }
0xc8: {  	v63 =	vld [tilespmem:s31+$0x7500]  }
0xc9: {  	v2 =	vadd.f32 v3, v2;
	_ =	sdelay $0x1  }
0xca: {  	v2 =	vadd.f32 v62, v2;
	_ =	sdelay $0x1  }
0xcb: {  	s29 =	sadd.s32 $0x1, s29;
	v2 =	vadd.f32 v63, v2  }
0xcc: {  	s0 =	sadd.s32 $0x10, s30;
	p0 =	sne.s32 s29, s22  }
.Ltmp3:
0xcd: {  	[tilespmem:s0+$0x0] =	vst v2;
	(pc) =	sbr.rel @p0 .LBB2_1-.Ltmp3, $4  }
0xce: {  	[hbm4b:s21+s23] =	stream.strided.scatter [tilespmem:s28], [sflag:$0x1], $0x280, s24, s23, $0x38;
	[tilespmem:$0xA200] =	vst v63  }
0xcf: {  	_ =	swait.ge [sflag:s25], $0x280  }
0xd0: {  	[sflag:s25] =	ssyncset.done $0x0  }
0xd1: {  	[sflag:s25] =	ssyncadd.s32 $0xFFFFFD80  }
0xd2: {  	_ =	sfence.sel $0x180000  }
0xd3: {  	[bflag:$0x0] =	sbarrier.arrive $0xFFFF  }
0xd4: {  	_ =	strace $0x90000047  }
0xd5: {  	s0 =	stileid.u32;
	[bflag:$0x2] =	sbarrier.arrive $0xFFFF  }
0xd6: {  	p0 =	sne.s32 s0, $0x0;
	s0 =	rddreg [dreg:$0x2]  }
0xd7: {  	s0 =	sadd.s32 @!p0 $0x100000, s0  }
0xd8: {  	[sflag:s0] =	ssyncadd.tile.s32 @!p0 $0x1;
	_ =	shalt  }
.Lfunc_end2:
_tile_overlayer_lowered:
.L_overlay_start_2:
0xd9: {  	(tag) =	ssettag $0x2  }
0xda: {  	s0 =	rddreg [dreg:$0x0];
	s2 =	stileid.u32  }
0xdb: {  	s1 =	rddreg [dreg:$0x1];
	p0 =	sne.s32 s2, $0x0  }
0xdc: {  	s3 =	rddreg [dreg:$0x2];
	[bflag:$0x3] =	sbarrier.arrive $0xFFFF;
	s2 =	simm.s32 @!p0 $0x1C01  }
0xdd: {  	[timem:s3], [sflag:s2] =	dma.local @!p0 [hbm:s0], s1  }
0xde: {  	s0 =	simm.s32 @!p0 $0x1  }
0xdf: {  	_ =	swait.ge @!p0 [sflag:s0], s1  }
0xe0: {  	s1 =	ssub.s32 @!p0 $0x0, s1;
	[sflag:s0] =	ssyncset.done @!p0 $0x0  }
0xe1: {  	[sflag:s0] =	ssyncadd.s32 @!p0 s1  }
0xe2: {  	[bflag:$0x3] =	sbarrier.arrive $0xFFFF  }
0xe3: {  	_ =	shalt  }

</sc_bundles>
